<compile_context>
chip_gen: v7x
topology: tpu7x:2x2x1
jax: 0.10.2.dev20260603
libtpu: 0.0.44.dev20260713+nightly
codegen_flags: <defaults>
</compile_context>

<pallas_src>
import jax
import jax.numpy as jnp
from jax import lax
from jax.experimental import pallas as pl
from jax.experimental.pallas import tpu as pltpu
from jax.experimental.pallas import tpu_sc as plsc

_B = 2
_C = 64
_HW = 1024
_S = 512
_NC = 2
_NS = 16
_TOK_PER_W = (_B * _HW) // (_NC * _NS)


def _topk_body(z_ref, emb_ref, i12_ref):
    z = z_ref[...]
    emb = emb_ref[...]
    en = jnp.sum(emb * emb, axis=1, keepdims=True)
    out1, out2 = [], []
    for b in range(_B):
        zb = z[b]
        xe = lax.dot_general(emb, zb, (((1,), (0,)), ((), ())),
                             precision=lax.Precision.HIGHEST,
                             preferred_element_type=jnp.float32)
        scores = en - 2.0 * xe
        iota = lax.broadcasted_iota(jnp.int32, scores.shape, 0)
        m1 = jnp.min(scores, axis=0, keepdims=True)
        r = scores - m1
        key = (lax.bitcast_convert_type(r, jnp.int32) &
               jnp.int32(~(_S - 1))) | iota
        k1 = jnp.min(key, axis=0, keepdims=True)
        i1 = k1 & (_S - 1)
        masked = jnp.where(key == k1, jnp.int32(0x7FFFFFFF), key)
        k2 = jnp.min(masked, axis=0, keepdims=True)
        i2 = k2 & (_S - 1)
        out1.append(i1)
        out2.append(i2)
    i12_ref[...] = jnp.concatenate(out1 + out2, axis=0)


def _sc_body(emb_hbm, z_hbm, i12_hbm, q_hbm, st_hbm, io_hbm,
             x_v, r1_v, r2_v, g1_v, g2_v, ds1_v, ds2_v, q_v, st_v,
             i1_v, i2_v, io_v, sem1, sem2, sem3):
    cid = lax.axis_index("c")
    sid = lax.axis_index("s")
    wid = sid * _NC + cid
    b = wid // _NS
    hwb = (wid % _NS) * _TOK_PER_W
    tsl = pl.ds(hwb, _TOK_PER_W)

    pltpu.sync_copy(i12_hbm.at[b, tsl], i1_v)
    pltpu.sync_copy(i12_hbm.at[b + _B, tsl], i2_v)
    cx = pltpu.async_copy(z_hbm.at[b, :, tsl], x_v, sem3)

    zeros16 = jnp.zeros((16,), jnp.int32)
    iota16 = lax.broadcasted_iota(jnp.int32, (16,), 0)
    ngroups = _TOK_PER_W // 16
    idx_vecs = [(i1_v[pl.ds(g * 16, 16)], i2_v[pl.ds(g * 16, 16)])
                for g in range(ngroups)]

    def fire(g):
        sl16 = pl.ds(g * 16, 16)
        i1g, i2g = idx_vecs[g]
        h1 = pltpu.async_copy(emb_hbm.at[i1g], r1_v.at[sl16, :],
                              sem1.at[g % 2])
        h2 = pltpu.async_copy(emb_hbm.at[i2g], r2_v.at[sl16, :],
                              sem2.at[g % 2])
        return h1, h2

    pend = fire(0)
    cx.wait()
    for g in range(ngroups):
        sl = pl.ds(g * 16, 16)
        i1, i2 = idx_vecs[g]
        tok = iota16 + g * 16
        pend[0].wait()
        pend[1].wait()
        if g + 1 < ngroups:
            pend = fire(g + 1)

        @plsc.parallel_loop(0, _C, unroll=4)
        def cbody(c, tok=tok, sl=sl):
            col = zeros16 + c
            e1c = plsc.load_gather(r1_v, [tok, col])
            e2c = plsc.load_gather(r2_v, [tok, col])
            xc = x_v[c, sl]
            g1_v[c, sl] = e1c
            g2_v[c, sl] = e2c
            t1 = xc - e1c
            t2 = xc - e2c
            ds1_v[c, :] = t1 * t1
            ds2_v[c, :] = t2 * t2

        for stride in (32, 16, 8, 4, 2, 1):
            def tbody(i, carry, s=stride):
                ds1_v[i, :] = ds1_v[i, :] + ds1_v[i + s, :]
                ds2_v[i, :] = ds2_v[i, :] + ds2_v[i + s, :]
                return carry

            lax.fori_loop(0, stride, tbody, 0)

        d1 = ds1_v[0, :]
        d2 = ds2_v[0, :]
        take1 = (d1 < d2) | ((d1 == d2) & (i1 < i2))
        io_v[sl] = jnp.where(take1, i1, i2)

        @plsc.parallel_loop(0, _C, unroll=4)
        def qbody(c, take1=take1, sl=sl):
            xc = x_v[c, sl]
            qc = jnp.where(take1, g1_v[c, sl], g2_v[c, sl])
            q_v[c, sl] = qc
            st_v[c, sl] = xc + (qc - xc)

    o1 = pltpu.async_copy(q_v, q_hbm.at[b, :, tsl], sem1.at[0])
    o2 = pltpu.async_copy(st_v, st_hbm.at[b, :, tsl], sem2.at[0])
    o3 = pltpu.async_copy(io_v, io_hbm.at[b, tsl], sem3)
    o1.wait()
    o2.wait()
    o3.wait()


_SC_SCRATCH = [
    pltpu.VMEM((_C, _TOK_PER_W), jnp.float32),
    pltpu.VMEM((_TOK_PER_W, _C), jnp.float32),
    pltpu.VMEM((_TOK_PER_W, _C), jnp.float32),
    pltpu.VMEM((_C, _TOK_PER_W), jnp.float32),
    pltpu.VMEM((_C, _TOK_PER_W), jnp.float32),
    pltpu.VMEM((_C, 16), jnp.float32),
    pltpu.VMEM((_C, 16), jnp.float32),
    pltpu.VMEM((_C, _TOK_PER_W), jnp.float32),
    pltpu.VMEM((_C, _TOK_PER_W), jnp.float32),
    pltpu.VMEM((_TOK_PER_W,), jnp.int32),
    pltpu.VMEM((_TOK_PER_W,), jnp.int32),
    pltpu.VMEM((_TOK_PER_W,), jnp.int32),
    pltpu.SemaphoreType.DMA((2,)),
    pltpu.SemaphoreType.DMA((2,)),
    pltpu.SemaphoreType.DMA,
]

_sc_quantize = pl.kernel(
    _sc_body,
    out_type=[
        jax.ShapeDtypeStruct((_B, _C, _HW), jnp.float32),
        jax.ShapeDtypeStruct((_B, _C, _HW), jnp.float32),
        jax.ShapeDtypeStruct((_B, _HW), jnp.int32),
    ],
    mesh=plsc.VectorSubcoreMesh(core_axis_name="c", subcore_axis_name="s"),
    scratch_types=_SC_SCRATCH,
    compiler_params=pltpu.CompilerParams(use_tc_tiling_on_sc=False,
                                         needs_layout_passes=False),
)


def kernel(z, embeddings):
    b, c, h, w = z.shape
    z3 = z.reshape(b, c, h * w)
    i12 = pl.pallas_call(
        _topk_body,
        out_shape=jax.ShapeDtypeStruct((2 * _B, _HW), jnp.int32),
    )(z3, embeddings)
    q, st, io = _sc_quantize(embeddings, z3, i12)
    quantized = q.reshape(b, c, h, w)
    st_out = st.reshape(b, c, h, w)
    encoding_indices = io.reshape(b, h, w)
    return (quantized, st_out, encoding_indices)

# --- scband reference (transcript-rebuilt; emitter-appended) ---
"""Pipeline reference for scband-quantize-13056700579871 (READ-ONLY COPY).

The authoritative reference and input builder live on the scoring server;
editing this copy changes nothing except your own understanding.
"""

import jax, jax.numpy as jnp
import numpy as np

SIZE = 512
CODE_DIM = 64

def setup_inputs(seed: int = 0) -> dict:
    key = jax.random.key(seed)
    k1, k2 = jax.random.split(key)
    z = jax.random.normal(k1, (2, 64, 32, 32), dtype=jnp.float32)
    embeddings = jax.random.normal(k2, (SIZE, CODE_DIM), dtype=jnp.float32)
    return {"z": z, "embeddings": embeddings}

def reference(z, embeddings):
    b, c, h, w = z.shape
    size, code_dim = embeddings.shape
    # flatten to [b*h*w, code_dim] (channels-last like the torch permute)
    flat_inputs = jnp.transpose(z, (0, 2, 3, 1)).reshape(-1, code_dim)
    # pairwise squared L2 distances, materialized like the torch repeat/view
    diffs = flat_inputs[:, None, :] - embeddings[None, :, :]
    distances = jnp.sum(diffs ** 2, axis=-1)  # [N, size]
    encoding_indices = jnp.argmin(distances, axis=-1)  # [N]
    encoding_indices = encoding_indices.reshape(b, h, w)
    # embedding gather (SparseCore-friendly)
    quantized = jnp.take(embeddings, encoding_indices, axis=0)  # [b,h,w,code_dim]
    quantized = jnp.transpose(quantized, (0, 3, 1, 2))  # [b,c,h,w]
    # straight-through estimator output
    st = z + jax.lax.stop_gradient(quantized - z)
    return (quantized, st, encoding_indices)

if __name__ == "__main__":
    import jax
    _d = setup_inputs()
    print(jax.jit(kernel)(*tuple(_d.values())))

</pallas_src>

<mosaic_0001>
#map = affine_map<(d0, d1) -> (0, 0)>
#map1 = affine_map<(d0, d1) -> (0, 0, 0)>
module attributes {stable_mosaic.version = 14 : i64} {
  func.func @_sc_body(%arg0: i32, %arg1: i32, %arg2: memref<512x64xf32, #tpu.memory_space<hbm>>, %arg3: memref<2x64x1024xf32, #tpu.memory_space<hbm>>, %arg4: memref<4x1024xi32, #tpu.memory_space<hbm>>, %arg5: memref<2x64x1024xf32, #tpu.memory_space<hbm>>, %arg6: memref<2x64x1024xf32, #tpu.memory_space<hbm>>, %arg7: memref<2x1024xi32, #tpu.memory_space<hbm>>, %arg8: memref<64x64xf32, #tpu.memory_space<vmem>>, %arg9: memref<64x64xf32, #tpu.memory_space<vmem>>, %arg10: memref<64x64xf32, #tpu.memory_space<vmem>>, %arg11: memref<64x64xf32, #tpu.memory_space<vmem>>, %arg12: memref<64x64xf32, #tpu.memory_space<vmem>>, %arg13: memref<64x16xf32, #tpu.memory_space<vmem>>, %arg14: memref<64x16xf32, #tpu.memory_space<vmem>>, %arg15: memref<64x64xf32, #tpu.memory_space<vmem>>, %arg16: memref<64x64xf32, #tpu.memory_space<vmem>>, %arg17: memref<64xi32, #tpu.memory_space<vmem>>, %arg18: memref<64xi32, #tpu.memory_space<vmem>>, %arg19: memref<64xi32, #tpu.memory_space<vmem>>, %arg20: memref<2x!tpu.dma_semaphore, #tpu.memory_space<semaphore_mem>>, %arg21: memref<2x!tpu.dma_semaphore, #tpu.memory_space<semaphore_mem>>, %arg22: memref<!tpu.dma_semaphore, #tpu.memory_space<semaphore_mem>>) attributes {dimension_semantics = [#tpu.dimension_semantics<core_parallel>, #tpu.dimension_semantics<subcore_parallel>], iteration_bounds = array<i64: 2, 16>, scalar_prefetch = 0 : i64, scratch_operands = 15 : i64, tpu.core_type = #tpu.core_type<sc_vector_subcore>, window_params = [{transform_indices = #map}, {transform_indices = #map1}, {transform_indices = #map}, {transform_indices = #map1}, {transform_indices = #map1}, {transform_indices = #map}]} {
    %mul3A = arith.constant 2 : i32
    %mul3A_0 = arith.muli %arg1, %mul3A : i32
    %add3A = arith.addi %mul3A_0, %arg0 : i32
    %jit3A = arith.constant 16 : i32
    %div3A = arith.divsi %add3A, %jit3A : i32
    %sign3A = arith.constant 0 : i32
    %sign3A_1 = arith.cmpi sgt, %add3A, %sign3A : i32
    %sign3A_2 = arith.extui %sign3A_1 : i1 to i32
    %sign3A_3 = arith.constant 0 : i32
    %sign3A_4 = arith.cmpi slt, %add3A, %sign3A_3 : i32
    %sign3A_5 = arith.extui %sign3A_4 : i1 to i32
    %sign3A_6 = arith.subi %sign3A_2, %sign3A_5 : i32
    %sign3A_7 = arith.constant 0 : i32
    %sign3A_8 = arith.cmpi sgt, %jit3A, %sign3A_7 : i32
    %sign3A_9 = arith.extui %sign3A_8 : i1 to i32
    %sign3A_10 = arith.constant 0 : i32
    %sign3A_11 = arith.cmpi slt, %jit3A, %sign3A_10 : i32
    %sign3A_12 = arith.extui %sign3A_11 : i1 to i32
    %sign3A_13 = arith.subi %sign3A_9, %sign3A_12 : i32
    %ne3A = arith.cmpi ne, %sign3A_6, %sign3A_13 : i32
    %rem3A = arith.remsi %add3A, %jit3A : i32
    %ne3A_14 = arith.constant 0 : i32
    %ne3A_15 = arith.cmpi ne, %rem3A, %ne3A_14 : i32
    %and3A = arith.andi %ne3A, %ne3A_15 : i1
    %sub3A = arith.constant 1 : i32
    %sub3A_16 = arith.subi %div3A, %sub3A : i32
    %select_n3A = arith.select %and3A, %sub3A_16, %div3A : i32
    %jit3A_17 = arith.constant 16 : i32
    %eq3A = arith.constant 0 : i32
    %eq3A_18 = arith.cmpi eq, %jit3A_17, %eq3A : i32
    %jit3A_19 = arith.constant 1 : i32
    %select_n3A_20 = arith.select %eq3A_18, %jit3A_19, %jit3A_17 : i32
    %rem3A_21 = arith.remsi %add3A, %select_n3A_20 : i32
    %ne3A_22 = arith.constant 0 : i32
    %ne3A_23 = arith.cmpi ne, %rem3A_21, %ne3A_22 : i32
    %lt3A = arith.constant 0 : i32
    %lt3A_24 = arith.cmpi slt, %rem3A_21, %lt3A : i32
    %lt3A_25 = arith.constant 0 : i32
    %lt3A_26 = arith.cmpi slt, %select_n3A_20, %lt3A_25 : i32
    %ne3A_27 = arith.xori %lt3A_24, %lt3A_26 : i1
    %and3A_28 = arith.andi %ne3A_27, %ne3A_23 : i1
    %add3A_29 = arith.addi %rem3A_21, %select_n3A_20 : i32
    %select_n3A_30 = arith.select %and3A_28, %add3A_29, %rem3A_21 : i32
    %mul3A_31 = arith.constant 64 : i32
    %mul3A_32 = arith.muli %select_n3A_30, %mul3A_31 : i32
    "tpu.region"() ({
      %run_scoped3A = tpu.sem_alloc : memref<!tpu.dma_semaphore, #tpu.memory_space<semaphore_mem>>
      %dma_start3A_573 = tpu.memref_slice %arg4[%select_n3A, %mul3A_32] : memref<4x1024xi32, #tpu.memory_space<hbm>> -> memref<1x64xi32, #tpu.memory_space<hbm>>
      %dma_start3A_574 = tpu.memref_squeeze %dma_start3A_573 : memref<1x64xi32, #tpu.memory_space<hbm>> -> memref<64xi32, #tpu.memory_space<hbm>>
      %dma_start3A_575 = tpu.memref_slice %arg4[%select_n3A, %mul3A_32] : memref<4x1024xi32, #tpu.memory_space<hbm>> -> memref<1x64xi32, #tpu.memory_space<hbm>>
      %dma_start3A_576 = tpu.memref_squeeze %dma_start3A_575 : memref<1x64xi32, #tpu.memory_space<hbm>> -> memref<64xi32, #tpu.memory_space<hbm>>
      tpu.enqueue_dma source(%dma_start3A_576 : memref<64xi32, #tpu.memory_space<hbm>>) target(%arg17 : memref<64xi32, #tpu.memory_space<vmem>>) target_semaphore(%run_scoped3A : memref<!tpu.dma_semaphore, #tpu.memory_space<semaphore_mem>>)
      %dma_wait3A_577 = tpu.memref_slice %arg4[%select_n3A, %mul3A_32] : memref<4x1024xi32, #tpu.memory_space<hbm>> -> memref<1x64xi32, #tpu.memory_space<hbm>>
      %dma_wait3A_578 = tpu.memref_squeeze %dma_wait3A_577 : memref<1x64xi32, #tpu.memory_space<hbm>> -> memref<64xi32, #tpu.memory_space<hbm>>
      %dma_wait3A_579 = tpu.memref_slice %arg4[%select_n3A, %mul3A_32] : memref<4x1024xi32, #tpu.memory_space<hbm>> -> memref<1x64xi32, #tpu.memory_space<hbm>>
      %dma_wait3A_580 = tpu.memref_squeeze %dma_wait3A_579 : memref<1x64xi32, #tpu.memory_space<hbm>> -> memref<64xi32, #tpu.memory_space<hbm>>
      tpu.wait_dma2 semaphore(%run_scoped3A : memref<!tpu.dma_semaphore, #tpu.memory_space<semaphore_mem>>) src(%dma_wait3A_580 : memref<64xi32, #tpu.memory_space<hbm>>) dst(%arg17 : memref<64xi32, #tpu.memory_space<vmem>>)
      tpu.yield
    }) : () -> ()
    %add3A_33 = arith.constant 2 : i32
    %add3A_34 = arith.addi %select_n3A, %add3A_33 : i32
    "tpu.region"() ({
      %run_scoped3A = tpu.sem_alloc : memref<!tpu.dma_semaphore, #tpu.memory_space<semaphore_mem>>
      %dma_start3A_573 = tpu.memref_slice %arg4[%add3A_34, %mul3A_32] : memref<4x1024xi32, #tpu.memory_space<hbm>> -> memref<1x64xi32, #tpu.memory_space<hbm>>
      %dma_start3A_574 = tpu.memref_squeeze %dma_start3A_573 : memref<1x64xi32, #tpu.memory_space<hbm>> -> memref<64xi32, #tpu.memory_space<hbm>>
      %dma_start3A_575 = tpu.memref_slice %arg4[%add3A_34, %mul3A_32] : memref<4x1024xi32, #tpu.memory_space<hbm>> -> memref<1x64xi32, #tpu.memory_space<hbm>>
      %dma_start3A_576 = tpu.memref_squeeze %dma_start3A_575 : memref<1x64xi32, #tpu.memory_space<hbm>> -> memref<64xi32, #tpu.memory_space<hbm>>
      tpu.enqueue_dma source(%dma_start3A_576 : memref<64xi32, #tpu.memory_space<hbm>>) target(%arg18 : memref<64xi32, #tpu.memory_space<vmem>>) target_semaphore(%run_scoped3A : memref<!tpu.dma_semaphore, #tpu.memory_space<semaphore_mem>>)
      %dma_wait3A_577 = tpu.memref_slice %arg4[%add3A_34, %mul3A_32] : memref<4x1024xi32, #tpu.memory_space<hbm>> -> memref<1x64xi32, #tpu.memory_space<hbm>>
      %dma_wait3A_578 = tpu.memref_squeeze %dma_wait3A_577 : memref<1x64xi32, #tpu.memory_space<hbm>> -> memref<64xi32, #tpu.memory_space<hbm>>
      %dma_wait3A_579 = tpu.memref_slice %arg4[%add3A_34, %mul3A_32] : memref<4x1024xi32, #tpu.memory_space<hbm>> -> memref<1x64xi32, #tpu.memory_space<hbm>>
      %dma_wait3A_580 = tpu.memref_squeeze %dma_wait3A_579 : memref<1x64xi32, #tpu.memory_space<hbm>> -> memref<64xi32, #tpu.memory_space<hbm>>
      tpu.wait_dma2 semaphore(%run_scoped3A : memref<!tpu.dma_semaphore, #tpu.memory_space<semaphore_mem>>) src(%dma_wait3A_580 : memref<64xi32, #tpu.memory_space<hbm>>) dst(%arg18 : memref<64xi32, #tpu.memory_space<vmem>>)
      tpu.yield
    }) : () -> ()
    %dma_start3A = arith.constant 0 : i32
    %dma_start3A_35 = tpu.memref_slice %arg3[%select_n3A, %dma_start3A, %mul3A_32] : memref<2x64x1024xf32, #tpu.memory_space<hbm>> -> memref<1x64x64xf32, #tpu.memory_space<hbm>>
    %dma_start3A_36 = tpu.memref_squeeze %dma_start3A_35 : memref<1x64x64xf32, #tpu.memory_space<hbm>> -> memref<64x64xf32, #tpu.memory_space<hbm>>
    %dma_start3A_37 = arith.constant 0 : i32
    %dma_start3A_38 = tpu.memref_slice %arg3[%select_n3A, %dma_start3A_37, %mul3A_32] : memref<2x64x1024xf32, #tpu.memory_space<hbm>> -> memref<1x64x64xf32, #tpu.memory_space<hbm>>
    %dma_start3A_39 = tpu.memref_squeeze %dma_start3A_38 : memref<1x64x64xf32, #tpu.memory_space<hbm>> -> memref<64x64xf32, #tpu.memory_space<hbm>>
    tpu.enqueue_dma source(%dma_start3A_39 : memref<64x64xf32, #tpu.memory_space<hbm>>) target(%arg8 : memref<64x64xf32, #tpu.memory_space<vmem>>) target_semaphore(%arg22 : memref<!tpu.dma_semaphore, #tpu.memory_space<semaphore_mem>>)
    %broadcast_in_dim3A = arith.constant 0 : i32
    %broadcast_in_dim3A_40 = vector.broadcast %broadcast_in_dim3A : i32 to vector<16xi32>
    %iota3A = tpu.iota {dimensions = array<i32: 0>} : vector<16xi32>
    %get3A = arith.constant 0 : index
    %get3A_41 = tpu.vector_load %arg17[%get3A] {strides = array<i32>} : memref<64xi32, #tpu.memory_space<vmem>>, vector<16xi32>,
    %get3A_42 = arith.constant 0 : index
    %get3A_43 = tpu.vector_load %arg18[%get3A_42] {strides = array<i32>} : memref<64xi32, #tpu.memory_space<vmem>>, vector<16xi32>,
    %get3A_44 = arith.constant 16 : index
    %get3A_45 = tpu.vector_load %arg17[%get3A_44] {strides = array<i32>} : memref<64xi32, #tpu.memory_space<vmem>>, vector<16xi32>,
    %get3A_46 = arith.constant 16 : index
    %get3A_47 = tpu.vector_load %arg18[%get3A_46] {strides = array<i32>} : memref<64xi32, #tpu.memory_space<vmem>>, vector<16xi32>,
    %get3A_48 = arith.constant 32 : index
    %get3A_49 = tpu.vector_load %arg17[%get3A_48] {strides = array<i32>} : memref<64xi32, #tpu.memory_space<vmem>>, vector<16xi32>,
    %get3A_50 = arith.constant 32 : index
    %get3A_51 = tpu.vector_load %arg18[%get3A_50] {strides = array<i32>} : memref<64xi32, #tpu.memory_space<vmem>>, vector<16xi32>,
    %get3A_52 = arith.constant 48 : index
    %get3A_53 = tpu.vector_load %arg17[%get3A_52] {strides = array<i32>} : memref<64xi32, #tpu.memory_space<vmem>>, vector<16xi32>,
    %get3A_54 = arith.constant 48 : index
    %get3A_55 = tpu.vector_load %arg18[%get3A_54] {strides = array<i32>} : memref<64xi32, #tpu.memory_space<vmem>>, vector<16xi32>,
    %dma_start3A_56 = arith.constant 0 : i32
    %dma_start3A_57 = arith.constant 0 : i32
    %dma_start3A_58 = arith.constant 0 : i32
    %dma_start3A_59 = tpu.memref_slice %arg9[%dma_start3A_57, %dma_start3A_58] : memref<64x64xf32, #tpu.memory_space<vmem>> -> memref<16x64xf32, #tpu.memory_space<vmem>>
    %dma_start3A_60 = arith.constant 0 : i32
    %dma_start3A_61 = arith.constant 0 : i32
    %dma_start3A_62 = tpu.memref_slice %arg2[%dma_start3A_60, %dma_start3A_61] : memref<512x64xf32, #tpu.memory_space<hbm>> -> memref<512x64xf32, #tpu.memory_space<hbm>>
    %dma_start3A_63 = tpu.memref_slice %arg20[%dma_start3A_56] : memref<2x!tpu.dma_semaphore, #tpu.memory_space<semaphore_mem>> -> memref<1x!tpu.dma_semaphore, #tpu.memory_space<semaphore_mem>>
    %dma_start3A_64 = tpu.memref_squeeze %dma_start3A_63 : memref<1x!tpu.dma_semaphore, #tpu.memory_space<semaphore_mem>> -> memref<!tpu.dma_semaphore, #tpu.memory_space<semaphore_mem>>
    tpu.enqueue_indirect_dma source(%dma_start3A_62 : memref<512x64xf32, #tpu.memory_space<hbm>>) target(%dma_start3A_59 : memref<16x64xf32, #tpu.memory_space<vmem>>) offsets(%get3A_41 : vector<16xi32>) semaphore(%dma_start3A_64 : memref<!tpu.dma_semaphore, #tpu.memory_space<semaphore_mem>>)
    %dma_start3A_65 = arith.constant 0 : i32
    %dma_start3A_66 = arith.constant 0 : i32
    %dma_start3A_67 = arith.constant 0 : i32
    %dma_start3A_68 = tpu.memref_slice %arg10[%dma_start3A_66, %dma_start3A_67] : memref<64x64xf32, #tpu.memory_space<vmem>> -> memref<16x64xf32, #tpu.memory_space<vmem>>
    %dma_start3A_69 = arith.constant 0 : i32
    %dma_start3A_70 = arith.constant 0 : i32
    %dma_start3A_71 = tpu.memref_slice %arg2[%dma_start3A_69, %dma_start3A_70] : memref<512x64xf32, #tpu.memory_space<hbm>> -> memref<512x64xf32, #tpu.memory_space<hbm>>
    %dma_start3A_72 = tpu.memref_slice %arg21[%dma_start3A_65] : memref<2x!tpu.dma_semaphore, #tpu.memory_space<semaphore_mem>> -> memref<1x!tpu.dma_semaphore, #tpu.memory_space<semaphore_mem>>
    %dma_start3A_73 = tpu.memref_squeeze %dma_start3A_72 : memref<1x!tpu.dma_semaphore, #tpu.memory_space<semaphore_mem>> -> memref<!tpu.dma_semaphore, #tpu.memory_space<semaphore_mem>>
    tpu.enqueue_indirect_dma source(%dma_start3A_71 : memref<512x64xf32, #tpu.memory_space<hbm>>) target(%dma_start3A_68 : memref<16x64xf32, #tpu.memory_space<vmem>>) offsets(%get3A_43 : vector<16xi32>) semaphore(%dma_start3A_73 : memref<!tpu.dma_semaphore, #tpu.memory_space<semaphore_mem>>)
    %dma_wait3A = arith.constant 0 : i32
    %dma_wait3A_74 = tpu.memref_slice %arg3[%select_n3A, %dma_wait3A, %mul3A_32] : memref<2x64x1024xf32, #tpu.memory_space<hbm>> -> memref<1x64x64xf32, #tpu.memory_space<hbm>>
    %dma_wait3A_75 = tpu.memref_squeeze %dma_wait3A_74 : memref<1x64x64xf32, #tpu.memory_space<hbm>> -> memref<64x64xf32, #tpu.memory_space<hbm>>
    %dma_wait3A_76 = arith.constant 0 : i32
    %dma_wait3A_77 = tpu.memref_slice %arg3[%select_n3A, %dma_wait3A_76, %mul3A_32] : memref<2x64x1024xf32, #tpu.memory_space<hbm>> -> memref<1x64x64xf32, #tpu.memory_space<hbm>>
    %dma_wait3A_78 = tpu.memref_squeeze %dma_wait3A_77 : memref<1x64x64xf32, #tpu.memory_space<hbm>> -> memref<64x64xf32, #tpu.memory_space<hbm>>
    tpu.wait_dma2 semaphore(%arg22 : memref<!tpu.dma_semaphore, #tpu.memory_space<semaphore_mem>>) src(%dma_wait3A_78 : memref<64x64xf32, #tpu.memory_space<hbm>>) dst(%arg8 : memref<64x64xf32, #tpu.memory_space<vmem>>)
    %add3A_79 = arith.constant 0 : i32
    %add3A_80 = vector.broadcast %add3A_79 : i32 to vector<16xi32>
    %add3A_81 = arith.addi %iota3A, %add3A_80 : vector<16xi32>
    %dma_wait3A_82 = arith.constant 0 : i32
    %dma_wait3A_83 = arith.constant 0 : i32
    %dma_wait3A_84 = arith.constant 0 : i32
    %dma_wait3A_85 = tpu.memref_slice %arg9[%dma_wait3A_83, %dma_wait3A_84] : memref<64x64xf32, #tpu.memory_space<vmem>> -> memref<16x64xf32, #tpu.memory_space<vmem>>
    %dma_wait3A_86 = arith.constant 0 : i32
    %dma_wait3A_87 = arith.constant 0 : i32
    %dma_wait3A_88 = tpu.memref_slice %arg2[%dma_wait3A_86, %dma_wait3A_87] : memref<512x64xf32, #tpu.memory_space<hbm>> -> memref<512x64xf32, #tpu.memory_space<hbm>>
    %dma_wait3A_89 = tpu.memref_slice %arg20[%dma_wait3A_82] : memref<2x!tpu.dma_semaphore, #tpu.memory_space<semaphore_mem>> -> memref<1x!tpu.dma_semaphore, #tpu.memory_space<semaphore_mem>>
    %dma_wait3A_90 = tpu.memref_squeeze %dma_wait3A_89 : memref<1x!tpu.dma_semaphore, #tpu.memory_space<semaphore_mem>> -> memref<!tpu.dma_semaphore, #tpu.memory_space<semaphore_mem>>
    tpu.wait_indirect_dma semaphore(%dma_wait3A_90 : memref<!tpu.dma_semaphore, #tpu.memory_space<semaphore_mem>>) src(%dma_wait3A_88 : memref<512x64xf32, #tpu.memory_space<hbm>>) dst(%dma_wait3A_85 : memref<16x64xf32, #tpu.memory_space<vmem>>)
    %dma_wait3A_91 = arith.constant 0 : i32
    %dma_wait3A_92 = arith.constant 0 : i32
    %dma_wait3A_93 = arith.constant 0 : i32
    %dma_wait3A_94 = tpu.memref_slice %arg10[%dma_wait3A_92, %dma_wait3A_93] : memref<64x64xf32, #tpu.memory_space<vmem>> -> memref<16x64xf32, #tpu.memory_space<vmem>>
    %dma_wait3A_95 = arith.constant 0 : i32
    %dma_wait3A_96 = arith.constant 0 : i32
    %dma_wait3A_97 = tpu.memref_slice %arg2[%dma_wait3A_95, %dma_wait3A_96] : memref<512x64xf32, #tpu.memory_space<hbm>> -> memref<512x64xf32, #tpu.memory_space<hbm>>
    %dma_wait3A_98 = tpu.memref_slice %arg21[%dma_wait3A_91] : memref<2x!tpu.dma_semaphore, #tpu.memory_space<semaphore_mem>> -> memref<1x!tpu.dma_semaphore, #tpu.memory_space<semaphore_mem>>
    %dma_wait3A_99 = tpu.memref_squeeze %dma_wait3A_98 : memref<1x!tpu.dma_semaphore, #tpu.memory_space<semaphore_mem>> -> memref<!tpu.dma_semaphore, #tpu.memory_space<semaphore_mem>>
    tpu.wait_indirect_dma semaphore(%dma_wait3A_99 : memref<!tpu.dma_semaphore, #tpu.memory_space<semaphore_mem>>) src(%dma_wait3A_97 : memref<512x64xf32, #tpu.memory_space<hbm>>) dst(%dma_wait3A_94 : memref<16x64xf32, #tpu.memory_space<vmem>>)
    %dma_start3A_100 = arith.constant 1 : i32
    %dma_start3A_101 = arith.constant 16 : i32
    %dma_start3A_102 = arith.constant 0 : i32
    %dma_start3A_103 = tpu.memref_slice %arg9[%dma_start3A_101, %dma_start3A_102] : memref<64x64xf32, #tpu.memory_space<vmem>> -> memref<16x64xf32, #tpu.memory_space<vmem>>
    %dma_start3A_104 = arith.constant 0 : i32
    %dma_start3A_105 = arith.constant 0 : i32
    %dma_start3A_106 = tpu.memref_slice %arg2[%dma_start3A_104, %dma_start3A_105] : memref<512x64xf32, #tpu.memory_space<hbm>> -> memref<512x64xf32, #tpu.memory_space<hbm>>
    %dma_start3A_107 = tpu.memref_slice %arg20[%dma_start3A_100] : memref<2x!tpu.dma_semaphore, #tpu.memory_space<semaphore_mem>> -> memref<1x!tpu.dma_semaphore, #tpu.memory_space<semaphore_mem>>
    %dma_start3A_108 = tpu.memref_squeeze %dma_start3A_107 : memref<1x!tpu.dma_semaphore, #tpu.memory_space<semaphore_mem>> -> memref<!tpu.dma_semaphore, #tpu.memory_space<semaphore_mem>>
    tpu.enqueue_indirect_dma source(%dma_start3A_106 : memref<512x64xf32, #tpu.memory_space<hbm>>) target(%dma_start3A_103 : memref<16x64xf32, #tpu.memory_space<vmem>>) offsets(%get3A_45 : vector<16xi32>) semaphore(%dma_start3A_108 : memref<!tpu.dma_semaphore, #tpu.memory_space<semaphore_mem>>)
    %dma_start3A_109 = arith.constant 1 : i32
    %dma_start3A_110 = arith.constant 16 : i32
    %dma_start3A_111 = arith.constant 0 : i32
    %dma_start3A_112 = tpu.memref_slice %arg10[%dma_start3A_110, %dma_start3A_111] : memref<64x64xf32, #tpu.memory_space<vmem>> -> memref<16x64xf32, #tpu.memory_space<vmem>>
    %dma_start3A_113 = arith.constant 0 : i32
    %dma_start3A_114 = arith.constant 0 : i32
    %dma_start3A_115 = tpu.memref_slice %arg2[%dma_start3A_113, %dma_start3A_114] : memref<512x64xf32, #tpu.memory_space<hbm>> -> memref<512x64xf32, #tpu.memory_space<hbm>>
    %dma_start3A_116 = tpu.memref_slice %arg21[%dma_start3A_109] : memref<2x!tpu.dma_semaphore, #tpu.memory_space<semaphore_mem>> -> memref<1x!tpu.dma_semaphore, #tpu.memory_space<semaphore_mem>>
    %dma_start3A_117 = tpu.memref_squeeze %dma_start3A_116 : memref<1x!tpu.dma_semaphore, #tpu.memory_space<semaphore_mem>> -> memref<!tpu.dma_semaphore, #tpu.memory_space<semaphore_mem>>
    tpu.enqueue_indirect_dma source(%dma_start3A_115 : memref<512x64xf32, #tpu.memory_space<hbm>>) target(%dma_start3A_112 : memref<16x64xf32, #tpu.memory_space<vmem>>) offsets(%get3A_47 : vector<16xi32>) semaphore(%dma_start3A_117 : memref<!tpu.dma_semaphore, #tpu.memory_space<semaphore_mem>>)
    %parallel_loop3A = arith.constant 0 : i32
    %parallel_loop3A_118 = arith.constant 64 : i32
    %parallel_loop3A_119 = arith.constant 1 : i32
    scf.for %parallel_loop3A_573 = %parallel_loop3A to %parallel_loop3A_118 step %parallel_loop3A_119  : i32 {
      %parallel_loop3A_574 = vector.broadcast %parallel_loop3A_573 : i32 to vector<16xi32>
      %parallel_loop3A_575 = arith.addi %broadcast_in_dim3A_40, %parallel_loop3A_574 : vector<16xi32>
      %parallel_loop3A_576 = tpu.vector_load_idx %arg9[%add3A_81, %parallel_loop3A_575] : memref<64x64xf32, #tpu.memory_space<vmem>>[vector<16xi32>, vector<16xi32>], vector<16xf32>,
      %parallel_loop3A_577 = tpu.vector_load_idx %arg10[%add3A_81, %parallel_loop3A_575] : memref<64x64xf32, #tpu.memory_space<vmem>>[vector<16xi32>, vector<16xi32>], vector<16xf32>,
      %parallel_loop3A_578 = arith.index_cast %parallel_loop3A_573 : i32 to index
      %parallel_loop3A_579 = arith.constant 0 : index
      %parallel_loop3A_580 = tpu.vector_load %arg8[%parallel_loop3A_578, %parallel_loop3A_579] {strides = array<i32>} : memref<64x64xf32, #tpu.memory_space<vmem>>, vector<16xf32>,
      %parallel_loop3A_581 = arith.index_cast %parallel_loop3A_573 : i32 to index
      %parallel_loop3A_582 = arith.constant 0 : index
      %parallel_loop3A_583 = tpu.vector_load %arg11[%parallel_loop3A_581, %parallel_loop3A_582] {strides = array<i32>} : memref<64x64xf32, #tpu.memory_space<vmem>>, vector<16xf32>,
      tpu.vector_store %arg11[%parallel_loop3A_581, %parallel_loop3A_582], %parallel_loop3A_576 {strides = array<i32>} : memref<64x64xf32, #tpu.memory_space<vmem>>, vector<16xf32>,
      %parallel_loop3A_584 = arith.index_cast %parallel_loop3A_573 : i32 to index
      %parallel_loop3A_585 = arith.constant 0 : index
      %parallel_loop3A_586 = tpu.vector_load %arg12[%parallel_loop3A_584, %parallel_loop3A_585] {strides = array<i32>} : memref<64x64xf32, #tpu.memory_space<vmem>>, vector<16xf32>,
      tpu.vector_store %arg12[%parallel_loop3A_584, %parallel_loop3A_585], %parallel_loop3A_577 {strides = array<i32>} : memref<64x64xf32, #tpu.memory_space<vmem>>, vector<16xf32>,
      %parallel_loop3A_587 = arith.subf %parallel_loop3A_580, %parallel_loop3A_576 : vector<16xf32>
      %parallel_loop3A_588 = arith.subf %parallel_loop3A_580, %parallel_loop3A_577 : vector<16xf32>
      %parallel_loop3A_589 = arith.mulf %parallel_loop3A_587, %parallel_loop3A_587 : vector<16xf32>
      %parallel_loop3A_590 = arith.index_cast %parallel_loop3A_573 : i32 to index
      %parallel_loop3A_591 = arith.constant 0 : index
      %parallel_loop3A_592 = tpu.vector_load %arg13[%parallel_loop3A_590, %parallel_loop3A_591] {strides = array<i32>} : memref<64x16xf32, #tpu.memory_space<vmem>>, vector<16xf32>,
      tpu.vector_store %arg13[%parallel_loop3A_590, %parallel_loop3A_591], %parallel_loop3A_589 {strides = array<i32>} : memref<64x16xf32, #tpu.memory_space<vmem>>, vector<16xf32>,
      %parallel_loop3A_593 = arith.mulf %parallel_loop3A_588, %parallel_loop3A_588 : vector<16xf32>
      %parallel_loop3A_594 = arith.index_cast %parallel_loop3A_573 : i32 to index
      %parallel_loop3A_595 = arith.constant 0 : index
      %parallel_loop3A_596 = tpu.vector_load %arg14[%parallel_loop3A_594, %parallel_loop3A_595] {strides = array<i32>} : memref<64x16xf32, #tpu.memory_space<vmem>>, vector<16xf32>,
      tpu.vector_store %arg14[%parallel_loop3A_594, %parallel_loop3A_595], %parallel_loop3A_593 {strides = array<i32>} : memref<64x16xf32, #tpu.memory_space<vmem>>, vector<16xf32>,
    } {sc.loop_unroll_factor = 4 : i64, sc.parallel_access}
    %scan3A = arith.constant 0 : i32
    %scan3A_120 = arith.constant 0 : i32
    %scan3A_121 = arith.constant 32 : i32
    %scan3A_122 = arith.addi %scan3A_120, %scan3A_121 : i32
    %scan3A_123 = arith.constant 1 : i32
    scf.for %scan3A_573 = %scan3A_120 to %scan3A_122 step %scan3A_123  : i32 {
      %get3A_574 = arith.index_cast %scan3A_573 : i32 to index
      %get3A_575 = arith.constant 0 : index
      %get3A_576 = tpu.vector_load %arg13[%get3A_574, %get3A_575] {strides = array<i32>} : memref<64x16xf32, #tpu.memory_space<vmem>>, vector<16xf32>,
      %add3A_577 = arith.constant 32 : i32
      %add3A_578 = arith.addi %scan3A_573, %add3A_577 : i32
      %get3A_579 = arith.index_cast %add3A_578 : i32 to index
      %get3A_580 = arith.constant 0 : index
      %get3A_581 = tpu.vector_load %arg13[%get3A_579, %get3A_580] {strides = array<i32>} : memref<64x16xf32, #tpu.memory_space<vmem>>, vector<16xf32>,
      %add3A_582 = arith.addf %get3A_576, %get3A_581 : vector<16xf32>
      %swap3A_583 = arith.index_cast %scan3A_573 : i32 to index
      %swap3A_584 = arith.constant 0 : index
      %swap3A_585 = tpu.vector_load %arg13[%swap3A_583, %swap3A_584] {strides = array<i32>} : memref<64x16xf32, #tpu.memory_space<vmem>>, vector<16xf32>,
      tpu.vector_store %arg13[%swap3A_583, %swap3A_584], %add3A_582 {strides = array<i32>} : memref<64x16xf32, #tpu.memory_space<vmem>>, vector<16xf32>,
      %get3A_586 = arith.index_cast %scan3A_573 : i32 to index
      %get3A_587 = arith.constant 0 : index
      %get3A_588 = tpu.vector_load %arg14[%get3A_586, %get3A_587] {strides = array<i32>} : memref<64x16xf32, #tpu.memory_space<vmem>>, vector<16xf32>,
      %add3A_589 = arith.constant 32 : i32
      %add3A_590 = arith.addi %scan3A_573, %add3A_589 : i32
      %get3A_591 = arith.index_cast %add3A_590 : i32 to index
      %get3A_592 = arith.constant 0 : index
      %get3A_593 = tpu.vector_load %arg14[%get3A_591, %get3A_592] {strides = array<i32>} : memref<64x16xf32, #tpu.memory_space<vmem>>, vector<16xf32>,
      %add3A_594 = arith.addf %get3A_588, %get3A_593 : vector<16xf32>
      %swap3A_595 = arith.index_cast %scan3A_573 : i32 to index
      %swap3A_596 = arith.constant 0 : index
      %swap3A_597 = tpu.vector_load %arg14[%swap3A_595, %swap3A_596] {strides = array<i32>} : memref<64x16xf32, #tpu.memory_space<vmem>>, vector<16xf32>,
      tpu.vector_store %arg14[%swap3A_595, %swap3A_596], %add3A_594 {strides = array<i32>} : memref<64x16xf32, #tpu.memory_space<vmem>>, vector<16xf32>,
    }
    %scan3A_124 = arith.constant 32 : i32
    %scan3A_125 = arith.constant 0 : i32
    %scan3A_126 = arith.constant 0 : i32
    %scan3A_127 = arith.constant 16 : i32
    %scan3A_128 = arith.addi %scan3A_126, %scan3A_127 : i32
    %scan3A_129 = arith.constant 1 : i32
    scf.for %scan3A_573 = %scan3A_126 to %scan3A_128 step %scan3A_129  : i32 {
      %get3A_574 = arith.index_cast %scan3A_573 : i32 to index
      %get3A_575 = arith.constant 0 : index
      %get3A_576 = tpu.vector_load %arg13[%get3A_574, %get3A_575] {strides = array<i32>} : memref<64x16xf32, #tpu.memory_space<vmem>>, vector<16xf32>,
      %add3A_577 = arith.constant 16 : i32
      %add3A_578 = arith.addi %scan3A_573, %add3A_577 : i32
      %get3A_579 = arith.index_cast %add3A_578 : i32 to index
      %get3A_580 = arith.constant 0 : index
      %get3A_581 = tpu.vector_load %arg13[%get3A_579, %get3A_580] {strides = array<i32>} : memref<64x16xf32, #tpu.memory_space<vmem>>, vector<16xf32>,
      %add3A_582 = arith.addf %get3A_576, %get3A_581 : vector<16xf32>
      %swap3A_583 = arith.index_cast %scan3A_573 : i32 to index
      %swap3A_584 = arith.constant 0 : index
      %swap3A_585 = tpu.vector_load %arg13[%swap3A_583, %swap3A_584] {strides = array<i32>} : memref<64x16xf32, #tpu.memory_space<vmem>>, vector<16xf32>,
      tpu.vector_store %arg13[%swap3A_583, %swap3A_584], %add3A_582 {strides = array<i32>} : memref<64x16xf32, #tpu.memory_space<vmem>>, vector<16xf32>,
      %get3A_586 = arith.index_cast %scan3A_573 : i32 to index
      %get3A_587 = arith.constant 0 : index
      %get3A_588 = tpu.vector_load %arg14[%get3A_586, %get3A_587] {strides = array<i32>} : memref<64x16xf32, #tpu.memory_space<vmem>>, vector<16xf32>,
      %add3A_589 = arith.constant 16 : i32
      %add3A_590 = arith.addi %scan3A_573, %add3A_589 : i32
      %get3A_591 = arith.index_cast %add3A_590 : i32 to index
      %get3A_592 = arith.constant 0 : index
      %get3A_593 = tpu.vector_load %arg14[%get3A_591, %get3A_592] {strides = array<i32>} : memref<64x16xf32, #tpu.memory_space<vmem>>, vector<16xf32>,
      %add3A_594 = arith.addf %get3A_588, %get3A_593 : vector<16xf32>
      %swap3A_595 = arith.index_cast %scan3A_573 : i32 to index
      %swap3A_596 = arith.constant 0 : index
      %swap3A_597 = tpu.vector_load %arg14[%swap3A_595, %swap3A_596] {strides = array<i32>} : memref<64x16xf32, #tpu.memory_space<vmem>>, vector<16xf32>,
      tpu.vector_store %arg14[%swap3A_595, %swap3A_596], %add3A_594 {strides = array<i32>} : memref<64x16xf32, #tpu.memory_space<vmem>>, vector<16xf32>,
    }
    %scan3A_130 = arith.constant 16 : i32
    %scan3A_131 = arith.constant 0 : i32
    %scan3A_132 = arith.constant 0 : i32
    %scan3A_133 = arith.constant 8 : i32
    %scan3A_134 = arith.addi %scan3A_132, %scan3A_133 : i32
    %scan3A_135 = arith.constant 1 : i32
    scf.for %scan3A_573 = %scan3A_132 to %scan3A_134 step %scan3A_135  : i32 {
      %get3A_574 = arith.index_cast %scan3A_573 : i32 to index
      %get3A_575 = arith.constant 0 : index
      %get3A_576 = tpu.vector_load %arg13[%get3A_574, %get3A_575] {strides = array<i32>} : memref<64x16xf32, #tpu.memory_space<vmem>>, vector<16xf32>,
      %add3A_577 = arith.constant 8 : i32
      %add3A_578 = arith.addi %scan3A_573, %add3A_577 : i32
      %get3A_579 = arith.index_cast %add3A_578 : i32 to index
      %get3A_580 = arith.constant 0 : index
      %get3A_581 = tpu.vector_load %arg13[%get3A_579, %get3A_580] {strides = array<i32>} : memref<64x16xf32, #tpu.memory_space<vmem>>, vector<16xf32>,
      %add3A_582 = arith.addf %get3A_576, %get3A_581 : vector<16xf32>
      %swap3A_583 = arith.index_cast %scan3A_573 : i32 to index
      %swap3A_584 = arith.constant 0 : index
      %swap3A_585 = tpu.vector_load %arg13[%swap3A_583, %swap3A_584] {strides = array<i32>} : memref<64x16xf32, #tpu.memory_space<vmem>>, vector<16xf32>,
      tpu.vector_store %arg13[%swap3A_583, %swap3A_584], %add3A_582 {strides = array<i32>} : memref<64x16xf32, #tpu.memory_space<vmem>>, vector<16xf32>,
      %get3A_586 = arith.index_cast %scan3A_573 : i32 to index
      %get3A_587 = arith.constant 0 : index
      %get3A_588 = tpu.vector_load %arg14[%get3A_586, %get3A_587] {strides = array<i32>} : memref<64x16xf32, #tpu.memory_space<vmem>>, vector<16xf32>,
      %add3A_589 = arith.constant 8 : i32
      %add3A_590 = arith.addi %scan3A_573, %add3A_589 : i32
      %get3A_591 = arith.index_cast %add3A_590 : i32 to index
      %get3A_592 = arith.constant 0 : index
      %get3A_593 = tpu.vector_load %arg14[%get3A_591, %get3A_592] {strides = array<i32>} : memref<64x16xf32, #tpu.memory_space<vmem>>, vector<16xf32>,
      %add3A_594 = arith.addf %get3A_588, %get3A_593 : vector<16xf32>
      %swap3A_595 = arith.index_cast %scan3A_573 : i32 to index
      %swap3A_596 = arith.constant 0 : index
      %swap3A_597 = tpu.vector_load %arg14[%swap3A_595, %swap3A_596] {strides = array<i32>} : memref<64x16xf32, #tpu.memory_space<vmem>>, vector<16xf32>,
      tpu.vector_store %arg14[%swap3A_595, %swap3A_596], %add3A_594 {strides = array<i32>} : memref<64x16xf32, #tpu.memory_space<vmem>>, vector<16xf32>,
    }
    %scan3A_136 = arith.constant 8 : i32
    %scan3A_137 = arith.constant 0 : i32
    %scan3A_138 = arith.constant 0 : i32
    %scan3A_139 = arith.constant 4 : i32
    %scan3A_140 = arith.addi %scan3A_138, %scan3A_139 : i32
    %scan3A_141 = arith.constant 1 : i32
    scf.for %scan3A_573 = %scan3A_138 to %scan3A_140 step %scan3A_141  : i32 {
      %get3A_574 = arith.index_cast %scan3A_573 : i32 to index
      %get3A_575 = arith.constant 0 : index
      %get3A_576 = tpu.vector_load %arg13[%get3A_574, %get3A_575] {strides = array<i32>} : memref<64x16xf32, #tpu.memory_space<vmem>>, vector<16xf32>,
      %add3A_577 = arith.constant 4 : i32
      %add3A_578 = arith.addi %scan3A_573, %add3A_577 : i32
      %get3A_579 = arith.index_cast %add3A_578 : i32 to index
      %get3A_580 = arith.constant 0 : index
      %get3A_581 = tpu.vector_load %arg13[%get3A_579, %get3A_580] {strides = array<i32>} : memref<64x16xf32, #tpu.memory_space<vmem>>, vector<16xf32>,
      %add3A_582 = arith.addf %get3A_576, %get3A_581 : vector<16xf32>
      %swap3A_583 = arith.index_cast %scan3A_573 : i32 to index
      %swap3A_584 = arith.constant 0 : index
      %swap3A_585 = tpu.vector_load %arg13[%swap3A_583, %swap3A_584] {strides = array<i32>} : memref<64x16xf32, #tpu.memory_space<vmem>>, vector<16xf32>,
      tpu.vector_store %arg13[%swap3A_583, %swap3A_584], %add3A_582 {strides = array<i32>} : memref<64x16xf32, #tpu.memory_space<vmem>>, vector<16xf32>,
      %get3A_586 = arith.index_cast %scan3A_573 : i32 to index
      %get3A_587 = arith.constant 0 : index
      %get3A_588 = tpu.vector_load %arg14[%get3A_586, %get3A_587] {strides = array<i32>} : memref<64x16xf32, #tpu.memory_space<vmem>>, vector<16xf32>,
      %add3A_589 = arith.constant 4 : i32
      %add3A_590 = arith.addi %scan3A_573, %add3A_589 : i32
      %get3A_591 = arith.index_cast %add3A_590 : i32 to index
      %get3A_592 = arith.constant 0 : index
      %get3A_593 = tpu.vector_load %arg14[%get3A_591, %get3A_592] {strides = array<i32>} : memref<64x16xf32, #tpu.memory_space<vmem>>, vector<16xf32>,
      %add3A_594 = arith.addf %get3A_588, %get3A_593 : vector<16xf32>
      %swap3A_595 = arith.index_cast %scan3A_573 : i32 to index
      %swap3A_596 = arith.constant 0 : index
      %swap3A_597 = tpu.vector_load %arg14[%swap3A_595, %swap3A_596] {strides = array<i32>} : memref<64x16xf32, #tpu.memory_space<vmem>>, vector<16xf32>,
      tpu.vector_store %arg14[%swap3A_595, %swap3A_596], %add3A_594 {strides = array<i32>} : memref<64x16xf32, #tpu.memory_space<vmem>>, vector<16xf32>,
    }
    %scan3A_142 = arith.constant 4 : i32
    %scan3A_143 = arith.constant 0 : i32
    %scan3A_144 = arith.constant 0 : i32
    %scan3A_145 = arith.constant 2 : i32
    %scan3A_146 = arith.addi %scan3A_144, %scan3A_145 : i32
    %scan3A_147 = arith.constant 1 : i32
    scf.for %scan3A_573 = %scan3A_144 to %scan3A_146 step %scan3A_147  : i32 {
      %get3A_574 = arith.index_cast %scan3A_573 : i32 to index
      %get3A_575 = arith.constant 0 : index
      %get3A_576 = tpu.vector_load %arg13[%get3A_574, %get3A_575] {strides = array<i32>} : memref<64x16xf32, #tpu.memory_space<vmem>>, vector<16xf32>,
      %add3A_577 = arith.constant 2 : i32
      %add3A_578 = arith.addi %scan3A_573, %add3A_577 : i32
      %get3A_579 = arith.index_cast %add3A_578 : i32 to index
      %get3A_580 = arith.constant 0 : index
      %get3A_581 = tpu.vector_load %arg13[%get3A_579, %get3A_580] {strides = array<i32>} : memref<64x16xf32, #tpu.memory_space<vmem>>, vector<16xf32>,
      %add3A_582 = arith.addf %get3A_576, %get3A_581 : vector<16xf32>
      %swap3A_583 = arith.index_cast %scan3A_573 : i32 to index
      %swap3A_584 = arith.constant 0 : index
      %swap3A_585 = tpu.vector_load %arg13[%swap3A_583, %swap3A_584] {strides = array<i32>} : memref<64x16xf32, #tpu.memory_space<vmem>>, vector<16xf32>,
      tpu.vector_store %arg13[%swap3A_583, %swap3A_584], %add3A_582 {strides = array<i32>} : memref<64x16xf32, #tpu.memory_space<vmem>>, vector<16xf32>,
      %get3A_586 = arith.index_cast %scan3A_573 : i32 to index
      %get3A_587 = arith.constant 0 : index
      %get3A_588 = tpu.vector_load %arg14[%get3A_586, %get3A_587] {strides = array<i32>} : memref<64x16xf32, #tpu.memory_space<vmem>>, vector<16xf32>,
      %add3A_589 = arith.constant 2 : i32
      %add3A_590 = arith.addi %scan3A_573, %add3A_589 : i32
      %get3A_591 = arith.index_cast %add3A_590 : i32 to index
      %get3A_592 = arith.constant 0 : index
      %get3A_593 = tpu.vector_load %arg14[%get3A_591, %get3A_592] {strides = array<i32>} : memref<64x16xf32, #tpu.memory_space<vmem>>, vector<16xf32>,
      %add3A_594 = arith.addf %get3A_588, %get3A_593 : vector<16xf32>
      %swap3A_595 = arith.index_cast %scan3A_573 : i32 to index
      %swap3A_596 = arith.constant 0 : index
      %swap3A_597 = tpu.vector_load %arg14[%swap3A_595, %swap3A_596] {strides = array<i32>} : memref<64x16xf32, #tpu.memory_space<vmem>>, vector<16xf32>,
      tpu.vector_store %arg14[%swap3A_595, %swap3A_596], %add3A_594 {strides = array<i32>} : memref<64x16xf32, #tpu.memory_space<vmem>>, vector<16xf32>,
    }
    %scan3A_148 = arith.constant 2 : i32
    %scan3A_149 = arith.constant 0 : i32
    %scan3A_150 = arith.constant 0 : i32
    %get3A_151 = arith.index_cast %scan3A_150 : i32 to index
    %get3A_152 = arith.constant 0 : index
    %get3A_153 = tpu.vector_load %arg13[%get3A_151, %get3A_152] {strides = array<i32>} : memref<64x16xf32, #tpu.memory_space<vmem>>, vector<16xf32>,
    %add3A_154 = arith.constant 1 : i32
    %add3A_155 = arith.addi %scan3A_150, %add3A_154 : i32
    %get3A_156 = arith.index_cast %add3A_155 : i32 to index
    %get3A_157 = arith.constant 0 : index
    %get3A_158 = tpu.vector_load %arg13[%get3A_156, %get3A_157] {strides = array<i32>} : memref<64x16xf32, #tpu.memory_space<vmem>>, vector<16xf32>,
    %add3A_159 = arith.addf %get3A_153, %get3A_158 : vector<16xf32>
    %swap3A = arith.index_cast %scan3A_150 : i32 to index
    %swap3A_160 = arith.constant 0 : index
    %swap3A_161 = tpu.vector_load %arg13[%swap3A, %swap3A_160] {strides = array<i32>} : memref<64x16xf32, #tpu.memory_space<vmem>>, vector<16xf32>,
    tpu.vector_store %arg13[%swap3A, %swap3A_160], %add3A_159 {strides = array<i32>} : memref<64x16xf32, #tpu.memory_space<vmem>>, vector<16xf32>,
    %get3A_162 = arith.index_cast %scan3A_150 : i32 to index
    %get3A_163 = arith.constant 0 : index
    %get3A_164 = tpu.vector_load %arg14[%get3A_162, %get3A_163] {strides = array<i32>} : memref<64x16xf32, #tpu.memory_space<vmem>>, vector<16xf32>,
    %add3A_165 = arith.constant 1 : i32
    %add3A_166 = arith.addi %scan3A_150, %add3A_165 : i32
    %get3A_167 = arith.index_cast %add3A_166 : i32 to index
    %get3A_168 = arith.constant 0 : index
    %get3A_169 = tpu.vector_load %arg14[%get3A_167, %get3A_168] {strides = array<i32>} : memref<64x16xf32, #tpu.memory_space<vmem>>, vector<16xf32>,
    %add3A_170 = arith.addf %get3A_164, %get3A_169 : vector<16xf32>
    %swap3A_171 = arith.index_cast %scan3A_150 : i32 to index
    %swap3A_172 = arith.constant 0 : index
    %swap3A_173 = tpu.vector_load %arg14[%swap3A_171, %swap3A_172] {strides = array<i32>} : memref<64x16xf32, #tpu.memory_space<vmem>>, vector<16xf32>,
    tpu.vector_store %arg14[%swap3A_171, %swap3A_172], %add3A_170 {strides = array<i32>} : memref<64x16xf32, #tpu.memory_space<vmem>>, vector<16xf32>,
    %scan3A_174 = arith.constant 1 : i32
    %get3A_175 = arith.constant 0 : i32
    %get3A_176 = arith.index_cast %get3A_175 : i32 to index
    %get3A_177 = arith.constant 0 : index
    %get3A_178 = tpu.vector_load %arg13[%get3A_176, %get3A_177] {strides = array<i32>} : memref<64x16xf32, #tpu.memory_space<vmem>>, vector<16xf32>,
    %get3A_179 = arith.constant 0 : i32
    %get3A_180 = arith.index_cast %get3A_179 : i32 to index
    %get3A_181 = arith.constant 0 : index
    %get3A_182 = tpu.vector_load %arg14[%get3A_180, %get3A_181] {strides = array<i32>} : memref<64x16xf32, #tpu.memory_space<vmem>>, vector<16xf32>,
    %lt3A_183 = arith.cmpf olt, %get3A_178, %get3A_182 : vector<16xf32>
    %eq3A_184 = arith.cmpf oeq, %get3A_178, %get3A_182 : vector<16xf32>
    %lt3A_185 = arith.cmpi slt, %get3A_41, %get3A_43 : vector<16xi32>
    %and3A_186 = arith.andi %eq3A_184, %lt3A_185 : vector<16xi1>
    %or3A = arith.ori %lt3A_183, %and3A_186 : vector<16xi1>
    %select_n3A_187 = arith.select %or3A, %get3A_41, %get3A_43 : vector<16xi1>, vector<16xi32>
    %swap3A_188 = arith.constant 0 : index
    %swap3A_189 = tpu.vector_load %arg19[%swap3A_188] {strides = array<i32>} : memref<64xi32, #tpu.memory_space<vmem>>, vector<16xi32>,
    tpu.vector_store %arg19[%swap3A_188], %select_n3A_187 {strides = array<i32>} : memref<64xi32, #tpu.memory_space<vmem>>, vector<16xi32>,
    %parallel_loop3A_190 = arith.constant 0 : i32
    %parallel_loop3A_191 = arith.constant 64 : i32
    %parallel_loop3A_192 = arith.constant 1 : i32
    scf.for %parallel_loop3A_573 = %parallel_loop3A_190 to %parallel_loop3A_191 step %parallel_loop3A_192  : i32 {
      %parallel_loop3A_574 = arith.index_cast %parallel_loop3A_573 : i32 to index
      %parallel_loop3A_575 = arith.constant 0 : index
      %parallel_loop3A_576 = tpu.vector_load %arg8[%parallel_loop3A_574, %parallel_loop3A_575] {strides = array<i32>} : memref<64x64xf32, #tpu.memory_space<vmem>>, vector<16xf32>,
      %parallel_loop3A_577 = arith.index_cast %parallel_loop3A_573 : i32 to index
      %parallel_loop3A_578 = arith.constant 0 : index
      %parallel_loop3A_579 = tpu.vector_load %arg11[%parallel_loop3A_577, %parallel_loop3A_578] {strides = array<i32>} : memref<64x64xf32, #tpu.memory_space<vmem>>, vector<16xf32>,
      %parallel_loop3A_580 = arith.index_cast %parallel_loop3A_573 : i32 to index
      %parallel_loop3A_581 = arith.constant 0 : index
      %parallel_loop3A_582 = tpu.vector_load %arg12[%parallel_loop3A_580, %parallel_loop3A_581] {strides = array<i32>} : memref<64x64xf32, #tpu.memory_space<vmem>>, vector<16xf32>,
      %parallel_loop3A_583 = arith.select %or3A, %parallel_loop3A_579, %parallel_loop3A_582 : vector<16xi1>, vector<16xf32>
      %parallel_loop3A_584 = arith.index_cast %parallel_loop3A_573 : i32 to index
      %parallel_loop3A_585 = arith.constant 0 : index
      %parallel_loop3A_586 = tpu.vector_load %arg15[%parallel_loop3A_584, %parallel_loop3A_585] {strides = array<i32>} : memref<64x64xf32, #tpu.memory_space<vmem>>, vector<16xf32>,
      tpu.vector_store %arg15[%parallel_loop3A_584, %parallel_loop3A_585], %parallel_loop3A_583 {strides = array<i32>} : memref<64x64xf32, #tpu.memory_space<vmem>>, vector<16xf32>,
      %parallel_loop3A_587 = arith.subf %parallel_loop3A_583, %parallel_loop3A_576 : vector<16xf32>
      %parallel_loop3A_588 = arith.addf %parallel_loop3A_576, %parallel_loop3A_587 : vector<16xf32>
      %parallel_loop3A_589 = arith.index_cast %parallel_loop3A_573 : i32 to index
      %parallel_loop3A_590 = arith.constant 0 : index
      %parallel_loop3A_591 = tpu.vector_load %arg16[%parallel_loop3A_589, %parallel_loop3A_590] {strides = array<i32>} : memref<64x64xf32, #tpu.memory_space<vmem>>, vector<16xf32>,
      tpu.vector_store %arg16[%parallel_loop3A_589, %parallel_loop3A_590], %parallel_loop3A_588 {strides = array<i32>} : memref<64x64xf32, #tpu.memory_space<vmem>>, vector<16xf32>,
    } {sc.loop_unroll_factor = 4 : i64, sc.parallel_access}
    %add3A_193 = arith.constant 16 : i32
    %add3A_194 = vector.broadcast %add3A_193 : i32 to vector<16xi32>
    %add3A_195 = arith.addi %iota3A, %add3A_194 : vector<16xi32>
    %dma_wait3A_196 = arith.constant 1 : i32
    %dma_wait3A_197 = arith.constant 16 : i32
    %dma_wait3A_198 = arith.constant 0 : i32
    %dma_wait3A_199 = tpu.memref_slice %arg9[%dma_wait3A_197, %dma_wait3A_198] : memref<64x64xf32, #tpu.memory_space<vmem>> -> memref<16x64xf32, #tpu.memory_space<vmem>>
    %dma_wait3A_200 = arith.constant 0 : i32
    %dma_wait3A_201 = arith.constant 0 : i32
    %dma_wait3A_202 = tpu.memref_slice %arg2[%dma_wait3A_200, %dma_wait3A_201] : memref<512x64xf32, #tpu.memory_space<hbm>> -> memref<512x64xf32, #tpu.memory_space<hbm>>
    %dma_wait3A_203 = tpu.memref_slice %arg20[%dma_wait3A_196] : memref<2x!tpu.dma_semaphore, #tpu.memory_space<semaphore_mem>> -> memref<1x!tpu.dma_semaphore, #tpu.memory_space<semaphore_mem>>
    %dma_wait3A_204 = tpu.memref_squeeze %dma_wait3A_203 : memref<1x!tpu.dma_semaphore, #tpu.memory_space<semaphore_mem>> -> memref<!tpu.dma_semaphore, #tpu.memory_space<semaphore_mem>>
    tpu.wait_indirect_dma semaphore(%dma_wait3A_204 : memref<!tpu.dma_semaphore, #tpu.memory_space<semaphore_mem>>) src(%dma_wait3A_202 : memref<512x64xf32, #tpu.memory_space<hbm>>) dst(%dma_wait3A_199 : memref<16x64xf32, #tpu.memory_space<vmem>>)
    %dma_wait3A_205 = arith.constant 1 : i32
    %dma_wait3A_206 = arith.constant 16 : i32
    %dma_wait3A_207 = arith.constant 0 : i32
    %dma_wait3A_208 = tpu.memref_slice %arg10[%dma_wait3A_206, %dma_wait3A_207] : memref<64x64xf32, #tpu.memory_space<vmem>> -> memref<16x64xf32, #tpu.memory_space<vmem>>
    %dma_wait3A_209 = arith.constant 0 : i32
    %dma_wait3A_210 = arith.constant 0 : i32
    %dma_wait3A_211 = tpu.memref_slice %arg2[%dma_wait3A_209, %dma_wait3A_210] : memref<512x64xf32, #tpu.memory_space<hbm>> -> memref<512x64xf32, #tpu.memory_space<hbm>>
    %dma_wait3A_212 = tpu.memref_slice %arg21[%dma_wait3A_205] : memref<2x!tpu.dma_semaphore, #tpu.memory_space<semaphore_mem>> -> memref<1x!tpu.dma_semaphore, #tpu.memory_space<semaphore_mem>>
    %dma_wait3A_213 = tpu.memref_squeeze %dma_wait3A_212 : memref<1x!tpu.dma_semaphore, #tpu.memory_space<semaphore_mem>> -> memref<!tpu.dma_semaphore, #tpu.memory_space<semaphore_mem>>
    tpu.wait_indirect_dma semaphore(%dma_wait3A_213 : memref<!tpu.dma_semaphore, #tpu.memory_space<semaphore_mem>>) src(%dma_wait3A_211 : memref<512x64xf32, #tpu.memory_space<hbm>>) dst(%dma_wait3A_208 : memref<16x64xf32, #tpu.memory_space<vmem>>)
    %dma_start3A_214 = arith.constant 0 : i32
    %dma_start3A_215 = arith.constant 32 : i32
    %dma_start3A_216 = arith.constant 0 : i32
    %dma_start3A_217 = tpu.memref_slice %arg9[%dma_start3A_215, %dma_start3A_216] : memref<64x64xf32, #tpu.memory_space<vmem>> -> memref<16x64xf32, #tpu.memory_space<vmem>>
    %dma_start3A_218 = arith.constant 0 : i32
    %dma_start3A_219 = arith.constant 0 : i32
    %dma_start3A_220 = tpu.memref_slice %arg2[%dma_start3A_218, %dma_start3A_219] : memref<512x64xf32, #tpu.memory_space<hbm>> -> memref<512x64xf32, #tpu.memory_space<hbm>>
    %dma_start3A_221 = tpu.memref_slice %arg20[%dma_start3A_214] : memref<2x!tpu.dma_semaphore, #tpu.memory_space<semaphore_mem>> -> memref<1x!tpu.dma_semaphore, #tpu.memory_space<semaphore_mem>>
    %dma_start3A_222 = tpu.memref_squeeze %dma_start3A_221 : memref<1x!tpu.dma_semaphore, #tpu.memory_space<semaphore_mem>> -> memref<!tpu.dma_semaphore, #tpu.memory_space<semaphore_mem>>
    tpu.enqueue_indirect_dma source(%dma_start3A_220 : memref<512x64xf32, #tpu.memory_space<hbm>>) target(%dma_start3A_217 : memref<16x64xf32, #tpu.memory_space<vmem>>) offsets(%get3A_49 : vector<16xi32>) semaphore(%dma_start3A_222 : memref<!tpu.dma_semaphore, #tpu.memory_space<semaphore_mem>>)
    %dma_start3A_223 = arith.constant 0 : i32
    %dma_start3A_224 = arith.constant 32 : i32
    %dma_start3A_225 = arith.constant 0 : i32
    %dma_start3A_226 = tpu.memref_slice %arg10[%dma_start3A_224, %dma_start3A_225] : memref<64x64xf32, #tpu.memory_space<vmem>> -> memref<16x64xf32, #tpu.memory_space<vmem>>
    %dma_start3A_227 = arith.constant 0 : i32
    %dma_start3A_228 = arith.constant 0 : i32
    %dma_start3A_229 = tpu.memref_slice %arg2[%dma_start3A_227, %dma_start3A_228] : memref<512x64xf32, #tpu.memory_space<hbm>> -> memref<512x64xf32, #tpu.memory_space<hbm>>
    %dma_start3A_230 = tpu.memref_slice %arg21[%dma_start3A_223] : memref<2x!tpu.dma_semaphore, #tpu.memory_space<semaphore_mem>> -> memref<1x!tpu.dma_semaphore, #tpu.memory_space<semaphore_mem>>
    %dma_start3A_231 = tpu.memref_squeeze %dma_start3A_230 : memref<1x!tpu.dma_semaphore, #tpu.memory_space<semaphore_mem>> -> memref<!tpu.dma_semaphore, #tpu.memory_space<semaphore_mem>>
    tpu.enqueue_indirect_dma source(%dma_start3A_229 : memref<512x64xf32, #tpu.memory_space<hbm>>) target(%dma_start3A_226 : memref<16x64xf32, #tpu.memory_space<vmem>>) offsets(%get3A_51 : vector<16xi32>) semaphore(%dma_start3A_231 : memref<!tpu.dma_semaphore, #tpu.memory_space<semaphore_mem>>)
    %parallel_loop3A_232 = arith.constant 0 : i32
    %parallel_loop3A_233 = arith.constant 64 : i32
    %parallel_loop3A_234 = arith.constant 1 : i32
    scf.for %parallel_loop3A_573 = %parallel_loop3A_232 to %parallel_loop3A_233 step %parallel_loop3A_234  : i32 {
      %parallel_loop3A_574 = vector.broadcast %parallel_loop3A_573 : i32 to vector<16xi32>
      %parallel_loop3A_575 = arith.addi %broadcast_in_dim3A_40, %parallel_loop3A_574 : vector<16xi32>
      %parallel_loop3A_576 = tpu.vector_load_idx %arg9[%add3A_195, %parallel_loop3A_575] : memref<64x64xf32, #tpu.memory_space<vmem>>[vector<16xi32>, vector<16xi32>], vector<16xf32>,
      %parallel_loop3A_577 = tpu.vector_load_idx %arg10[%add3A_195, %parallel_loop3A_575] : memref<64x64xf32, #tpu.memory_space<vmem>>[vector<16xi32>, vector<16xi32>], vector<16xf32>,
      %parallel_loop3A_578 = arith.index_cast %parallel_loop3A_573 : i32 to index
      %parallel_loop3A_579 = arith.constant 16 : index
      %parallel_loop3A_580 = tpu.vector_load %arg8[%parallel_loop3A_578, %parallel_loop3A_579] {strides = array<i32>} : memref<64x64xf32, #tpu.memory_space<vmem>>, vector<16xf32>,
      %parallel_loop3A_581 = arith.index_cast %parallel_loop3A_573 : i32 to index
      %parallel_loop3A_582 = arith.constant 16 : index
      %parallel_loop3A_583 = tpu.vector_load %arg11[%parallel_loop3A_581, %parallel_loop3A_582] {strides = array<i32>} : memref<64x64xf32, #tpu.memory_space<vmem>>, vector<16xf32>,
      tpu.vector_store %arg11[%parallel_loop3A_581, %parallel_loop3A_582], %parallel_loop3A_576 {strides = array<i32>} : memref<64x64xf32, #tpu.memory_space<vmem>>, vector<16xf32>,
      %parallel_loop3A_584 = arith.index_cast %parallel_loop3A_573 : i32 to index
      %parallel_loop3A_585 = arith.constant 16 : index
      %parallel_loop3A_586 = tpu.vector_load %arg12[%parallel_loop3A_584, %parallel_loop3A_585] {strides = array<i32>} : memref<64x64xf32, #tpu.memory_space<vmem>>, vector<16xf32>,
      tpu.vector_store %arg12[%parallel_loop3A_584, %parallel_loop3A_585], %parallel_loop3A_577 {strides = array<i32>} : memref<64x64xf32, #tpu.memory_space<vmem>>, vector<16xf32>,
      %parallel_loop3A_587 = arith.subf %parallel_loop3A_580, %parallel_loop3A_576 : vector<16xf32>
      %parallel_loop3A_588 = arith.subf %parallel_loop3A_580, %parallel_loop3A_577 : vector<16xf32>
      %parallel_loop3A_589 = arith.mulf %parallel_loop3A_587, %parallel_loop3A_587 : vector<16xf32>
      %parallel_loop3A_590 = arith.index_cast %parallel_loop3A_573 : i32 to index
      %parallel_loop3A_591 = arith.constant 0 : index
      %parallel_loop3A_592 = tpu.vector_load %arg13[%parallel_loop3A_590, %parallel_loop3A_591] {strides = array<i32>} : memref<64x16xf32, #tpu.memory_space<vmem>>, vector<16xf32>,
      tpu.vector_store %arg13[%parallel_loop3A_590, %parallel_loop3A_591], %parallel_loop3A_589 {strides = array<i32>} : memref<64x16xf32, #tpu.memory_space<vmem>>, vector<16xf32>,
      %parallel_loop3A_593 = arith.mulf %parallel_loop3A_588, %parallel_loop3A_588 : vector<16xf32>
      %parallel_loop3A_594 = arith.index_cast %parallel_loop3A_573 : i32 to index
      %parallel_loop3A_595 = arith.constant 0 : index
      %parallel_loop3A_596 = tpu.vector_load %arg14[%parallel_loop3A_594, %parallel_loop3A_595] {strides = array<i32>} : memref<64x16xf32, #tpu.memory_space<vmem>>, vector<16xf32>,
      tpu.vector_store %arg14[%parallel_loop3A_594, %parallel_loop3A_595], %parallel_loop3A_593 {strides = array<i32>} : memref<64x16xf32, #tpu.memory_space<vmem>>, vector<16xf32>,
    } {sc.loop_unroll_factor = 4 : i64, sc.parallel_access}
    %scan3A_235 = arith.constant 0 : i32
    %scan3A_236 = arith.constant 0 : i32
    %scan3A_237 = arith.constant 32 : i32
    %scan3A_238 = arith.addi %scan3A_236, %scan3A_237 : i32
    %scan3A_239 = arith.constant 1 : i32
    scf.for %scan3A_573 = %scan3A_236 to %scan3A_238 step %scan3A_239  : i32 {
      %get3A_574 = arith.index_cast %scan3A_573 : i32 to index
      %get3A_575 = arith.constant 0 : index
      %get3A_576 = tpu.vector_load %arg13[%get3A_574, %get3A_575] {strides = array<i32>} : memref<64x16xf32, #tpu.memory_space<vmem>>, vector<16xf32>,
      %add3A_577 = arith.constant 32 : i32
      %add3A_578 = arith.addi %scan3A_573, %add3A_577 : i32
      %get3A_579 = arith.index_cast %add3A_578 : i32 to index
      %get3A_580 = arith.constant 0 : index
      %get3A_581 = tpu.vector_load %arg13[%get3A_579, %get3A_580] {strides = array<i32>} : memref<64x16xf32, #tpu.memory_space<vmem>>, vector<16xf32>,
      %add3A_582 = arith.addf %get3A_576, %get3A_581 : vector<16xf32>
      %swap3A_583 = arith.index_cast %scan3A_573 : i32 to index
      %swap3A_584 = arith.constant 0 : index
      %swap3A_585 = tpu.vector_load %arg13[%swap3A_583, %swap3A_584] {strides = array<i32>} : memref<64x16xf32, #tpu.memory_space<vmem>>, vector<16xf32>,
      tpu.vector_store %arg13[%swap3A_583, %swap3A_584], %add3A_582 {strides = array<i32>} : memref<64x16xf32, #tpu.memory_space<vmem>>, vector<16xf32>,
      %get3A_586 = arith.index_cast %scan3A_573 : i32 to index
      %get3A_587 = arith.constant 0 : index
      %get3A_588 = tpu.vector_load %arg14[%get3A_586, %get3A_587] {strides = array<i32>} : memref<64x16xf32, #tpu.memory_space<vmem>>, vector<16xf32>,
      %add3A_589 = arith.constant 32 : i32
      %add3A_590 = arith.addi %scan3A_573, %add3A_589 : i32
      %get3A_591 = arith.index_cast %add3A_590 : i32 to index
      %get3A_592 = arith.constant 0 : index
      %get3A_593 = tpu.vector_load %arg14[%get3A_591, %get3A_592] {strides = array<i32>} : memref<64x16xf32, #tpu.memory_space<vmem>>, vector<16xf32>,
      %add3A_594 = arith.addf %get3A_588, %get3A_593 : vector<16xf32>
      %swap3A_595 = arith.index_cast %scan3A_573 : i32 to index
      %swap3A_596 = arith.constant 0 : index
      %swap3A_597 = tpu.vector_load %arg14[%swap3A_595, %swap3A_596] {strides = array<i32>} : memref<64x16xf32, #tpu.memory_space<vmem>>, vector<16xf32>,
      tpu.vector_store %arg14[%swap3A_595, %swap3A_596], %add3A_594 {strides = array<i32>} : memref<64x16xf32, #tpu.memory_space<vmem>>, vector<16xf32>,
    }
    %scan3A_240 = arith.constant 32 : i32
    %scan3A_241 = arith.constant 0 : i32
    %scan3A_242 = arith.constant 0 : i32
    %scan3A_243 = arith.constant 16 : i32
    %scan3A_244 = arith.addi %scan3A_242, %scan3A_243 : i32
    %scan3A_245 = arith.constant 1 : i32
    scf.for %scan3A_573 = %scan3A_242 to %scan3A_244 step %scan3A_245  : i32 {
      %get3A_574 = arith.index_cast %scan3A_573 : i32 to index
      %get3A_575 = arith.constant 0 : index
      %get3A_576 = tpu.vector_load %arg13[%get3A_574, %get3A_575] {strides = array<i32>} : memref<64x16xf32, #tpu.memory_space<vmem>>, vector<16xf32>,
      %add3A_577 = arith.constant 16 : i32
      %add3A_578 = arith.addi %scan3A_573, %add3A_577 : i32
      %get3A_579 = arith.index_cast %add3A_578 : i32 to index
      %get3A_580 = arith.constant 0 : index
      %get3A_581 = tpu.vector_load %arg13[%get3A_579, %get3A_580] {strides = array<i32>} : memref<64x16xf32, #tpu.memory_space<vmem>>, vector<16xf32>,
      %add3A_582 = arith.addf %get3A_576, %get3A_581 : vector<16xf32>
      %swap3A_583 = arith.index_cast %scan3A_573 : i32 to index
      %swap3A_584 = arith.constant 0 : index
      %swap3A_585 = tpu.vector_load %arg13[%swap3A_583, %swap3A_584] {strides = array<i32>} : memref<64x16xf32, #tpu.memory_space<vmem>>, vector<16xf32>,
      tpu.vector_store %arg13[%swap3A_583, %swap3A_584], %add3A_582 {strides = array<i32>} : memref<64x16xf32, #tpu.memory_space<vmem>>, vector<16xf32>,
      %get3A_586 = arith.index_cast %scan3A_573 : i32 to index
      %get3A_587 = arith.constant 0 : index
      %get3A_588 = tpu.vector_load %arg14[%get3A_586, %get3A_587] {strides = array<i32>} : memref<64x16xf32, #tpu.memory_space<vmem>>, vector<16xf32>,
      %add3A_589 = arith.constant 16 : i32
      %add3A_590 = arith.addi %scan3A_573, %add3A_589 : i32
      %get3A_591 = arith.index_cast %add3A_590 : i32 to index
      %get3A_592 = arith.constant 0 : index
      %get3A_593 = tpu.vector_load %arg14[%get3A_591, %get3A_592] {strides = array<i32>} : memref<64x16xf32, #tpu.memory_space<vmem>>, vector<16xf32>,
      %add3A_594 = arith.addf %get3A_588, %get3A_593 : vector<16xf32>
      %swap3A_595 = arith.index_cast %scan3A_573 : i32 to index
      %swap3A_596 = arith.constant 0 : index
      %swap3A_597 = tpu.vector_load %arg14[%swap3A_595, %swap3A_596] {strides = array<i32>} : memref<64x16xf32, #tpu.memory_space<vmem>>, vector<16xf32>,
      tpu.vector_store %arg14[%swap3A_595, %swap3A_596], %add3A_594 {strides = array<i32>} : memref<64x16xf32, #tpu.memory_space<vmem>>, vector<16xf32>,
    }
    %scan3A_246 = arith.constant 16 : i32
    %scan3A_247 = arith.constant 0 : i32
    %scan3A_248 = arith.constant 0 : i32
    %scan3A_249 = arith.constant 8 : i32
    %scan3A_250 = arith.addi %scan3A_248, %scan3A_249 : i32
    %scan3A_251 = arith.constant 1 : i32
    scf.for %scan3A_573 = %scan3A_248 to %scan3A_250 step %scan3A_251  : i32 {
      %get3A_574 = arith.index_cast %scan3A_573 : i32 to index
      %get3A_575 = arith.constant 0 : index
      %get3A_576 = tpu.vector_load %arg13[%get3A_574, %get3A_575] {strides = array<i32>} : memref<64x16xf32, #tpu.memory_space<vmem>>, vector<16xf32>,
      %add3A_577 = arith.constant 8 : i32
      %add3A_578 = arith.addi %scan3A_573, %add3A_577 : i32
      %get3A_579 = arith.index_cast %add3A_578 : i32 to index
      %get3A_580 = arith.constant 0 : index
      %get3A_581 = tpu.vector_load %arg13[%get3A_579, %get3A_580] {strides = array<i32>} : memref<64x16xf32, #tpu.memory_space<vmem>>, vector<16xf32>,
      %add3A_582 = arith.addf %get3A_576, %get3A_581 : vector<16xf32>
      %swap3A_583 = arith.index_cast %scan3A_573 : i32 to index
      %swap3A_584 = arith.constant 0 : index
      %swap3A_585 = tpu.vector_load %arg13[%swap3A_583, %swap3A_584] {strides = array<i32>} : memref<64x16xf32, #tpu.memory_space<vmem>>, vector<16xf32>,
      tpu.vector_store %arg13[%swap3A_583, %swap3A_584], %add3A_582 {strides = array<i32>} : memref<64x16xf32, #tpu.memory_space<vmem>>, vector<16xf32>,
      %get3A_586 = arith.index_cast %scan3A_573 : i32 to index
      %get3A_587 = arith.constant 0 : index
      %get3A_588 = tpu.vector_load %arg14[%get3A_586, %get3A_587] {strides = array<i32>} : memref<64x16xf32, #tpu.memory_space<vmem>>, vector<16xf32>,
      %add3A_589 = arith.constant 8 : i32
      %add3A_590 = arith.addi %scan3A_573, %add3A_589 : i32
      %get3A_591 = arith.index_cast %add3A_590 : i32 to index
      %get3A_592 = arith.constant 0 : index
      %get3A_593 = tpu.vector_load %arg14[%get3A_591, %get3A_592] {strides = array<i32>} : memref<64x16xf32, #tpu.memory_space<vmem>>, vector<16xf32>,
      %add3A_594 = arith.addf %get3A_588, %get3A_593 : vector<16xf32>
      %swap3A_595 = arith.index_cast %scan3A_573 : i32 to index
      %swap3A_596 = arith.constant 0 : index
      %swap3A_597 = tpu.vector_load %arg14[%swap3A_595, %swap3A_596] {strides = array<i32>} : memref<64x16xf32, #tpu.memory_space<vmem>>, vector<16xf32>,
      tpu.vector_store %arg14[%swap3A_595, %swap3A_596], %add3A_594 {strides = array<i32>} : memref<64x16xf32, #tpu.memory_space<vmem>>, vector<16xf32>,
    }
    %scan3A_252 = arith.constant 8 : i32
    %scan3A_253 = arith.constant 0 : i32
    %scan3A_254 = arith.constant 0 : i32
    %scan3A_255 = arith.constant 4 : i32
    %scan3A_256 = arith.addi %scan3A_254, %scan3A_255 : i32
    %scan3A_257 = arith.constant 1 : i32
    scf.for %scan3A_573 = %scan3A_254 to %scan3A_256 step %scan3A_257  : i32 {
      %get3A_574 = arith.index_cast %scan3A_573 : i32 to index
      %get3A_575 = arith.constant 0 : index
      %get3A_576 = tpu.vector_load %arg13[%get3A_574, %get3A_575] {strides = array<i32>} : memref<64x16xf32, #tpu.memory_space<vmem>>, vector<16xf32>,
      %add3A_577 = arith.constant 4 : i32
      %add3A_578 = arith.addi %scan3A_573, %add3A_577 : i32
      %get3A_579 = arith.index_cast %add3A_578 : i32 to index
      %get3A_580 = arith.constant 0 : index
      %get3A_581 = tpu.vector_load %arg13[%get3A_579, %get3A_580] {strides = array<i32>} : memref<64x16xf32, #tpu.memory_space<vmem>>, vector<16xf32>,
      %add3A_582 = arith.addf %get3A_576, %get3A_581 : vector<16xf32>
      %swap3A_583 = arith.index_cast %scan3A_573 : i32 to index
      %swap3A_584 = arith.constant 0 : index
      %swap3A_585 = tpu.vector_load %arg13[%swap3A_583, %swap3A_584] {strides = array<i32>} : memref<64x16xf32, #tpu.memory_space<vmem>>, vector<16xf32>,
      tpu.vector_store %arg13[%swap3A_583, %swap3A_584], %add3A_582 {strides = array<i32>} : memref<64x16xf32, #tpu.memory_space<vmem>>, vector<16xf32>,
      %get3A_586 = arith.index_cast %scan3A_573 : i32 to index
      %get3A_587 = arith.constant 0 : index
      %get3A_588 = tpu.vector_load %arg14[%get3A_586, %get3A_587] {strides = array<i32>} : memref<64x16xf32, #tpu.memory_space<vmem>>, vector<16xf32>,
      %add3A_589 = arith.constant 4 : i32
      %add3A_590 = arith.addi %scan3A_573, %add3A_589 : i32
      %get3A_591 = arith.index_cast %add3A_590 : i32 to index
      %get3A_592 = arith.constant 0 : index
      %get3A_593 = tpu.vector_load %arg14[%get3A_591, %get3A_592] {strides = array<i32>} : memref<64x16xf32, #tpu.memory_space<vmem>>, vector<16xf32>,
      %add3A_594 = arith.addf %get3A_588, %get3A_593 : vector<16xf32>
      %swap3A_595 = arith.index_cast %scan3A_573 : i32 to index
      %swap3A_596 = arith.constant 0 : index
      %swap3A_597 = tpu.vector_load %arg14[%swap3A_595, %swap3A_596] {strides = array<i32>} : memref<64x16xf32, #tpu.memory_space<vmem>>, vector<16xf32>,
      tpu.vector_store %arg14[%swap3A_595, %swap3A_596], %add3A_594 {strides = array<i32>} : memref<64x16xf32, #tpu.memory_space<vmem>>, vector<16xf32>,
    }
    %scan3A_258 = arith.constant 4 : i32
    %scan3A_259 = arith.constant 0 : i32
    %scan3A_260 = arith.constant 0 : i32
    %scan3A_261 = arith.constant 2 : i32
    %scan3A_262 = arith.addi %scan3A_260, %scan3A_261 : i32
    %scan3A_263 = arith.constant 1 : i32
    scf.for %scan3A_573 = %scan3A_260 to %scan3A_262 step %scan3A_263  : i32 {
      %get3A_574 = arith.index_cast %scan3A_573 : i32 to index
      %get3A_575 = arith.constant 0 : index
      %get3A_576 = tpu.vector_load %arg13[%get3A_574, %get3A_575] {strides = array<i32>} : memref<64x16xf32, #tpu.memory_space<vmem>>, vector<16xf32>,
      %add3A_577 = arith.constant 2 : i32
      %add3A_578 = arith.addi %scan3A_573, %add3A_577 : i32
      %get3A_579 = arith.index_cast %add3A_578 : i32 to index
      %get3A_580 = arith.constant 0 : index
      %get3A_581 = tpu.vector_load %arg13[%get3A_579, %get3A_580] {strides = array<i32>} : memref<64x16xf32, #tpu.memory_space<vmem>>, vector<16xf32>,
      %add3A_582 = arith.addf %get3A_576, %get3A_581 : vector<16xf32>
      %swap3A_583 = arith.index_cast %scan3A_573 : i32 to index
      %swap3A_584 = arith.constant 0 : index
      %swap3A_585 = tpu.vector_load %arg13[%swap3A_583, %swap3A_584] {strides = array<i32>} : memref<64x16xf32, #tpu.memory_space<vmem>>, vector<16xf32>,
      tpu.vector_store %arg13[%swap3A_583, %swap3A_584], %add3A_582 {strides = array<i32>} : memref<64x16xf32, #tpu.memory_space<vmem>>, vector<16xf32>,
      %get3A_586 = arith.index_cast %scan3A_573 : i32 to index
      %get3A_587 = arith.constant 0 : index
      %get3A_588 = tpu.vector_load %arg14[%get3A_586, %get3A_587] {strides = array<i32>} : memref<64x16xf32, #tpu.memory_space<vmem>>, vector<16xf32>,
      %add3A_589 = arith.constant 2 : i32
      %add3A_590 = arith.addi %scan3A_573, %add3A_589 : i32
      %get3A_591 = arith.index_cast %add3A_590 : i32 to index
      %get3A_592 = arith.constant 0 : index
      %get3A_593 = tpu.vector_load %arg14[%get3A_591, %get3A_592] {strides = array<i32>} : memref<64x16xf32, #tpu.memory_space<vmem>>, vector<16xf32>,
      %add3A_594 = arith.addf %get3A_588, %get3A_593 : vector<16xf32>
      %swap3A_595 = arith.index_cast %scan3A_573 : i32 to index
      %swap3A_596 = arith.constant 0 : index
      %swap3A_597 = tpu.vector_load %arg14[%swap3A_595, %swap3A_596] {strides = array<i32>} : memref<64x16xf32, #tpu.memory_space<vmem>>, vector<16xf32>,
      tpu.vector_store %arg14[%swap3A_595, %swap3A_596], %add3A_594 {strides = array<i32>} : memref<64x16xf32, #tpu.memory_space<vmem>>, vector<16xf32>,
    }
    %scan3A_264 = arith.constant 2 : i32
    %scan3A_265 = arith.constant 0 : i32
    %scan3A_266 = arith.constant 0 : i32
    %get3A_267 = arith.index_cast %scan3A_266 : i32 to index
    %get3A_268 = arith.constant 0 : index
    %get3A_269 = tpu.vector_load %arg13[%get3A_267, %get3A_268] {strides = array<i32>} : memref<64x16xf32, #tpu.memory_space<vmem>>, vector<16xf32>,
    %add3A_270 = arith.constant 1 : i32
    %add3A_271 = arith.addi %scan3A_266, %add3A_270 : i32
    %get3A_272 = arith.index_cast %add3A_271 : i32 to index
    %get3A_273 = arith.constant 0 : index
    %get3A_274 = tpu.vector_load %arg13[%get3A_272, %get3A_273] {strides = array<i32>} : memref<64x16xf32, #tpu.memory_space<vmem>>, vector<16xf32>,
    %add3A_275 = arith.addf %get3A_269, %get3A_274 : vector<16xf32>
    %swap3A_276 = arith.index_cast %scan3A_266 : i32 to index
    %swap3A_277 = arith.constant 0 : index
    %swap3A_278 = tpu.vector_load %arg13[%swap3A_276, %swap3A_277] {strides = array<i32>} : memref<64x16xf32, #tpu.memory_space<vmem>>, vector<16xf32>,
    tpu.vector_store %arg13[%swap3A_276, %swap3A_277], %add3A_275 {strides = array<i32>} : memref<64x16xf32, #tpu.memory_space<vmem>>, vector<16xf32>,
    %get3A_279 = arith.index_cast %scan3A_266 : i32 to index
    %get3A_280 = arith.constant 0 : index
    %get3A_281 = tpu.vector_load %arg14[%get3A_279, %get3A_280] {strides = array<i32>} : memref<64x16xf32, #tpu.memory_space<vmem>>, vector<16xf32>,
    %add3A_282 = arith.constant 1 : i32
    %add3A_283 = arith.addi %scan3A_266, %add3A_282 : i32
    %get3A_284 = arith.index_cast %add3A_283 : i32 to index
    %get3A_285 = arith.constant 0 : index
    %get3A_286 = tpu.vector_load %arg14[%get3A_284, %get3A_285] {strides = array<i32>} : memref<64x16xf32, #tpu.memory_space<vmem>>, vector<16xf32>,
    %add3A_287 = arith.addf %get3A_281, %get3A_286 : vector<16xf32>
    %swap3A_288 = arith.index_cast %scan3A_266 : i32 to index
    %swap3A_289 = arith.constant 0 : index
    %swap3A_290 = tpu.vector_load %arg14[%swap3A_288, %swap3A_289] {strides = array<i32>} : memref<64x16xf32, #tpu.memory_space<vmem>>, vector<16xf32>,
    tpu.vector_store %arg14[%swap3A_288, %swap3A_289], %add3A_287 {strides = array<i32>} : memref<64x16xf32, #tpu.memory_space<vmem>>, vector<16xf32>,
    %scan3A_291 = arith.constant 1 : i32
    %get3A_292 = arith.constant 0 : i32
    %get3A_293 = arith.index_cast %get3A_292 : i32 to index
    %get3A_294 = arith.constant 0 : index
    %get3A_295 = tpu.vector_load %arg13[%get3A_293, %get3A_294] {strides = array<i32>} : memref<64x16xf32, #tpu.memory_space<vmem>>, vector<16xf32>,
    %get3A_296 = arith.constant 0 : i32
    %get3A_297 = arith.index_cast %get3A_296 : i32 to index
    %get3A_298 = arith.constant 0 : index
    %get3A_299 = tpu.vector_load %arg14[%get3A_297, %get3A_298] {strides = array<i32>} : memref<64x16xf32, #tpu.memory_space<vmem>>, vector<16xf32>,
    %lt3A_300 = arith.cmpf olt, %get3A_295, %get3A_299 : vector<16xf32>
    %eq3A_301 = arith.cmpf oeq, %get3A_295, %get3A_299 : vector<16xf32>
    %lt3A_302 = arith.cmpi slt, %get3A_45, %get3A_47 : vector<16xi32>
    %and3A_303 = arith.andi %eq3A_301, %lt3A_302 : vector<16xi1>
    %or3A_304 = arith.ori %lt3A_300, %and3A_303 : vector<16xi1>
    %select_n3A_305 = arith.select %or3A_304, %get3A_45, %get3A_47 : vector<16xi1>, vector<16xi32>
    %swap3A_306 = arith.constant 16 : index
    %swap3A_307 = tpu.vector_load %arg19[%swap3A_306] {strides = array<i32>} : memref<64xi32, #tpu.memory_space<vmem>>, vector<16xi32>,
    tpu.vector_store %arg19[%swap3A_306], %select_n3A_305 {strides = array<i32>} : memref<64xi32, #tpu.memory_space<vmem>>, vector<16xi32>,
    %parallel_loop3A_308 = arith.constant 0 : i32
    %parallel_loop3A_309 = arith.constant 64 : i32
    %parallel_loop3A_310 = arith.constant 1 : i32
    scf.for %parallel_loop3A_573 = %parallel_loop3A_308 to %parallel_loop3A_309 step %parallel_loop3A_310  : i32 {
      %parallel_loop3A_574 = arith.index_cast %parallel_loop3A_573 : i32 to index
      %parallel_loop3A_575 = arith.constant 16 : index
      %parallel_loop3A_576 = tpu.vector_load %arg8[%parallel_loop3A_574, %parallel_loop3A_575] {strides = array<i32>} : memref<64x64xf32, #tpu.memory_space<vmem>>, vector<16xf32>,
      %parallel_loop3A_577 = arith.index_cast %parallel_loop3A_573 : i32 to index
      %parallel_loop3A_578 = arith.constant 16 : index
      %parallel_loop3A_579 = tpu.vector_load %arg11[%parallel_loop3A_577, %parallel_loop3A_578] {strides = array<i32>} : memref<64x64xf32, #tpu.memory_space<vmem>>, vector<16xf32>,
      %parallel_loop3A_580 = arith.index_cast %parallel_loop3A_573 : i32 to index
      %parallel_loop3A_581 = arith.constant 16 : index
      %parallel_loop3A_582 = tpu.vector_load %arg12[%parallel_loop3A_580, %parallel_loop3A_581] {strides = array<i32>} : memref<64x64xf32, #tpu.memory_space<vmem>>, vector<16xf32>,
      %parallel_loop3A_583 = arith.select %or3A_304, %parallel_loop3A_579, %parallel_loop3A_582 : vector<16xi1>, vector<16xf32>
      %parallel_loop3A_584 = arith.index_cast %parallel_loop3A_573 : i32 to index
      %parallel_loop3A_585 = arith.constant 16 : index
      %parallel_loop3A_586 = tpu.vector_load %arg15[%parallel_loop3A_584, %parallel_loop3A_585] {strides = array<i32>} : memref<64x64xf32, #tpu.memory_space<vmem>>, vector<16xf32>,
      tpu.vector_store %arg15[%parallel_loop3A_584, %parallel_loop3A_585], %parallel_loop3A_583 {strides = array<i32>} : memref<64x64xf32, #tpu.memory_space<vmem>>, vector<16xf32>,
      %parallel_loop3A_587 = arith.subf %parallel_loop3A_583, %parallel_loop3A_576 : vector<16xf32>
      %parallel_loop3A_588 = arith.addf %parallel_loop3A_576, %parallel_loop3A_587 : vector<16xf32>
      %parallel_loop3A_589 = arith.index_cast %parallel_loop3A_573 : i32 to index
      %parallel_loop3A_590 = arith.constant 16 : index
      %parallel_loop3A_591 = tpu.vector_load %arg16[%parallel_loop3A_589, %parallel_loop3A_590] {strides = array<i32>} : memref<64x64xf32, #tpu.memory_space<vmem>>, vector<16xf32>,
      tpu.vector_store %arg16[%parallel_loop3A_589, %parallel_loop3A_590], %parallel_loop3A_588 {strides = array<i32>} : memref<64x64xf32, #tpu.memory_space<vmem>>, vector<16xf32>,
    } {sc.loop_unroll_factor = 4 : i64, sc.parallel_access}
    %add3A_311 = arith.constant 32 : i32
    %add3A_312 = vector.broadcast %add3A_311 : i32 to vector<16xi32>
    %add3A_313 = arith.addi %iota3A, %add3A_312 : vector<16xi32>
    %dma_wait3A_314 = arith.constant 0 : i32
    %dma_wait3A_315 = arith.constant 32 : i32
    %dma_wait3A_316 = arith.constant 0 : i32
    %dma_wait3A_317 = tpu.memref_slice %arg9[%dma_wait3A_315, %dma_wait3A_316] : memref<64x64xf32, #tpu.memory_space<vmem>> -> memref<16x64xf32, #tpu.memory_space<vmem>>
    %dma_wait3A_318 = arith.constant 0 : i32
    %dma_wait3A_319 = arith.constant 0 : i32
    %dma_wait3A_320 = tpu.memref_slice %arg2[%dma_wait3A_318, %dma_wait3A_319] : memref<512x64xf32, #tpu.memory_space<hbm>> -> memref<512x64xf32, #tpu.memory_space<hbm>>
    %dma_wait3A_321 = tpu.memref_slice %arg20[%dma_wait3A_314] : memref<2x!tpu.dma_semaphore, #tpu.memory_space<semaphore_mem>> -> memref<1x!tpu.dma_semaphore, #tpu.memory_space<semaphore_mem>>
    %dma_wait3A_322 = tpu.memref_squeeze %dma_wait3A_321 : memref<1x!tpu.dma_semaphore, #tpu.memory_space<semaphore_mem>> -> memref<!tpu.dma_semaphore, #tpu.memory_space<semaphore_mem>>
    tpu.wait_indirect_dma semaphore(%dma_wait3A_322 : memref<!tpu.dma_semaphore, #tpu.memory_space<semaphore_mem>>) src(%dma_wait3A_320 : memref<512x64xf32, #tpu.memory_space<hbm>>) dst(%dma_wait3A_317 : memref<16x64xf32, #tpu.memory_space<vmem>>)
    %dma_wait3A_323 = arith.constant 0 : i32
    %dma_wait3A_324 = arith.constant 32 : i32
    %dma_wait3A_325 = arith.constant 0 : i32
    %dma_wait3A_326 = tpu.memref_slice %arg10[%dma_wait3A_324, %dma_wait3A_325] : memref<64x64xf32, #tpu.memory_space<vmem>> -> memref<16x64xf32, #tpu.memory_space<vmem>>
    %dma_wait3A_327 = arith.constant 0 : i32
    %dma_wait3A_328 = arith.constant 0 : i32
    %dma_wait3A_329 = tpu.memref_slice %arg2[%dma_wait3A_327, %dma_wait3A_328] : memref<512x64xf32, #tpu.memory_space<hbm>> -> memref<512x64xf32, #tpu.memory_space<hbm>>
    %dma_wait3A_330 = tpu.memref_slice %arg21[%dma_wait3A_323] : memref<2x!tpu.dma_semaphore, #tpu.memory_space<semaphore_mem>> -> memref<1x!tpu.dma_semaphore, #tpu.memory_space<semaphore_mem>>
    %dma_wait3A_331 = tpu.memref_squeeze %dma_wait3A_330 : memref<1x!tpu.dma_semaphore, #tpu.memory_space<semaphore_mem>> -> memref<!tpu.dma_semaphore, #tpu.memory_space<semaphore_mem>>
    tpu.wait_indirect_dma semaphore(%dma_wait3A_331 : memref<!tpu.dma_semaphore, #tpu.memory_space<semaphore_mem>>) src(%dma_wait3A_329 : memref<512x64xf32, #tpu.memory_space<hbm>>) dst(%dma_wait3A_326 : memref<16x64xf32, #tpu.memory_space<vmem>>)
    %dma_start3A_332 = arith.constant 1 : i32
    %dma_start3A_333 = arith.constant 48 : i32
    %dma_start3A_334 = arith.constant 0 : i32
    %dma_start3A_335 = tpu.memref_slice %arg9[%dma_start3A_333, %dma_start3A_334] : memref<64x64xf32, #tpu.memory_space<vmem>> -> memref<16x64xf32, #tpu.memory_space<vmem>>
    %dma_start3A_336 = arith.constant 0 : i32
    %dma_start3A_337 = arith.constant 0 : i32
    %dma_start3A_338 = tpu.memref_slice %arg2[%dma_start3A_336, %dma_start3A_337] : memref<512x64xf32, #tpu.memory_space<hbm>> -> memref<512x64xf32, #tpu.memory_space<hbm>>
    %dma_start3A_339 = tpu.memref_slice %arg20[%dma_start3A_332] : memref<2x!tpu.dma_semaphore, #tpu.memory_space<semaphore_mem>> -> memref<1x!tpu.dma_semaphore, #tpu.memory_space<semaphore_mem>>
    %dma_start3A_340 = tpu.memref_squeeze %dma_start3A_339 : memref<1x!tpu.dma_semaphore, #tpu.memory_space<semaphore_mem>> -> memref<!tpu.dma_semaphore, #tpu.memory_space<semaphore_mem>>
    tpu.enqueue_indirect_dma source(%dma_start3A_338 : memref<512x64xf32, #tpu.memory_space<hbm>>) target(%dma_start3A_335 : memref<16x64xf32, #tpu.memory_space<vmem>>) offsets(%get3A_53 : vector<16xi32>) semaphore(%dma_start3A_340 : memref<!tpu.dma_semaphore, #tpu.memory_space<semaphore_mem>>)
    %dma_start3A_341 = arith.constant 1 : i32
    %dma_start3A_342 = arith.constant 48 : i32
    %dma_start3A_343 = arith.constant 0 : i32
    %dma_start3A_344 = tpu.memref_slice %arg10[%dma_start3A_342, %dma_start3A_343] : memref<64x64xf32, #tpu.memory_space<vmem>> -> memref<16x64xf32, #tpu.memory_space<vmem>>
    %dma_start3A_345 = arith.constant 0 : i32
    %dma_start3A_346 = arith.constant 0 : i32
    %dma_start3A_347 = tpu.memref_slice %arg2[%dma_start3A_345, %dma_start3A_346] : memref<512x64xf32, #tpu.memory_space<hbm>> -> memref<512x64xf32, #tpu.memory_space<hbm>>
    %dma_start3A_348 = tpu.memref_slice %arg21[%dma_start3A_341] : memref<2x!tpu.dma_semaphore, #tpu.memory_space<semaphore_mem>> -> memref<1x!tpu.dma_semaphore, #tpu.memory_space<semaphore_mem>>
    %dma_start3A_349 = tpu.memref_squeeze %dma_start3A_348 : memref<1x!tpu.dma_semaphore, #tpu.memory_space<semaphore_mem>> -> memref<!tpu.dma_semaphore, #tpu.memory_space<semaphore_mem>>
    tpu.enqueue_indirect_dma source(%dma_start3A_347 : memref<512x64xf32, #tpu.memory_space<hbm>>) target(%dma_start3A_344 : memref<16x64xf32, #tpu.memory_space<vmem>>) offsets(%get3A_55 : vector<16xi32>) semaphore(%dma_start3A_349 : memref<!tpu.dma_semaphore, #tpu.memory_space<semaphore_mem>>)
    %parallel_loop3A_350 = arith.constant 0 : i32
    %parallel_loop3A_351 = arith.constant 64 : i32
    %parallel_loop3A_352 = arith.constant 1 : i32
    scf.for %parallel_loop3A_573 = %parallel_loop3A_350 to %parallel_loop3A_351 step %parallel_loop3A_352  : i32 {
      %parallel_loop3A_574 = vector.broadcast %parallel_loop3A_573 : i32 to vector<16xi32>
      %parallel_loop3A_575 = arith.addi %broadcast_in_dim3A_40, %parallel_loop3A_574 : vector<16xi32>
      %parallel_loop3A_576 = tpu.vector_load_idx %arg9[%add3A_313, %parallel_loop3A_575] : memref<64x64xf32, #tpu.memory_space<vmem>>[vector<16xi32>, vector<16xi32>], vector<16xf32>,
      %parallel_loop3A_577 = tpu.vector_load_idx %arg10[%add3A_313, %parallel_loop3A_575] : memref<64x64xf32, #tpu.memory_space<vmem>>[vector<16xi32>, vector<16xi32>], vector<16xf32>,
      %parallel_loop3A_578 = arith.index_cast %parallel_loop3A_573 : i32 to index
      %parallel_loop3A_579 = arith.constant 32 : index
      %parallel_loop3A_580 = tpu.vector_load %arg8[%parallel_loop3A_578, %parallel_loop3A_579] {strides = array<i32>} : memref<64x64xf32, #tpu.memory_space<vmem>>, vector<16xf32>,
      %parallel_loop3A_581 = arith.index_cast %parallel_loop3A_573 : i32 to index
      %parallel_loop3A_582 = arith.constant 32 : index
      %parallel_loop3A_583 = tpu.vector_load %arg11[%parallel_loop3A_581, %parallel_loop3A_582] {strides = array<i32>} : memref<64x64xf32, #tpu.memory_space<vmem>>, vector<16xf32>,
      tpu.vector_store %arg11[%parallel_loop3A_581, %parallel_loop3A_582], %parallel_loop3A_576 {strides = array<i32>} : memref<64x64xf32, #tpu.memory_space<vmem>>, vector<16xf32>,
      %parallel_loop3A_584 = arith.index_cast %parallel_loop3A_573 : i32 to index
      %parallel_loop3A_585 = arith.constant 32 : index
      %parallel_loop3A_586 = tpu.vector_load %arg12[%parallel_loop3A_584, %parallel_loop3A_585] {strides = array<i32>} : memref<64x64xf32, #tpu.memory_space<vmem>>, vector<16xf32>,
      tpu.vector_store %arg12[%parallel_loop3A_584, %parallel_loop3A_585], %parallel_loop3A_577 {strides = array<i32>} : memref<64x64xf32, #tpu.memory_space<vmem>>, vector<16xf32>,
      %parallel_loop3A_587 = arith.subf %parallel_loop3A_580, %parallel_loop3A_576 : vector<16xf32>
      %parallel_loop3A_588 = arith.subf %parallel_loop3A_580, %parallel_loop3A_577 : vector<16xf32>
      %parallel_loop3A_589 = arith.mulf %parallel_loop3A_587, %parallel_loop3A_587 : vector<16xf32>
      %parallel_loop3A_590 = arith.index_cast %parallel_loop3A_573 : i32 to index
      %parallel_loop3A_591 = arith.constant 0 : index
      %parallel_loop3A_592 = tpu.vector_load %arg13[%parallel_loop3A_590, %parallel_loop3A_591] {strides = array<i32>} : memref<64x16xf32, #tpu.memory_space<vmem>>, vector<16xf32>,
      tpu.vector_store %arg13[%parallel_loop3A_590, %parallel_loop3A_591], %parallel_loop3A_589 {strides = array<i32>} : memref<64x16xf32, #tpu.memory_space<vmem>>, vector<16xf32>,
      %parallel_loop3A_593 = arith.mulf %parallel_loop3A_588, %parallel_loop3A_588 : vector<16xf32>
      %parallel_loop3A_594 = arith.index_cast %parallel_loop3A_573 : i32 to index
      %parallel_loop3A_595 = arith.constant 0 : index
      %parallel_loop3A_596 = tpu.vector_load %arg14[%parallel_loop3A_594, %parallel_loop3A_595] {strides = array<i32>} : memref<64x16xf32, #tpu.memory_space<vmem>>, vector<16xf32>,
      tpu.vector_store %arg14[%parallel_loop3A_594, %parallel_loop3A_595], %parallel_loop3A_593 {strides = array<i32>} : memref<64x16xf32, #tpu.memory_space<vmem>>, vector<16xf32>,
    } {sc.loop_unroll_factor = 4 : i64, sc.parallel_access}
    %scan3A_353 = arith.constant 0 : i32
    %scan3A_354 = arith.constant 0 : i32
    %scan3A_355 = arith.constant 32 : i32
    %scan3A_356 = arith.addi %scan3A_354, %scan3A_355 : i32
    %scan3A_357 = arith.constant 1 : i32
    scf.for %scan3A_573 = %scan3A_354 to %scan3A_356 step %scan3A_357  : i32 {
      %get3A_574 = arith.index_cast %scan3A_573 : i32 to index
      %get3A_575 = arith.constant 0 : index
      %get3A_576 = tpu.vector_load %arg13[%get3A_574, %get3A_575] {strides = array<i32>} : memref<64x16xf32, #tpu.memory_space<vmem>>, vector<16xf32>,
      %add3A_577 = arith.constant 32 : i32
      %add3A_578 = arith.addi %scan3A_573, %add3A_577 : i32
      %get3A_579 = arith.index_cast %add3A_578 : i32 to index
      %get3A_580 = arith.constant 0 : index
      %get3A_581 = tpu.vector_load %arg13[%get3A_579, %get3A_580] {strides = array<i32>} : memref<64x16xf32, #tpu.memory_space<vmem>>, vector<16xf32>,
      %add3A_582 = arith.addf %get3A_576, %get3A_581 : vector<16xf32>
      %swap3A_583 = arith.index_cast %scan3A_573 : i32 to index
      %swap3A_584 = arith.constant 0 : index
      %swap3A_585 = tpu.vector_load %arg13[%swap3A_583, %swap3A_584] {strides = array<i32>} : memref<64x16xf32, #tpu.memory_space<vmem>>, vector<16xf32>,
      tpu.vector_store %arg13[%swap3A_583, %swap3A_584], %add3A_582 {strides = array<i32>} : memref<64x16xf32, #tpu.memory_space<vmem>>, vector<16xf32>,
      %get3A_586 = arith.index_cast %scan3A_573 : i32 to index
      %get3A_587 = arith.constant 0 : index
      %get3A_588 = tpu.vector_load %arg14[%get3A_586, %get3A_587] {strides = array<i32>} : memref<64x16xf32, #tpu.memory_space<vmem>>, vector<16xf32>,
      %add3A_589 = arith.constant 32 : i32
      %add3A_590 = arith.addi %scan3A_573, %add3A_589 : i32
      %get3A_591 = arith.index_cast %add3A_590 : i32 to index
      %get3A_592 = arith.constant 0 : index
      %get3A_593 = tpu.vector_load %arg14[%get3A_591, %get3A_592] {strides = array<i32>} : memref<64x16xf32, #tpu.memory_space<vmem>>, vector<16xf32>,
      %add3A_594 = arith.addf %get3A_588, %get3A_593 : vector<16xf32>
      %swap3A_595 = arith.index_cast %scan3A_573 : i32 to index
      %swap3A_596 = arith.constant 0 : index
      %swap3A_597 = tpu.vector_load %arg14[%swap3A_595, %swap3A_596] {strides = array<i32>} : memref<64x16xf32, #tpu.memory_space<vmem>>, vector<16xf32>,
      tpu.vector_store %arg14[%swap3A_595, %swap3A_596], %add3A_594 {strides = array<i32>} : memref<64x16xf32, #tpu.memory_space<vmem>>, vector<16xf32>,
    }
    %scan3A_358 = arith.constant 32 : i32
    %scan3A_359 = arith.constant 0 : i32
    %scan3A_360 = arith.constant 0 : i32
    %scan3A_361 = arith.constant 16 : i32
    %scan3A_362 = arith.addi %scan3A_360, %scan3A_361 : i32
    %scan3A_363 = arith.constant 1 : i32
    scf.for %scan3A_573 = %scan3A_360 to %scan3A_362 step %scan3A_363  : i32 {
      %get3A_574 = arith.index_cast %scan3A_573 : i32 to index
      %get3A_575 = arith.constant 0 : index
      %get3A_576 = tpu.vector_load %arg13[%get3A_574, %get3A_575] {strides = array<i32>} : memref<64x16xf32, #tpu.memory_space<vmem>>, vector<16xf32>,
      %add3A_577 = arith.constant 16 : i32
      %add3A_578 = arith.addi %scan3A_573, %add3A_577 : i32
      %get3A_579 = arith.index_cast %add3A_578 : i32 to index
      %get3A_580 = arith.constant 0 : index
      %get3A_581 = tpu.vector_load %arg13[%get3A_579, %get3A_580] {strides = array<i32>} : memref<64x16xf32, #tpu.memory_space<vmem>>, vector<16xf32>,
      %add3A_582 = arith.addf %get3A_576, %get3A_581 : vector<16xf32>
      %swap3A_583 = arith.index_cast %scan3A_573 : i32 to index
      %swap3A_584 = arith.constant 0 : index
      %swap3A_585 = tpu.vector_load %arg13[%swap3A_583, %swap3A_584] {strides = array<i32>} : memref<64x16xf32, #tpu.memory_space<vmem>>, vector<16xf32>,
      tpu.vector_store %arg13[%swap3A_583, %swap3A_584], %add3A_582 {strides = array<i32>} : memref<64x16xf32, #tpu.memory_space<vmem>>, vector<16xf32>,
      %get3A_586 = arith.index_cast %scan3A_573 : i32 to index
      %get3A_587 = arith.constant 0 : index
      %get3A_588 = tpu.vector_load %arg14[%get3A_586, %get3A_587] {strides = array<i32>} : memref<64x16xf32, #tpu.memory_space<vmem>>, vector<16xf32>,
      %add3A_589 = arith.constant 16 : i32
      %add3A_590 = arith.addi %scan3A_573, %add3A_589 : i32
      %get3A_591 = arith.index_cast %add3A_590 : i32 to index
      %get3A_592 = arith.constant 0 : index
      %get3A_593 = tpu.vector_load %arg14[%get3A_591, %get3A_592] {strides = array<i32>} : memref<64x16xf32, #tpu.memory_space<vmem>>, vector<16xf32>,
      %add3A_594 = arith.addf %get3A_588, %get3A_593 : vector<16xf32>
      %swap3A_595 = arith.index_cast %scan3A_573 : i32 to index
      %swap3A_596 = arith.constant 0 : index
      %swap3A_597 = tpu.vector_load %arg14[%swap3A_595, %swap3A_596] {strides = array<i32>} : memref<64x16xf32, #tpu.memory_space<vmem>>, vector<16xf32>,
      tpu.vector_store %arg14[%swap3A_595, %swap3A_596], %add3A_594 {strides = array<i32>} : memref<64x16xf32, #tpu.memory_space<vmem>>, vector<16xf32>,
    }
    %scan3A_364 = arith.constant 16 : i32
    %scan3A_365 = arith.constant 0 : i32
    %scan3A_366 = arith.constant 0 : i32
    %scan3A_367 = arith.constant 8 : i32
    %scan3A_368 = arith.addi %scan3A_366, %scan3A_367 : i32
    %scan3A_369 = arith.constant 1 : i32
    scf.for %scan3A_573 = %scan3A_366 to %scan3A_368 step %scan3A_369  : i32 {
      %get3A_574 = arith.index_cast %scan3A_573 : i32 to index
      %get3A_575 = arith.constant 0 : index
      %get3A_576 = tpu.vector_load %arg13[%get3A_574, %get3A_575] {strides = array<i32>} : memref<64x16xf32, #tpu.memory_space<vmem>>, vector<16xf32>,
      %add3A_577 = arith.constant 8 : i32
      %add3A_578 = arith.addi %scan3A_573, %add3A_577 : i32
      %get3A_579 = arith.index_cast %add3A_578 : i32 to index
      %get3A_580 = arith.constant 0 : index
      %get3A_581 = tpu.vector_load %arg13[%get3A_579, %get3A_580] {strides = array<i32>} : memref<64x16xf32, #tpu.memory_space<vmem>>, vector<16xf32>,
      %add3A_582 = arith.addf %get3A_576, %get3A_581 : vector<16xf32>
      %swap3A_583 = arith.index_cast %scan3A_573 : i32 to index
      %swap3A_584 = arith.constant 0 : index
      %swap3A_585 = tpu.vector_load %arg13[%swap3A_583, %swap3A_584] {strides = array<i32>} : memref<64x16xf32, #tpu.memory_space<vmem>>, vector<16xf32>,
      tpu.vector_store %arg13[%swap3A_583, %swap3A_584], %add3A_582 {strides = array<i32>} : memref<64x16xf32, #tpu.memory_space<vmem>>, vector<16xf32>,
      %get3A_586 = arith.index_cast %scan3A_573 : i32 to index
      %get3A_587 = arith.constant 0 : index
      %get3A_588 = tpu.vector_load %arg14[%get3A_586, %get3A_587] {strides = array<i32>} : memref<64x16xf32, #tpu.memory_space<vmem>>, vector<16xf32>,
      %add3A_589 = arith.constant 8 : i32
      %add3A_590 = arith.addi %scan3A_573, %add3A_589 : i32
      %get3A_591 = arith.index_cast %add3A_590 : i32 to index
      %get3A_592 = arith.constant 0 : index
      %get3A_593 = tpu.vector_load %arg14[%get3A_591, %get3A_592] {strides = array<i32>} : memref<64x16xf32, #tpu.memory_space<vmem>>, vector<16xf32>,
      %add3A_594 = arith.addf %get3A_588, %get3A_593 : vector<16xf32>
      %swap3A_595 = arith.index_cast %scan3A_573 : i32 to index
      %swap3A_596 = arith.constant 0 : index
      %swap3A_597 = tpu.vector_load %arg14[%swap3A_595, %swap3A_596] {strides = array<i32>} : memref<64x16xf32, #tpu.memory_space<vmem>>, vector<16xf32>,
      tpu.vector_store %arg14[%swap3A_595, %swap3A_596], %add3A_594 {strides = array<i32>} : memref<64x16xf32, #tpu.memory_space<vmem>>, vector<16xf32>,
    }
    %scan3A_370 = arith.constant 8 : i32
    %scan3A_371 = arith.constant 0 : i32
    %scan3A_372 = arith.constant 0 : i32
    %scan3A_373 = arith.constant 4 : i32
    %scan3A_374 = arith.addi %scan3A_372, %scan3A_373 : i32
    %scan3A_375 = arith.constant 1 : i32
    scf.for %scan3A_573 = %scan3A_372 to %scan3A_374 step %scan3A_375  : i32 {
      %get3A_574 = arith.index_cast %scan3A_573 : i32 to index
      %get3A_575 = arith.constant 0 : index
      %get3A_576 = tpu.vector_load %arg13[%get3A_574, %get3A_575] {strides = array<i32>} : memref<64x16xf32, #tpu.memory_space<vmem>>, vector<16xf32>,
      %add3A_577 = arith.constant 4 : i32
      %add3A_578 = arith.addi %scan3A_573, %add3A_577 : i32
      %get3A_579 = arith.index_cast %add3A_578 : i32 to index
      %get3A_580 = arith.constant 0 : index
      %get3A_581 = tpu.vector_load %arg13[%get3A_579, %get3A_580] {strides = array<i32>} : memref<64x16xf32, #tpu.memory_space<vmem>>, vector<16xf32>,
      %add3A_582 = arith.addf %get3A_576, %get3A_581 : vector<16xf32>
      %swap3A_583 = arith.index_cast %scan3A_573 : i32 to index
      %swap3A_584 = arith.constant 0 : index
      %swap3A_585 = tpu.vector_load %arg13[%swap3A_583, %swap3A_584] {strides = array<i32>} : memref<64x16xf32, #tpu.memory_space<vmem>>, vector<16xf32>,
      tpu.vector_store %arg13[%swap3A_583, %swap3A_584], %add3A_582 {strides = array<i32>} : memref<64x16xf32, #tpu.memory_space<vmem>>, vector<16xf32>,
      %get3A_586 = arith.index_cast %scan3A_573 : i32 to index
      %get3A_587 = arith.constant 0 : index
      %get3A_588 = tpu.vector_load %arg14[%get3A_586, %get3A_587] {strides = array<i32>} : memref<64x16xf32, #tpu.memory_space<vmem>>, vector<16xf32>,
      %add3A_589 = arith.constant 4 : i32
      %add3A_590 = arith.addi %scan3A_573, %add3A_589 : i32
      %get3A_591 = arith.index_cast %add3A_590 : i32 to index
      %get3A_592 = arith.constant 0 : index
      %get3A_593 = tpu.vector_load %arg14[%get3A_591, %get3A_592] {strides = array<i32>} : memref<64x16xf32, #tpu.memory_space<vmem>>, vector<16xf32>,
      %add3A_594 = arith.addf %get3A_588, %get3A_593 : vector<16xf32>
      %swap3A_595 = arith.index_cast %scan3A_573 : i32 to index
      %swap3A_596 = arith.constant 0 : index
      %swap3A_597 = tpu.vector_load %arg14[%swap3A_595, %swap3A_596] {strides = array<i32>} : memref<64x16xf32, #tpu.memory_space<vmem>>, vector<16xf32>,
      tpu.vector_store %arg14[%swap3A_595, %swap3A_596], %add3A_594 {strides = array<i32>} : memref<64x16xf32, #tpu.memory_space<vmem>>, vector<16xf32>,
    }
    %scan3A_376 = arith.constant 4 : i32
    %scan3A_377 = arith.constant 0 : i32
    %scan3A_378 = arith.constant 0 : i32
    %scan3A_379 = arith.constant 2 : i32
    %scan3A_380 = arith.addi %scan3A_378, %scan3A_379 : i32
    %scan3A_381 = arith.constant 1 : i32
    scf.for %scan3A_573 = %scan3A_378 to %scan3A_380 step %scan3A_381  : i32 {
      %get3A_574 = arith.index_cast %scan3A_573 : i32 to index
      %get3A_575 = arith.constant 0 : index
      %get3A_576 = tpu.vector_load %arg13[%get3A_574, %get3A_575] {strides = array<i32>} : memref<64x16xf32, #tpu.memory_space<vmem>>, vector<16xf32>,
      %add3A_577 = arith.constant 2 : i32
      %add3A_578 = arith.addi %scan3A_573, %add3A_577 : i32
      %get3A_579 = arith.index_cast %add3A_578 : i32 to index
      %get3A_580 = arith.constant 0 : index
      %get3A_581 = tpu.vector_load %arg13[%get3A_579, %get3A_580] {strides = array<i32>} : memref<64x16xf32, #tpu.memory_space<vmem>>, vector<16xf32>,
      %add3A_582 = arith.addf %get3A_576, %get3A_581 : vector<16xf32>
      %swap3A_583 = arith.index_cast %scan3A_573 : i32 to index
      %swap3A_584 = arith.constant 0 : index
      %swap3A_585 = tpu.vector_load %arg13[%swap3A_583, %swap3A_584] {strides = array<i32>} : memref<64x16xf32, #tpu.memory_space<vmem>>, vector<16xf32>,
      tpu.vector_store %arg13[%swap3A_583, %swap3A_584], %add3A_582 {strides = array<i32>} : memref<64x16xf32, #tpu.memory_space<vmem>>, vector<16xf32>,
      %get3A_586 = arith.index_cast %scan3A_573 : i32 to index
      %get3A_587 = arith.constant 0 : index
      %get3A_588 = tpu.vector_load %arg14[%get3A_586, %get3A_587] {strides = array<i32>} : memref<64x16xf32, #tpu.memory_space<vmem>>, vector<16xf32>,
      %add3A_589 = arith.constant 2 : i32
      %add3A_590 = arith.addi %scan3A_573, %add3A_589 : i32
      %get3A_591 = arith.index_cast %add3A_590 : i32 to index
      %get3A_592 = arith.constant 0 : index
      %get3A_593 = tpu.vector_load %arg14[%get3A_591, %get3A_592] {strides = array<i32>} : memref<64x16xf32, #tpu.memory_space<vmem>>, vector<16xf32>,
      %add3A_594 = arith.addf %get3A_588, %get3A_593 : vector<16xf32>
      %swap3A_595 = arith.index_cast %scan3A_573 : i32 to index
      %swap3A_596 = arith.constant 0 : index
      %swap3A_597 = tpu.vector_load %arg14[%swap3A_595, %swap3A_596] {strides = array<i32>} : memref<64x16xf32, #tpu.memory_space<vmem>>, vector<16xf32>,
      tpu.vector_store %arg14[%swap3A_595, %swap3A_596], %add3A_594 {strides = array<i32>} : memref<64x16xf32, #tpu.memory_space<vmem>>, vector<16xf32>,
    }
    %scan3A_382 = arith.constant 2 : i32
    %scan3A_383 = arith.constant 0 : i32
    %scan3A_384 = arith.constant 0 : i32
    %get3A_385 = arith.index_cast %scan3A_384 : i32 to index
    %get3A_386 = arith.constant 0 : index
    %get3A_387 = tpu.vector_load %arg13[%get3A_385, %get3A_386] {strides = array<i32>} : memref<64x16xf32, #tpu.memory_space<vmem>>, vector<16xf32>,
    %add3A_388 = arith.constant 1 : i32
    %add3A_389 = arith.addi %scan3A_384, %add3A_388 : i32
    %get3A_390 = arith.index_cast %add3A_389 : i32 to index
    %get3A_391 = arith.constant 0 : index
    %get3A_392 = tpu.vector_load %arg13[%get3A_390, %get3A_391] {strides = array<i32>} : memref<64x16xf32, #tpu.memory_space<vmem>>, vector<16xf32>,
    %add3A_393 = arith.addf %get3A_387, %get3A_392 : vector<16xf32>
    %swap3A_394 = arith.index_cast %scan3A_384 : i32 to index
    %swap3A_395 = arith.constant 0 : index
    %swap3A_396 = tpu.vector_load %arg13[%swap3A_394, %swap3A_395] {strides = array<i32>} : memref<64x16xf32, #tpu.memory_space<vmem>>, vector<16xf32>,
    tpu.vector_store %arg13[%swap3A_394, %swap3A_395], %add3A_393 {strides = array<i32>} : memref<64x16xf32, #tpu.memory_space<vmem>>, vector<16xf32>,
    %get3A_397 = arith.index_cast %scan3A_384 : i32 to index
    %get3A_398 = arith.constant 0 : index
    %get3A_399 = tpu.vector_load %arg14[%get3A_397, %get3A_398] {strides = array<i32>} : memref<64x16xf32, #tpu.memory_space<vmem>>, vector<16xf32>,
    %add3A_400 = arith.constant 1 : i32
    %add3A_401 = arith.addi %scan3A_384, %add3A_400 : i32
    %get3A_402 = arith.index_cast %add3A_401 : i32 to index
    %get3A_403 = arith.constant 0 : index
    %get3A_404 = tpu.vector_load %arg14[%get3A_402, %get3A_403] {strides = array<i32>} : memref<64x16xf32, #tpu.memory_space<vmem>>, vector<16xf32>,
    %add3A_405 = arith.addf %get3A_399, %get3A_404 : vector<16xf32>
    %swap3A_406 = arith.index_cast %scan3A_384 : i32 to index
    %swap3A_407 = arith.constant 0 : index
    %swap3A_408 = tpu.vector_load %arg14[%swap3A_406, %swap3A_407] {strides = array<i32>} : memref<64x16xf32, #tpu.memory_space<vmem>>, vector<16xf32>,
    tpu.vector_store %arg14[%swap3A_406, %swap3A_407], %add3A_405 {strides = array<i32>} : memref<64x16xf32, #tpu.memory_space<vmem>>, vector<16xf32>,
    %scan3A_409 = arith.constant 1 : i32
    %get3A_410 = arith.constant 0 : i32
    %get3A_411 = arith.index_cast %get3A_410 : i32 to index
    %get3A_412 = arith.constant 0 : index
    %get3A_413 = tpu.vector_load %arg13[%get3A_411, %get3A_412] {strides = array<i32>} : memref<64x16xf32, #tpu.memory_space<vmem>>, vector<16xf32>,
    %get3A_414 = arith.constant 0 : i32
    %get3A_415 = arith.index_cast %get3A_414 : i32 to index
    %get3A_416 = arith.constant 0 : index
    %get3A_417 = tpu.vector_load %arg14[%get3A_415, %get3A_416] {strides = array<i32>} : memref<64x16xf32, #tpu.memory_space<vmem>>, vector<16xf32>,
    %lt3A_418 = arith.cmpf olt, %get3A_413, %get3A_417 : vector<16xf32>
    %eq3A_419 = arith.cmpf oeq, %get3A_413, %get3A_417 : vector<16xf32>
    %lt3A_420 = arith.cmpi slt, %get3A_49, %get3A_51 : vector<16xi32>
    %and3A_421 = arith.andi %eq3A_419, %lt3A_420 : vector<16xi1>
    %or3A_422 = arith.ori %lt3A_418, %and3A_421 : vector<16xi1>
    %select_n3A_423 = arith.select %or3A_422, %get3A_49, %get3A_51 : vector<16xi1>, vector<16xi32>
    %swap3A_424 = arith.constant 32 : index
    %swap3A_425 = tpu.vector_load %arg19[%swap3A_424] {strides = array<i32>} : memref<64xi32, #tpu.memory_space<vmem>>, vector<16xi32>,
    tpu.vector_store %arg19[%swap3A_424], %select_n3A_423 {strides = array<i32>} : memref<64xi32, #tpu.memory_space<vmem>>, vector<16xi32>,
    %parallel_loop3A_426 = arith.constant 0 : i32
    %parallel_loop3A_427 = arith.constant 64 : i32
    %parallel_loop3A_428 = arith.constant 1 : i32
    scf.for %parallel_loop3A_573 = %parallel_loop3A_426 to %parallel_loop3A_427 step %parallel_loop3A_428  : i32 {
      %parallel_loop3A_574 = arith.index_cast %parallel_loop3A_573 : i32 to index
      %parallel_loop3A_575 = arith.constant 32 : index
      %parallel_loop3A_576 = tpu.vector_load %arg8[%parallel_loop3A_574, %parallel_loop3A_575] {strides = array<i32>} : memref<64x64xf32, #tpu.memory_space<vmem>>, vector<16xf32>,
      %parallel_loop3A_577 = arith.index_cast %parallel_loop3A_573 : i32 to index
      %parallel_loop3A_578 = arith.constant 32 : index
      %parallel_loop3A_579 = tpu.vector_load %arg11[%parallel_loop3A_577, %parallel_loop3A_578] {strides = array<i32>} : memref<64x64xf32, #tpu.memory_space<vmem>>, vector<16xf32>,
      %parallel_loop3A_580 = arith.index_cast %parallel_loop3A_573 : i32 to index
      %parallel_loop3A_581 = arith.constant 32 : index
      %parallel_loop3A_582 = tpu.vector_load %arg12[%parallel_loop3A_580, %parallel_loop3A_581] {strides = array<i32>} : memref<64x64xf32, #tpu.memory_space<vmem>>, vector<16xf32>,
      %parallel_loop3A_583 = arith.select %or3A_422, %parallel_loop3A_579, %parallel_loop3A_582 : vector<16xi1>, vector<16xf32>
      %parallel_loop3A_584 = arith.index_cast %parallel_loop3A_573 : i32 to index
      %parallel_loop3A_585 = arith.constant 32 : index
      %parallel_loop3A_586 = tpu.vector_load %arg15[%parallel_loop3A_584, %parallel_loop3A_585] {strides = array<i32>} : memref<64x64xf32, #tpu.memory_space<vmem>>, vector<16xf32>,
      tpu.vector_store %arg15[%parallel_loop3A_584, %parallel_loop3A_585], %parallel_loop3A_583 {strides = array<i32>} : memref<64x64xf32, #tpu.memory_space<vmem>>, vector<16xf32>,
      %parallel_loop3A_587 = arith.subf %parallel_loop3A_583, %parallel_loop3A_576 : vector<16xf32>
      %parallel_loop3A_588 = arith.addf %parallel_loop3A_576, %parallel_loop3A_587 : vector<16xf32>
      %parallel_loop3A_589 = arith.index_cast %parallel_loop3A_573 : i32 to index
      %parallel_loop3A_590 = arith.constant 32 : index
      %parallel_loop3A_591 = tpu.vector_load %arg16[%parallel_loop3A_589, %parallel_loop3A_590] {strides = array<i32>} : memref<64x64xf32, #tpu.memory_space<vmem>>, vector<16xf32>,
      tpu.vector_store %arg16[%parallel_loop3A_589, %parallel_loop3A_590], %parallel_loop3A_588 {strides = array<i32>} : memref<64x64xf32, #tpu.memory_space<vmem>>, vector<16xf32>,
    } {sc.loop_unroll_factor = 4 : i64, sc.parallel_access}
    %add3A_429 = arith.constant 48 : i32
    %add3A_430 = vector.broadcast %add3A_429 : i32 to vector<16xi32>
    %add3A_431 = arith.addi %iota3A, %add3A_430 : vector<16xi32>
    %dma_wait3A_432 = arith.constant 1 : i32
    %dma_wait3A_433 = arith.constant 48 : i32
    %dma_wait3A_434 = arith.constant 0 : i32
    %dma_wait3A_435 = tpu.memref_slice %arg9[%dma_wait3A_433, %dma_wait3A_434] : memref<64x64xf32, #tpu.memory_space<vmem>> -> memref<16x64xf32, #tpu.memory_space<vmem>>
    %dma_wait3A_436 = arith.constant 0 : i32
    %dma_wait3A_437 = arith.constant 0 : i32
    %dma_wait3A_438 = tpu.memref_slice %arg2[%dma_wait3A_436, %dma_wait3A_437] : memref<512x64xf32, #tpu.memory_space<hbm>> -> memref<512x64xf32, #tpu.memory_space<hbm>>
    %dma_wait3A_439 = tpu.memref_slice %arg20[%dma_wait3A_432] : memref<2x!tpu.dma_semaphore, #tpu.memory_space<semaphore_mem>> -> memref<1x!tpu.dma_semaphore, #tpu.memory_space<semaphore_mem>>
    %dma_wait3A_440 = tpu.memref_squeeze %dma_wait3A_439 : memref<1x!tpu.dma_semaphore, #tpu.memory_space<semaphore_mem>> -> memref<!tpu.dma_semaphore, #tpu.memory_space<semaphore_mem>>
    tpu.wait_indirect_dma semaphore(%dma_wait3A_440 : memref<!tpu.dma_semaphore, #tpu.memory_space<semaphore_mem>>) src(%dma_wait3A_438 : memref<512x64xf32, #tpu.memory_space<hbm>>) dst(%dma_wait3A_435 : memref<16x64xf32, #tpu.memory_space<vmem>>)
    %dma_wait3A_441 = arith.constant 1 : i32
    %dma_wait3A_442 = arith.constant 48 : i32
    %dma_wait3A_443 = arith.constant 0 : i32
    %dma_wait3A_444 = tpu.memref_slice %arg10[%dma_wait3A_442, %dma_wait3A_443] : memref<64x64xf32, #tpu.memory_space<vmem>> -> memref<16x64xf32, #tpu.memory_space<vmem>>
    %dma_wait3A_445 = arith.constant 0 : i32
    %dma_wait3A_446 = arith.constant 0 : i32
    %dma_wait3A_447 = tpu.memref_slice %arg2[%dma_wait3A_445, %dma_wait3A_446] : memref<512x64xf32, #tpu.memory_space<hbm>> -> memref<512x64xf32, #tpu.memory_space<hbm>>
    %dma_wait3A_448 = tpu.memref_slice %arg21[%dma_wait3A_441] : memref<2x!tpu.dma_semaphore, #tpu.memory_space<semaphore_mem>> -> memref<1x!tpu.dma_semaphore, #tpu.memory_space<semaphore_mem>>
    %dma_wait3A_449 = tpu.memref_squeeze %dma_wait3A_448 : memref<1x!tpu.dma_semaphore, #tpu.memory_space<semaphore_mem>> -> memref<!tpu.dma_semaphore, #tpu.memory_space<semaphore_mem>>
    tpu.wait_indirect_dma semaphore(%dma_wait3A_449 : memref<!tpu.dma_semaphore, #tpu.memory_space<semaphore_mem>>) src(%dma_wait3A_447 : memref<512x64xf32, #tpu.memory_space<hbm>>) dst(%dma_wait3A_444 : memref<16x64xf32, #tpu.memory_space<vmem>>)
    %parallel_loop3A_450 = arith.constant 0 : i32
    %parallel_loop3A_451 = arith.constant 64 : i32
    %parallel_loop3A_452 = arith.constant 1 : i32
    scf.for %parallel_loop3A_573 = %parallel_loop3A_450 to %parallel_loop3A_451 step %parallel_loop3A_452  : i32 {
      %parallel_loop3A_574 = vector.broadcast %parallel_loop3A_573 : i32 to vector<16xi32>
      %parallel_loop3A_575 = arith.addi %broadcast_in_dim3A_40, %parallel_loop3A_574 : vector<16xi32>
      %parallel_loop3A_576 = tpu.vector_load_idx %arg9[%add3A_431, %parallel_loop3A_575] : memref<64x64xf32, #tpu.memory_space<vmem>>[vector<16xi32>, vector<16xi32>], vector<16xf32>,
      %parallel_loop3A_577 = tpu.vector_load_idx %arg10[%add3A_431, %parallel_loop3A_575] : memref<64x64xf32, #tpu.memory_space<vmem>>[vector<16xi32>, vector<16xi32>], vector<16xf32>,
      %parallel_loop3A_578 = arith.index_cast %parallel_loop3A_573 : i32 to index
      %parallel_loop3A_579 = arith.constant 48 : index
      %parallel_loop3A_580 = tpu.vector_load %arg8[%parallel_loop3A_578, %parallel_loop3A_579] {strides = array<i32>} : memref<64x64xf32, #tpu.memory_space<vmem>>, vector<16xf32>,
      %parallel_loop3A_581 = arith.index_cast %parallel_loop3A_573 : i32 to index
      %parallel_loop3A_582 = arith.constant 48 : index
      %parallel_loop3A_583 = tpu.vector_load %arg11[%parallel_loop3A_581, %parallel_loop3A_582] {strides = array<i32>} : memref<64x64xf32, #tpu.memory_space<vmem>>, vector<16xf32>,
      tpu.vector_store %arg11[%parallel_loop3A_581, %parallel_loop3A_582], %parallel_loop3A_576 {strides = array<i32>} : memref<64x64xf32, #tpu.memory_space<vmem>>, vector<16xf32>,
      %parallel_loop3A_584 = arith.index_cast %parallel_loop3A_573 : i32 to index
      %parallel_loop3A_585 = arith.constant 48 : index
      %parallel_loop3A_586 = tpu.vector_load %arg12[%parallel_loop3A_584, %parallel_loop3A_585] {strides = array<i32>} : memref<64x64xf32, #tpu.memory_space<vmem>>, vector<16xf32>,
      tpu.vector_store %arg12[%parallel_loop3A_584, %parallel_loop3A_585], %parallel_loop3A_577 {strides = array<i32>} : memref<64x64xf32, #tpu.memory_space<vmem>>, vector<16xf32>,
      %parallel_loop3A_587 = arith.subf %parallel_loop3A_580, %parallel_loop3A_576 : vector<16xf32>
      %parallel_loop3A_588 = arith.subf %parallel_loop3A_580, %parallel_loop3A_577 : vector<16xf32>
      %parallel_loop3A_589 = arith.mulf %parallel_loop3A_587, %parallel_loop3A_587 : vector<16xf32>
      %parallel_loop3A_590 = arith.index_cast %parallel_loop3A_573 : i32 to index
      %parallel_loop3A_591 = arith.constant 0 : index
      %parallel_loop3A_592 = tpu.vector_load %arg13[%parallel_loop3A_590, %parallel_loop3A_591] {strides = array<i32>} : memref<64x16xf32, #tpu.memory_space<vmem>>, vector<16xf32>,
      tpu.vector_store %arg13[%parallel_loop3A_590, %parallel_loop3A_591], %parallel_loop3A_589 {strides = array<i32>} : memref<64x16xf32, #tpu.memory_space<vmem>>, vector<16xf32>,
      %parallel_loop3A_593 = arith.mulf %parallel_loop3A_588, %parallel_loop3A_588 : vector<16xf32>
      %parallel_loop3A_594 = arith.index_cast %parallel_loop3A_573 : i32 to index
      %parallel_loop3A_595 = arith.constant 0 : index
      %parallel_loop3A_596 = tpu.vector_load %arg14[%parallel_loop3A_594, %parallel_loop3A_595] {strides = array<i32>} : memref<64x16xf32, #tpu.memory_space<vmem>>, vector<16xf32>,
      tpu.vector_store %arg14[%parallel_loop3A_594, %parallel_loop3A_595], %parallel_loop3A_593 {strides = array<i32>} : memref<64x16xf32, #tpu.memory_space<vmem>>, vector<16xf32>,
    } {sc.loop_unroll_factor = 4 : i64, sc.parallel_access}
    %scan3A_453 = arith.constant 0 : i32
    %scan3A_454 = arith.constant 0 : i32
    %scan3A_455 = arith.constant 32 : i32
    %scan3A_456 = arith.addi %scan3A_454, %scan3A_455 : i32
    %scan3A_457 = arith.constant 1 : i32
    scf.for %scan3A_573 = %scan3A_454 to %scan3A_456 step %scan3A_457  : i32 {
      %get3A_574 = arith.index_cast %scan3A_573 : i32 to index
      %get3A_575 = arith.constant 0 : index
      %get3A_576 = tpu.vector_load %arg13[%get3A_574, %get3A_575] {strides = array<i32>} : memref<64x16xf32, #tpu.memory_space<vmem>>, vector<16xf32>,
      %add3A_577 = arith.constant 32 : i32
      %add3A_578 = arith.addi %scan3A_573, %add3A_577 : i32
      %get3A_579 = arith.index_cast %add3A_578 : i32 to index
      %get3A_580 = arith.constant 0 : index
      %get3A_581 = tpu.vector_load %arg13[%get3A_579, %get3A_580] {strides = array<i32>} : memref<64x16xf32, #tpu.memory_space<vmem>>, vector<16xf32>,
      %add3A_582 = arith.addf %get3A_576, %get3A_581 : vector<16xf32>
      %swap3A_583 = arith.index_cast %scan3A_573 : i32 to index
      %swap3A_584 = arith.constant 0 : index
      %swap3A_585 = tpu.vector_load %arg13[%swap3A_583, %swap3A_584] {strides = array<i32>} : memref<64x16xf32, #tpu.memory_space<vmem>>, vector<16xf32>,
      tpu.vector_store %arg13[%swap3A_583, %swap3A_584], %add3A_582 {strides = array<i32>} : memref<64x16xf32, #tpu.memory_space<vmem>>, vector<16xf32>,
      %get3A_586 = arith.index_cast %scan3A_573 : i32 to index
      %get3A_587 = arith.constant 0 : index
      %get3A_588 = tpu.vector_load %arg14[%get3A_586, %get3A_587] {strides = array<i32>} : memref<64x16xf32, #tpu.memory_space<vmem>>, vector<16xf32>,
      %add3A_589 = arith.constant 32 : i32
      %add3A_590 = arith.addi %scan3A_573, %add3A_589 : i32
      %get3A_591 = arith.index_cast %add3A_590 : i32 to index
      %get3A_592 = arith.constant 0 : index
      %get3A_593 = tpu.vector_load %arg14[%get3A_591, %get3A_592] {strides = array<i32>} : memref<64x16xf32, #tpu.memory_space<vmem>>, vector<16xf32>,
      %add3A_594 = arith.addf %get3A_588, %get3A_593 : vector<16xf32>
      %swap3A_595 = arith.index_cast %scan3A_573 : i32 to index
      %swap3A_596 = arith.constant 0 : index
      %swap3A_597 = tpu.vector_load %arg14[%swap3A_595, %swap3A_596] {strides = array<i32>} : memref<64x16xf32, #tpu.memory_space<vmem>>, vector<16xf32>,
      tpu.vector_store %arg14[%swap3A_595, %swap3A_596], %add3A_594 {strides = array<i32>} : memref<64x16xf32, #tpu.memory_space<vmem>>, vector<16xf32>,
    }
    %scan3A_458 = arith.constant 32 : i32
    %scan3A_459 = arith.constant 0 : i32
    %scan3A_460 = arith.constant 0 : i32
    %scan3A_461 = arith.constant 16 : i32
    %scan3A_462 = arith.addi %scan3A_460, %scan3A_461 : i32
    %scan3A_463 = arith.constant 1 : i32
    scf.for %scan3A_573 = %scan3A_460 to %scan3A_462 step %scan3A_463  : i32 {
      %get3A_574 = arith.index_cast %scan3A_573 : i32 to index
      %get3A_575 = arith.constant 0 : index
      %get3A_576 = tpu.vector_load %arg13[%get3A_574, %get3A_575] {strides = array<i32>} : memref<64x16xf32, #tpu.memory_space<vmem>>, vector<16xf32>,
      %add3A_577 = arith.constant 16 : i32
      %add3A_578 = arith.addi %scan3A_573, %add3A_577 : i32
      %get3A_579 = arith.index_cast %add3A_578 : i32 to index
      %get3A_580 = arith.constant 0 : index
      %get3A_581 = tpu.vector_load %arg13[%get3A_579, %get3A_580] {strides = array<i32>} : memref<64x16xf32, #tpu.memory_space<vmem>>, vector<16xf32>,
      %add3A_582 = arith.addf %get3A_576, %get3A_581 : vector<16xf32>
      %swap3A_583 = arith.index_cast %scan3A_573 : i32 to index
      %swap3A_584 = arith.constant 0 : index
      %swap3A_585 = tpu.vector_load %arg13[%swap3A_583, %swap3A_584] {strides = array<i32>} : memref<64x16xf32, #tpu.memory_space<vmem>>, vector<16xf32>,
      tpu.vector_store %arg13[%swap3A_583, %swap3A_584], %add3A_582 {strides = array<i32>} : memref<64x16xf32, #tpu.memory_space<vmem>>, vector<16xf32>,
      %get3A_586 = arith.index_cast %scan3A_573 : i32 to index
      %get3A_587 = arith.constant 0 : index
      %get3A_588 = tpu.vector_load %arg14[%get3A_586, %get3A_587] {strides = array<i32>} : memref<64x16xf32, #tpu.memory_space<vmem>>, vector<16xf32>,
      %add3A_589 = arith.constant 16 : i32
      %add3A_590 = arith.addi %scan3A_573, %add3A_589 : i32
      %get3A_591 = arith.index_cast %add3A_590 : i32 to index
      %get3A_592 = arith.constant 0 : index
      %get3A_593 = tpu.vector_load %arg14[%get3A_591, %get3A_592] {strides = array<i32>} : memref<64x16xf32, #tpu.memory_space<vmem>>, vector<16xf32>,
      %add3A_594 = arith.addf %get3A_588, %get3A_593 : vector<16xf32>
      %swap3A_595 = arith.index_cast %scan3A_573 : i32 to index
      %swap3A_596 = arith.constant 0 : index
      %swap3A_597 = tpu.vector_load %arg14[%swap3A_595, %swap3A_596] {strides = array<i32>} : memref<64x16xf32, #tpu.memory_space<vmem>>, vector<16xf32>,
      tpu.vector_store %arg14[%swap3A_595, %swap3A_596], %add3A_594 {strides = array<i32>} : memref<64x16xf32, #tpu.memory_space<vmem>>, vector<16xf32>,
    }
    %scan3A_464 = arith.constant 16 : i32
    %scan3A_465 = arith.constant 0 : i32
    %scan3A_466 = arith.constant 0 : i32
    %scan3A_467 = arith.constant 8 : i32
    %scan3A_468 = arith.addi %scan3A_466, %scan3A_467 : i32
    %scan3A_469 = arith.constant 1 : i32
    scf.for %scan3A_573 = %scan3A_466 to %scan3A_468 step %scan3A_469  : i32 {
      %get3A_574 = arith.index_cast %scan3A_573 : i32 to index
      %get3A_575 = arith.constant 0 : index
      %get3A_576 = tpu.vector_load %arg13[%get3A_574, %get3A_575] {strides = array<i32>} : memref<64x16xf32, #tpu.memory_space<vmem>>, vector<16xf32>,
      %add3A_577 = arith.constant 8 : i32
      %add3A_578 = arith.addi %scan3A_573, %add3A_577 : i32
      %get3A_579 = arith.index_cast %add3A_578 : i32 to index
      %get3A_580 = arith.constant 0 : index
      %get3A_581 = tpu.vector_load %arg13[%get3A_579, %get3A_580] {strides = array<i32>} : memref<64x16xf32, #tpu.memory_space<vmem>>, vector<16xf32>,
      %add3A_582 = arith.addf %get3A_576, %get3A_581 : vector<16xf32>
      %swap3A_583 = arith.index_cast %scan3A_573 : i32 to index
      %swap3A_584 = arith.constant 0 : index
      %swap3A_585 = tpu.vector_load %arg13[%swap3A_583, %swap3A_584] {strides = array<i32>} : memref<64x16xf32, #tpu.memory_space<vmem>>, vector<16xf32>,
      tpu.vector_store %arg13[%swap3A_583, %swap3A_584], %add3A_582 {strides = array<i32>} : memref<64x16xf32, #tpu.memory_space<vmem>>, vector<16xf32>,
      %get3A_586 = arith.index_cast %scan3A_573 : i32 to index
      %get3A_587 = arith.constant 0 : index
      %get3A_588 = tpu.vector_load %arg14[%get3A_586, %get3A_587] {strides = array<i32>} : memref<64x16xf32, #tpu.memory_space<vmem>>, vector<16xf32>,
      %add3A_589 = arith.constant 8 : i32
      %add3A_590 = arith.addi %scan3A_573, %add3A_589 : i32
      %get3A_591 = arith.index_cast %add3A_590 : i32 to index
      %get3A_592 = arith.constant 0 : index
      %get3A_593 = tpu.vector_load %arg14[%get3A_591, %get3A_592] {strides = array<i32>} : memref<64x16xf32, #tpu.memory_space<vmem>>, vector<16xf32>,
      %add3A_594 = arith.addf %get3A_588, %get3A_593 : vector<16xf32>
      %swap3A_595 = arith.index_cast %scan3A_573 : i32 to index
      %swap3A_596 = arith.constant 0 : index
      %swap3A_597 = tpu.vector_load %arg14[%swap3A_595, %swap3A_596] {strides = array<i32>} : memref<64x16xf32, #tpu.memory_space<vmem>>, vector<16xf32>,
      tpu.vector_store %arg14[%swap3A_595, %swap3A_596], %add3A_594 {strides = array<i32>} : memref<64x16xf32, #tpu.memory_space<vmem>>, vector<16xf32>,
    }
    %scan3A_470 = arith.constant 8 : i32
    %scan3A_471 = arith.constant 0 : i32
    %scan3A_472 = arith.constant 0 : i32
    %scan3A_473 = arith.constant 4 : i32
    %scan3A_474 = arith.addi %scan3A_472, %scan3A_473 : i32
    %scan3A_475 = arith.constant 1 : i32
    scf.for %scan3A_573 = %scan3A_472 to %scan3A_474 step %scan3A_475  : i32 {
      %get3A_574 = arith.index_cast %scan3A_573 : i32 to index
      %get3A_575 = arith.constant 0 : index
      %get3A_576 = tpu.vector_load %arg13[%get3A_574, %get3A_575] {strides = array<i32>} : memref<64x16xf32, #tpu.memory_space<vmem>>, vector<16xf32>,
      %add3A_577 = arith.constant 4 : i32
      %add3A_578 = arith.addi %scan3A_573, %add3A_577 : i32
      %get3A_579 = arith.index_cast %add3A_578 : i32 to index
      %get3A_580 = arith.constant 0 : index
      %get3A_581 = tpu.vector_load %arg13[%get3A_579, %get3A_580] {strides = array<i32>} : memref<64x16xf32, #tpu.memory_space<vmem>>, vector<16xf32>,
      %add3A_582 = arith.addf %get3A_576, %get3A_581 : vector<16xf32>
      %swap3A_583 = arith.index_cast %scan3A_573 : i32 to index
      %swap3A_584 = arith.constant 0 : index
      %swap3A_585 = tpu.vector_load %arg13[%swap3A_583, %swap3A_584] {strides = array<i32>} : memref<64x16xf32, #tpu.memory_space<vmem>>, vector<16xf32>,
      tpu.vector_store %arg13[%swap3A_583, %swap3A_584], %add3A_582 {strides = array<i32>} : memref<64x16xf32, #tpu.memory_space<vmem>>, vector<16xf32>,
      %get3A_586 = arith.index_cast %scan3A_573 : i32 to index
      %get3A_587 = arith.constant 0 : index
      %get3A_588 = tpu.vector_load %arg14[%get3A_586, %get3A_587] {strides = array<i32>} : memref<64x16xf32, #tpu.memory_space<vmem>>, vector<16xf32>,
      %add3A_589 = arith.constant 4 : i32
      %add3A_590 = arith.addi %scan3A_573, %add3A_589 : i32
      %get3A_591 = arith.index_cast %add3A_590 : i32 to index
      %get3A_592 = arith.constant 0 : index
      %get3A_593 = tpu.vector_load %arg14[%get3A_591, %get3A_592] {strides = array<i32>} : memref<64x16xf32, #tpu.memory_space<vmem>>, vector<16xf32>,
      %add3A_594 = arith.addf %get3A_588, %get3A_593 : vector<16xf32>
      %swap3A_595 = arith.index_cast %scan3A_573 : i32 to index
      %swap3A_596 = arith.constant 0 : index
      %swap3A_597 = tpu.vector_load %arg14[%swap3A_595, %swap3A_596] {strides = array<i32>} : memref<64x16xf32, #tpu.memory_space<vmem>>, vector<16xf32>,
      tpu.vector_store %arg14[%swap3A_595, %swap3A_596], %add3A_594 {strides = array<i32>} : memref<64x16xf32, #tpu.memory_space<vmem>>, vector<16xf32>,
    }
    %scan3A_476 = arith.constant 4 : i32
    %scan3A_477 = arith.constant 0 : i32
    %scan3A_478 = arith.constant 0 : i32
    %scan3A_479 = arith.constant 2 : i32
    %scan3A_480 = arith.addi %scan3A_478, %scan3A_479 : i32
    %scan3A_481 = arith.constant 1 : i32
    scf.for %scan3A_573 = %scan3A_478 to %scan3A_480 step %scan3A_481  : i32 {
      %get3A_574 = arith.index_cast %scan3A_573 : i32 to index
      %get3A_575 = arith.constant 0 : index
      %get3A_576 = tpu.vector_load %arg13[%get3A_574, %get3A_575] {strides = array<i32>} : memref<64x16xf32, #tpu.memory_space<vmem>>, vector<16xf32>,
      %add3A_577 = arith.constant 2 : i32
      %add3A_578 = arith.addi %scan3A_573, %add3A_577 : i32
      %get3A_579 = arith.index_cast %add3A_578 : i32 to index
      %get3A_580 = arith.constant 0 : index
      %get3A_581 = tpu.vector_load %arg13[%get3A_579, %get3A_580] {strides = array<i32>} : memref<64x16xf32, #tpu.memory_space<vmem>>, vector<16xf32>,
      %add3A_582 = arith.addf %get3A_576, %get3A_581 : vector<16xf32>
      %swap3A_583 = arith.index_cast %scan3A_573 : i32 to index
      %swap3A_584 = arith.constant 0 : index
      %swap3A_585 = tpu.vector_load %arg13[%swap3A_583, %swap3A_584] {strides = array<i32>} : memref<64x16xf32, #tpu.memory_space<vmem>>, vector<16xf32>,
      tpu.vector_store %arg13[%swap3A_583, %swap3A_584], %add3A_582 {strides = array<i32>} : memref<64x16xf32, #tpu.memory_space<vmem>>, vector<16xf32>,
      %get3A_586 = arith.index_cast %scan3A_573 : i32 to index
      %get3A_587 = arith.constant 0 : index
      %get3A_588 = tpu.vector_load %arg14[%get3A_586, %get3A_587] {strides = array<i32>} : memref<64x16xf32, #tpu.memory_space<vmem>>, vector<16xf32>,
      %add3A_589 = arith.constant 2 : i32
      %add3A_590 = arith.addi %scan3A_573, %add3A_589 : i32
      %get3A_591 = arith.index_cast %add3A_590 : i32 to index
      %get3A_592 = arith.constant 0 : index
      %get3A_593 = tpu.vector_load %arg14[%get3A_591, %get3A_592] {strides = array<i32>} : memref<64x16xf32, #tpu.memory_space<vmem>>, vector<16xf32>,
      %add3A_594 = arith.addf %get3A_588, %get3A_593 : vector<16xf32>
      %swap3A_595 = arith.index_cast %scan3A_573 : i32 to index
      %swap3A_596 = arith.constant 0 : index
      %swap3A_597 = tpu.vector_load %arg14[%swap3A_595, %swap3A_596] {strides = array<i32>} : memref<64x16xf32, #tpu.memory_space<vmem>>, vector<16xf32>,
      tpu.vector_store %arg14[%swap3A_595, %swap3A_596], %add3A_594 {strides = array<i32>} : memref<64x16xf32, #tpu.memory_space<vmem>>, vector<16xf32>,
    }
    %scan3A_482 = arith.constant 2 : i32
    %scan3A_483 = arith.constant 0 : i32
    %scan3A_484 = arith.constant 0 : i32
    %get3A_485 = arith.index_cast %scan3A_484 : i32 to index
    %get3A_486 = arith.constant 0 : index
    %get3A_487 = tpu.vector_load %arg13[%get3A_485, %get3A_486] {strides = array<i32>} : memref<64x16xf32, #tpu.memory_space<vmem>>, vector<16xf32>,
    %add3A_488 = arith.constant 1 : i32
    %add3A_489 = arith.addi %scan3A_484, %add3A_488 : i32
    %get3A_490 = arith.index_cast %add3A_489 : i32 to index
    %get3A_491 = arith.constant 0 : index
    %get3A_492 = tpu.vector_load %arg13[%get3A_490, %get3A_491] {strides = array<i32>} : memref<64x16xf32, #tpu.memory_space<vmem>>, vector<16xf32>,
    %add3A_493 = arith.addf %get3A_487, %get3A_492 : vector<16xf32>
    %swap3A_494 = arith.index_cast %scan3A_484 : i32 to index
    %swap3A_495 = arith.constant 0 : index
    %swap3A_496 = tpu.vector_load %arg13[%swap3A_494, %swap3A_495] {strides = array<i32>} : memref<64x16xf32, #tpu.memory_space<vmem>>, vector<16xf32>,
    tpu.vector_store %arg13[%swap3A_494, %swap3A_495], %add3A_493 {strides = array<i32>} : memref<64x16xf32, #tpu.memory_space<vmem>>, vector<16xf32>,
    %get3A_497 = arith.index_cast %scan3A_484 : i32 to index
    %get3A_498 = arith.constant 0 : index
    %get3A_499 = tpu.vector_load %arg14[%get3A_497, %get3A_498] {strides = array<i32>} : memref<64x16xf32, #tpu.memory_space<vmem>>, vector<16xf32>,
    %add3A_500 = arith.constant 1 : i32
    %add3A_501 = arith.addi %scan3A_484, %add3A_500 : i32
    %get3A_502 = arith.index_cast %add3A_501 : i32 to index
    %get3A_503 = arith.constant 0 : index
    %get3A_504 = tpu.vector_load %arg14[%get3A_502, %get3A_503] {strides = array<i32>} : memref<64x16xf32, #tpu.memory_space<vmem>>, vector<16xf32>,
    %add3A_505 = arith.addf %get3A_499, %get3A_504 : vector<16xf32>
    %swap3A_506 = arith.index_cast %scan3A_484 : i32 to index
    %swap3A_507 = arith.constant 0 : index
    %swap3A_508 = tpu.vector_load %arg14[%swap3A_506, %swap3A_507] {strides = array<i32>} : memref<64x16xf32, #tpu.memory_space<vmem>>, vector<16xf32>,
    tpu.vector_store %arg14[%swap3A_506, %swap3A_507], %add3A_505 {strides = array<i32>} : memref<64x16xf32, #tpu.memory_space<vmem>>, vector<16xf32>,
    %scan3A_509 = arith.constant 1 : i32
    %get3A_510 = arith.constant 0 : i32
    %get3A_511 = arith.index_cast %get3A_510 : i32 to index
    %get3A_512 = arith.constant 0 : index
    %get3A_513 = tpu.vector_load %arg13[%get3A_511, %get3A_512] {strides = array<i32>} : memref<64x16xf32, #tpu.memory_space<vmem>>, vector<16xf32>,
    %get3A_514 = arith.constant 0 : i32
    %get3A_515 = arith.index_cast %get3A_514 : i32 to index
    %get3A_516 = arith.constant 0 : index
    %get3A_517 = tpu.vector_load %arg14[%get3A_515, %get3A_516] {strides = array<i32>} : memref<64x16xf32, #tpu.memory_space<vmem>>, vector<16xf32>,
    %lt3A_518 = arith.cmpf olt, %get3A_513, %get3A_517 : vector<16xf32>
    %eq3A_519 = arith.cmpf oeq, %get3A_513, %get3A_517 : vector<16xf32>
    %lt3A_520 = arith.cmpi slt, %get3A_53, %get3A_55 : vector<16xi32>
    %and3A_521 = arith.andi %eq3A_519, %lt3A_520 : vector<16xi1>
    %or3A_522 = arith.ori %lt3A_518, %and3A_521 : vector<16xi1>
    %select_n3A_523 = arith.select %or3A_522, %get3A_53, %get3A_55 : vector<16xi1>, vector<16xi32>
    %swap3A_524 = arith.constant 48 : index
    %swap3A_525 = tpu.vector_load %arg19[%swap3A_524] {strides = array<i32>} : memref<64xi32, #tpu.memory_space<vmem>>, vector<16xi32>,
    tpu.vector_store %arg19[%swap3A_524], %select_n3A_523 {strides = array<i32>} : memref<64xi32, #tpu.memory_space<vmem>>, vector<16xi32>,
    %parallel_loop3A_526 = arith.constant 0 : i32
    %parallel_loop3A_527 = arith.constant 64 : i32
    %parallel_loop3A_528 = arith.constant 1 : i32
    scf.for %parallel_loop3A_573 = %parallel_loop3A_526 to %parallel_loop3A_527 step %parallel_loop3A_528  : i32 {
      %parallel_loop3A_574 = arith.index_cast %parallel_loop3A_573 : i32 to index
      %parallel_loop3A_575 = arith.constant 48 : index
      %parallel_loop3A_576 = tpu.vector_load %arg8[%parallel_loop3A_574, %parallel_loop3A_575] {strides = array<i32>} : memref<64x64xf32, #tpu.memory_space<vmem>>, vector<16xf32>,
      %parallel_loop3A_577 = arith.index_cast %parallel_loop3A_573 : i32 to index
      %parallel_loop3A_578 = arith.constant 48 : index
      %parallel_loop3A_579 = tpu.vector_load %arg11[%parallel_loop3A_577, %parallel_loop3A_578] {strides = array<i32>} : memref<64x64xf32, #tpu.memory_space<vmem>>, vector<16xf32>,
      %parallel_loop3A_580 = arith.index_cast %parallel_loop3A_573 : i32 to index
      %parallel_loop3A_581 = arith.constant 48 : index
      %parallel_loop3A_582 = tpu.vector_load %arg12[%parallel_loop3A_580, %parallel_loop3A_581] {strides = array<i32>} : memref<64x64xf32, #tpu.memory_space<vmem>>, vector<16xf32>,
      %parallel_loop3A_583 = arith.select %or3A_522, %parallel_loop3A_579, %parallel_loop3A_582 : vector<16xi1>, vector<16xf32>
      %parallel_loop3A_584 = arith.index_cast %parallel_loop3A_573 : i32 to index
      %parallel_loop3A_585 = arith.constant 48 : index
      %parallel_loop3A_586 = tpu.vector_load %arg15[%parallel_loop3A_584, %parallel_loop3A_585] {strides = array<i32>} : memref<64x64xf32, #tpu.memory_space<vmem>>, vector<16xf32>,
      tpu.vector_store %arg15[%parallel_loop3A_584, %parallel_loop3A_585], %parallel_loop3A_583 {strides = array<i32>} : memref<64x64xf32, #tpu.memory_space<vmem>>, vector<16xf32>,
      %parallel_loop3A_587 = arith.subf %parallel_loop3A_583, %parallel_loop3A_576 : vector<16xf32>
      %parallel_loop3A_588 = arith.addf %parallel_loop3A_576, %parallel_loop3A_587 : vector<16xf32>
      %parallel_loop3A_589 = arith.index_cast %parallel_loop3A_573 : i32 to index
      %parallel_loop3A_590 = arith.constant 48 : index
      %parallel_loop3A_591 = tpu.vector_load %arg16[%parallel_loop3A_589, %parallel_loop3A_590] {strides = array<i32>} : memref<64x64xf32, #tpu.memory_space<vmem>>, vector<16xf32>,
      tpu.vector_store %arg16[%parallel_loop3A_589, %parallel_loop3A_590], %parallel_loop3A_588 {strides = array<i32>} : memref<64x64xf32, #tpu.memory_space<vmem>>, vector<16xf32>,
    } {sc.loop_unroll_factor = 4 : i64, sc.parallel_access}
    %dma_start3A_529 = arith.constant 0 : i32
    %dma_start3A_530 = arith.constant 0 : i32
    %dma_start3A_531 = tpu.memref_slice %arg5[%select_n3A, %dma_start3A_530, %mul3A_32] : memref<2x64x1024xf32, #tpu.memory_space<hbm>> -> memref<1x64x64xf32, #tpu.memory_space<hbm>>
    %dma_start3A_532 = tpu.memref_squeeze %dma_start3A_531 : memref<1x64x64xf32, #tpu.memory_space<hbm>> -> memref<64x64xf32, #tpu.memory_space<hbm>>
    %dma_start3A_533 = tpu.memref_slice %arg20[%dma_start3A_529] : memref<2x!tpu.dma_semaphore, #tpu.memory_space<semaphore_mem>> -> memref<1x!tpu.dma_semaphore, #tpu.memory_space<semaphore_mem>>
    %dma_start3A_534 = tpu.memref_squeeze %dma_start3A_533 : memref<1x!tpu.dma_semaphore, #tpu.memory_space<semaphore_mem>> -> memref<!tpu.dma_semaphore, #tpu.memory_space<semaphore_mem>>
    %dma_start3A_535 = arith.constant 0 : i32
    %dma_start3A_536 = tpu.memref_slice %arg5[%select_n3A, %dma_start3A_535, %mul3A_32] : memref<2x64x1024xf32, #tpu.memory_space<hbm>> -> memref<1x64x64xf32, #tpu.memory_space<hbm>>
    %dma_start3A_537 = tpu.memref_squeeze %dma_start3A_536 : memref<1x64x64xf32, #tpu.memory_space<hbm>> -> memref<64x64xf32, #tpu.memory_space<hbm>>
    tpu.enqueue_dma source(%arg15 : memref<64x64xf32, #tpu.memory_space<vmem>>) target(%dma_start3A_537 : memref<64x64xf32, #tpu.memory_space<hbm>>) target_semaphore(%dma_start3A_534 : memref<!tpu.dma_semaphore, #tpu.memory_space<semaphore_mem>>)
    %dma_start3A_538 = arith.constant 0 : i32
    %dma_start3A_539 = arith.constant 0 : i32
    %dma_start3A_540 = tpu.memref_slice %arg6[%select_n3A, %dma_start3A_539, %mul3A_32] : memref<2x64x1024xf32, #tpu.memory_space<hbm>> -> memref<1x64x64xf32, #tpu.memory_space<hbm>>
    %dma_start3A_541 = tpu.memref_squeeze %dma_start3A_540 : memref<1x64x64xf32, #tpu.memory_space<hbm>> -> memref<64x64xf32, #tpu.memory_space<hbm>>
    %dma_start3A_542 = tpu.memref_slice %arg21[%dma_start3A_538] : memref<2x!tpu.dma_semaphore, #tpu.memory_space<semaphore_mem>> -> memref<1x!tpu.dma_semaphore, #tpu.memory_space<semaphore_mem>>
    %dma_start3A_543 = tpu.memref_squeeze %dma_start3A_542 : memref<1x!tpu.dma_semaphore, #tpu.memory_space<semaphore_mem>> -> memref<!tpu.dma_semaphore, #tpu.memory_space<semaphore_mem>>
    %dma_start3A_544 = arith.constant 0 : i32
    %dma_start3A_545 = tpu.memref_slice %arg6[%select_n3A, %dma_start3A_544, %mul3A_32] : memref<2x64x1024xf32, #tpu.memory_space<hbm>> -> memref<1x64x64xf32, #tpu.memory_space<hbm>>
    %dma_start3A_546 = tpu.memref_squeeze %dma_start3A_545 : memref<1x64x64xf32, #tpu.memory_space<hbm>> -> memref<64x64xf32, #tpu.memory_space<hbm>>
    tpu.enqueue_dma source(%arg16 : memref<64x64xf32, #tpu.memory_space<vmem>>) target(%dma_start3A_546 : memref<64x64xf32, #tpu.memory_space<hbm>>) target_semaphore(%dma_start3A_543 : memref<!tpu.dma_semaphore, #tpu.memory_space<semaphore_mem>>)
    %dma_start3A_547 = tpu.memref_slice %arg7[%select_n3A, %mul3A_32] : memref<2x1024xi32, #tpu.memory_space<hbm>> -> memref<1x64xi32, #tpu.memory_space<hbm>>
    %dma_start3A_548 = tpu.memref_squeeze %dma_start3A_547 : memref<1x64xi32, #tpu.memory_space<hbm>> -> memref<64xi32, #tpu.memory_space<hbm>>
    %dma_start3A_549 = tpu.memref_slice %arg7[%select_n3A, %mul3A_32] : memref<2x1024xi32, #tpu.memory_space<hbm>> -> memref<1x64xi32, #tpu.memory_space<hbm>>
    %dma_start3A_550 = tpu.memref_squeeze %dma_start3A_549 : memref<1x64xi32, #tpu.memory_space<hbm>> -> memref<64xi32, #tpu.memory_space<hbm>>
    tpu.enqueue_dma source(%arg19 : memref<64xi32, #tpu.memory_space<vmem>>) target(%dma_start3A_550 : memref<64xi32, #tpu.memory_space<hbm>>) target_semaphore(%arg22 : memref<!tpu.dma_semaphore, #tpu.memory_space<semaphore_mem>>)
    %dma_wait3A_551 = arith.constant 0 : i32
    %dma_wait3A_552 = arith.constant 0 : i32
    %dma_wait3A_553 = tpu.memref_slice %arg5[%select_n3A, %dma_wait3A_552, %mul3A_32] : memref<2x64x1024xf32, #tpu.memory_space<hbm>> -> memref<1x64x64xf32, #tpu.memory_space<hbm>>
    %dma_wait3A_554 = tpu.memref_squeeze %dma_wait3A_553 : memref<1x64x64xf32, #tpu.memory_space<hbm>> -> memref<64x64xf32, #tpu.memory_space<hbm>>
    %dma_wait3A_555 = tpu.memref_slice %arg20[%dma_wait3A_551] : memref<2x!tpu.dma_semaphore, #tpu.memory_space<semaphore_mem>> -> memref<1x!tpu.dma_semaphore, #tpu.memory_space<semaphore_mem>>
    %dma_wait3A_556 = tpu.memref_squeeze %dma_wait3A_555 : memref<1x!tpu.dma_semaphore, #tpu.memory_space<semaphore_mem>> -> memref<!tpu.dma_semaphore, #tpu.memory_space<semaphore_mem>>
    %dma_wait3A_557 = arith.constant 0 : i32
    %dma_wait3A_558 = tpu.memref_slice %arg5[%select_n3A, %dma_wait3A_557, %mul3A_32] : memref<2x64x1024xf32, #tpu.memory_space<hbm>> -> memref<1x64x64xf32, #tpu.memory_space<hbm>>
    %dma_wait3A_559 = tpu.memref_squeeze %dma_wait3A_558 : memref<1x64x64xf32, #tpu.memory_space<hbm>> -> memref<64x64xf32, #tpu.memory_space<hbm>>
    tpu.wait_dma2 semaphore(%dma_wait3A_556 : memref<!tpu.dma_semaphore, #tpu.memory_space<semaphore_mem>>) src(%arg15 : memref<64x64xf32, #tpu.memory_space<vmem>>) dst(%dma_wait3A_559 : memref<64x64xf32, #tpu.memory_space<hbm>>)
    %dma_wait3A_560 = arith.constant 0 : i32
    %dma_wait3A_561 = arith.constant 0 : i32
    %dma_wait3A_562 = tpu.memref_slice %arg6[%select_n3A, %dma_wait3A_561, %mul3A_32] : memref<2x64x1024xf32, #tpu.memory_space<hbm>> -> memref<1x64x64xf32, #tpu.memory_space<hbm>>
    %dma_wait3A_563 = tpu.memref_squeeze %dma_wait3A_562 : memref<1x64x64xf32, #tpu.memory_space<hbm>> -> memref<64x64xf32, #tpu.memory_space<hbm>>
    %dma_wait3A_564 = tpu.memref_slice %arg21[%dma_wait3A_560] : memref<2x!tpu.dma_semaphore, #tpu.memory_space<semaphore_mem>> -> memref<1x!tpu.dma_semaphore, #tpu.memory_space<semaphore_mem>>
    %dma_wait3A_565 = tpu.memref_squeeze %dma_wait3A_564 : memref<1x!tpu.dma_semaphore, #tpu.memory_space<semaphore_mem>> -> memref<!tpu.dma_semaphore, #tpu.memory_space<semaphore_mem>>
    %dma_wait3A_566 = arith.constant 0 : i32
    %dma_wait3A_567 = tpu.memref_slice %arg6[%select_n3A, %dma_wait3A_566, %mul3A_32] : memref<2x64x1024xf32, #tpu.memory_space<hbm>> -> memref<1x64x64xf32, #tpu.memory_space<hbm>>
    %dma_wait3A_568 = tpu.memref_squeeze %dma_wait3A_567 : memref<1x64x64xf32, #tpu.memory_space<hbm>> -> memref<64x64xf32, #tpu.memory_space<hbm>>
    tpu.wait_dma2 semaphore(%dma_wait3A_565 : memref<!tpu.dma_semaphore, #tpu.memory_space<semaphore_mem>>) src(%arg16 : memref<64x64xf32, #tpu.memory_space<vmem>>) dst(%dma_wait3A_568 : memref<64x64xf32, #tpu.memory_space<hbm>>)
    %dma_wait3A_569 = tpu.memref_slice %arg7[%select_n3A, %mul3A_32] : memref<2x1024xi32, #tpu.memory_space<hbm>> -> memref<1x64xi32, #tpu.memory_space<hbm>>
    %dma_wait3A_570 = tpu.memref_squeeze %dma_wait3A_569 : memref<1x64xi32, #tpu.memory_space<hbm>> -> memref<64xi32, #tpu.memory_space<hbm>>
    %dma_wait3A_571 = tpu.memref_slice %arg7[%select_n3A, %mul3A_32] : memref<2x1024xi32, #tpu.memory_space<hbm>> -> memref<1x64xi32, #tpu.memory_space<hbm>>
    %dma_wait3A_572 = tpu.memref_squeeze %dma_wait3A_571 : memref<1x64xi32, #tpu.memory_space<hbm>> -> memref<64xi32, #tpu.memory_space<hbm>>
    tpu.wait_dma2 semaphore(%arg22 : memref<!tpu.dma_semaphore, #tpu.memory_space<semaphore_mem>>) src(%arg19 : memref<64xi32, #tpu.memory_space<vmem>>) dst(%dma_wait3A_572 : memref<64xi32, #tpu.memory_space<hbm>>)
    return
  }
}

module attributes {stable_mosaic.version = 14 : i64} {
  func.func @_topk_body(%arg0: memref<2x64x1024xf32, #tpu.memory_space<vmem>>, %arg1: memref<512x64xf32, #tpu.memory_space<vmem>>, %arg2: memref<4x1024xi32, #tpu.memory_space<vmem>>) attributes {dimension_semantics = [], scalar_prefetch = 0 : i64, scratch_operands = 0 : i64, tpu.core_type = #tpu.core_type<tc>} {
    %get3A = arith.constant 0 : index
    %get3A_0 = arith.constant 0 : index
    %get3A_1 = arith.constant 0 : index
    %get3A_2 = vector.load %arg0[%get3A, %get3A_0, %get3A_1] : memref<2x64x1024xf32, #tpu.memory_space<vmem>>, vector<2x64x1024xf32>
    %get3A_3 = arith.constant 0 : index
    %get3A_4 = arith.constant 0 : index
    %get3A_5 = vector.load %arg1[%get3A_3, %get3A_4] : memref<512x64xf32, #tpu.memory_space<vmem>>, vector<512x64xf32>
    %mul3A = arith.mulf %get3A_5, %get3A_5 : vector<512x64xf32>
    %reduce_sum3A = arith.constant dense<0.000000e+00> : vector<512xf32>
    %reduce_sum3A_6 = vector.multi_reduction <add>, %mul3A, %reduce_sum3A [1] : vector<512x64xf32> to vector<512xf32>
    %broadcast_in_dim3A = vector.shape_cast %reduce_sum3A_6 : vector<512xf32> to vector<512x1xf32>
    %slice3A = vector.extract_strided_slice %get3A_2 {offsets = [0, 0, 0], sizes = [1, 64, 1024], strides = [1, 1, 1]} : vector<2x64x1024xf32> to vector<1x64x1024xf32>
    %squeeze3A = vector.shape_cast %slice3A : vector<1x64x1024xf32> to vector<64x1024xf32>
    %dot_general3A = arith.constant dense<0.000000e+00> : vector<512x1024xf32>
    %dot_general3A_7 = tpu.matmul %get3A_5, %squeeze3A, %dot_general3A {dimension_numbers = #tpu.dot_dimension_numbers<[1], [0], [0], [1], [0, 0, 1, 1], [], []>, precision = #tpu.contract_precision<fp32>, transpose_lhs_hint = false} : vector<512x64xf32>, vector<64x1024xf32>, vector<512x1024xf32> -> vector<512x1024xf32>
    %mul3A_8 = arith.constant 2.000000e+00 : f32
    %mul3A_9 = vector.broadcast %mul3A_8 : f32 to vector<512x1024xf32>
    %mul3A_10 = arith.mulf %mul3A_9, %dot_general3A_7 : vector<512x1024xf32>
    %sub3A = vector.broadcast %broadcast_in_dim3A : vector<512x1xf32> to vector<512x1024xf32>
    %sub3A_11 = arith.subf %sub3A, %mul3A_10 : vector<512x1024xf32>
    %iota3A = tpu.iota {dimensions = array<i32: 0>} : vector<512x1024xi32>
    %reduce_min3A = arith.constant dense<0x7F800000> : vector<1024xf32>
    %reduce_min3A_12 = vector.multi_reduction <minimumf>, %sub3A_11, %reduce_min3A [0] : vector<512x1024xf32> to vector<1024xf32>
    %broadcast_in_dim3A_13 = vector.shape_cast %reduce_min3A_12 : vector<1024xf32> to vector<1x1024xf32>
    %sub3A_14 = vector.broadcast %broadcast_in_dim3A_13 : vector<1x1024xf32> to vector<512x1024xf32>
    %sub3A_15 = arith.subf %sub3A_11, %sub3A_14 : vector<512x1024xf32>
    %bitcast_convert_type3A = tpu.bitcast %sub3A_15 : vector<512x1024xf32> -> vector<512x1024xi32>
    %and3A = arith.constant -512 : i32
    %and3A_16 = vector.broadcast %and3A : i32 to vector<512x1024xi32>
    %and3A_17 = arith.andi %bitcast_convert_type3A, %and3A_16 : vector<512x1024xi32>
    %or3A = arith.ori %and3A_17, %iota3A : vector<512x1024xi32>
    %reduce_min3A_18 = arith.constant dense<2147483647> : vector<1024xi32>
    %reduce_min3A_19 = vector.multi_reduction <minsi>, %or3A, %reduce_min3A_18 [0] : vector<512x1024xi32> to vector<1024xi32>
    %broadcast_in_dim3A_20 = vector.shape_cast %reduce_min3A_19 : vector<1024xi32> to vector<1x1024xi32>
    %and3A_21 = arith.constant 511 : i32
    %and3A_22 = vector.broadcast %and3A_21 : i32 to vector<1x1024xi32>
    %and3A_23 = arith.andi %broadcast_in_dim3A_20, %and3A_22 : vector<1x1024xi32>
    %eq3A = vector.broadcast %broadcast_in_dim3A_20 : vector<1x1024xi32> to vector<512x1024xi32>
    %eq3A_24 = arith.cmpi eq, %or3A, %eq3A : vector<512x1024xi32>
    %jit3A = arith.constant 2147483647 : i32
    %broadcast_in_dim3A_25 = vector.broadcast %jit3A : i32 to vector<512x1024xi32>
    %select_n3A = arith.select %eq3A_24, %broadcast_in_dim3A_25, %or3A : vector<512x1024xi1>, vector<512x1024xi32>
    %reduce_min3A_26 = arith.constant dense<2147483647> : vector<1024xi32>
    %reduce_min3A_27 = vector.multi_reduction <minsi>, %select_n3A, %reduce_min3A_26 [0] : vector<512x1024xi32> to vector<1024xi32>
    %broadcast_in_dim3A_28 = vector.shape_cast %reduce_min3A_27 : vector<1024xi32> to vector<1x1024xi32>
    %and3A_29 = arith.constant 511 : i32
    %and3A_30 = vector.broadcast %and3A_29 : i32 to vector<1x1024xi32>
    %and3A_31 = arith.andi %broadcast_in_dim3A_28, %and3A_30 : vector<1x1024xi32>
    %slice3A_32 = vector.extract_strided_slice %get3A_2 {offsets = [1, 0, 0], sizes = [1, 64, 1024], strides = [1, 1, 1]} : vector<2x64x1024xf32> to vector<1x64x1024xf32>
    %squeeze3A_33 = vector.shape_cast %slice3A_32 : vector<1x64x1024xf32> to vector<64x1024xf32>
    %dot_general3A_34 = arith.constant dense<0.000000e+00> : vector<512x1024xf32>
    %dot_general3A_35 = tpu.matmul %get3A_5, %squeeze3A_33, %dot_general3A_34 {dimension_numbers = #tpu.dot_dimension_numbers<[1], [0], [0], [1], [0, 0, 1, 1], [], []>, precision = #tpu.contract_precision<fp32>, transpose_lhs_hint = false} : vector<512x64xf32>, vector<64x1024xf32>, vector<512x1024xf32> -> vector<512x1024xf32>
    %mul3A_36 = arith.constant 2.000000e+00 : f32
    %mul3A_37 = vector.broadcast %mul3A_36 : f32 to vector<512x1024xf32>
    %mul3A_38 = arith.mulf %mul3A_37, %dot_general3A_35 : vector<512x1024xf32>
    %sub3A_39 = vector.broadcast %broadcast_in_dim3A : vector<512x1xf32> to vector<512x1024xf32>
    %sub3A_40 = arith.subf %sub3A_39, %mul3A_38 : vector<512x1024xf32>
    %iota3A_41 = tpu.iota {dimensions = array<i32: 0>} : vector<512x1024xi32>
    %reduce_min3A_42 = arith.constant dense<0x7F800000> : vector<1024xf32>
    %reduce_min3A_43 = vector.multi_reduction <minimumf>, %sub3A_40, %reduce_min3A_42 [0] : vector<512x1024xf32> to vector<1024xf32>
    %broadcast_in_dim3A_44 = vector.shape_cast %reduce_min3A_43 : vector<1024xf32> to vector<1x1024xf32>
    %sub3A_45 = vector.broadcast %broadcast_in_dim3A_44 : vector<1x1024xf32> to vector<512x1024xf32>
    %sub3A_46 = arith.subf %sub3A_40, %sub3A_45 : vector<512x1024xf32>
    %bitcast_convert_type3A_47 = tpu.bitcast %sub3A_46 : vector<512x1024xf32> -> vector<512x1024xi32>
    %and3A_48 = arith.constant -512 : i32
    %and3A_49 = vector.broadcast %and3A_48 : i32 to vector<512x1024xi32>
    %and3A_50 = arith.andi %bitcast_convert_type3A_47, %and3A_49 : vector<512x1024xi32>
    %or3A_51 = arith.ori %and3A_50, %iota3A_41 : vector<512x1024xi32>
    %reduce_min3A_52 = arith.constant dense<2147483647> : vector<1024xi32>
    %reduce_min3A_53 = vector.multi_reduction <minsi>, %or3A_51, %reduce_min3A_52 [0] : vector<512x1024xi32> to vector<1024xi32>
    %broadcast_in_dim3A_54 = vector.shape_cast %reduce_min3A_53 : vector<1024xi32> to vector<1x1024xi32>
    %and3A_55 = arith.constant 511 : i32
    %and3A_56 = vector.broadcast %and3A_55 : i32 to vector<1x1024xi32>
    %and3A_57 = arith.andi %broadcast_in_dim3A_54, %and3A_56 : vector<1x1024xi32>
    %eq3A_58 = vector.broadcast %broadcast_in_dim3A_54 : vector<1x1024xi32> to vector<512x1024xi32>
    %eq3A_59 = arith.cmpi eq, %or3A_51, %eq3A_58 : vector<512x1024xi32>
    %jit3A_60 = arith.constant 2147483647 : i32
    %broadcast_in_dim3A_61 = vector.broadcast %jit3A_60 : i32 to vector<512x1024xi32>
    %select_n3A_62 = arith.select %eq3A_59, %broadcast_in_dim3A_61, %or3A_51 : vector<512x1024xi1>, vector<512x1024xi32>
    %reduce_min3A_63 = arith.constant dense<2147483647> : vector<1024xi32>
    %reduce_min3A_64 = vector.multi_reduction <minsi>, %select_n3A_62, %reduce_min3A_63 [0] : vector<512x1024xi32> to vector<1024xi32>
    %broadcast_in_dim3A_65 = vector.shape_cast %reduce_min3A_64 : vector<1024xi32> to vector<1x1024xi32>
    %and3A_66 = arith.constant 511 : i32
    %and3A_67 = vector.broadcast %and3A_66 : i32 to vector<1x1024xi32>
    %and3A_68 = arith.andi %broadcast_in_dim3A_65, %and3A_67 : vector<1x1024xi32>
    %concatenate3A = tpu.concatenate %and3A_23, %and3A_57, %and3A_31, %and3A_68 in 0 : vector<1x1024xi32>, vector<1x1024xi32>, vector<1x1024xi32>, vector<1x1024xi32> -> vector<4x1024xi32>
    %swap3A = arith.constant 0 : index
    %swap3A_69 = arith.constant 0 : index
    %swap3A_70 = vector.load %arg2[%swap3A, %swap3A_69] : memref<4x1024xi32, #tpu.memory_space<vmem>>, vector<4x1024xi32>
    tpu.vector_store %arg2[%swap3A, %swap3A_69], %concatenate3A {strides = array<i32>} : memref<4x1024xi32, #tpu.memory_space<vmem>>, vector<4x1024xi32>,
    return
  }
}

</mosaic_0001>

<sc_bundles>
// kernel: kernel.4.cloned.1.call-start
scs
__scs_entry_jumppad:
0x0: {  	(pc) =	sbr.rel $0x88, $3  }
0x1: {  	(tag) =	ssettag $0x0;
	lr =	simm.s32 $0x1  }
0x2: {  	[smem:$0x3F9F] =	sst lr;
	_ =	strace $0xD0000000  }
0x3: {  	_ = 	snop  }
0x4: {  	_ = 	snop  }
0x5: {  	_ = 	snop  }
0x6: {  	_ = 	snop  }
0x7: {  	_ = 	snop  }
__scs_overlays_trampoline_lowered:
0x8: {  	[smem:$0x3FAE] =	sst s0  }
0x9: {  	[smem:$0x3FAF] =	sst s1  }
0xa: {  	[smem:$0x3FB0] =	sst s2  }
0xb: {  	[smem:$0x3FB1] =	sst s3  }
0xc: {  	[smem:$0x3FB2] =	sst s4  }
0xd: {  	[smem:$0x3FB3] =	sst s5  }
0xe: {  	[smem:$0x3FB4] =	sst s6  }
0xf: {  	[smem:$0x3FB5] =	sst s7  }
0x10: {  	[smem:$0x3FB6] =	sst s8  }
0x11: {  	[smem:$0x3FB7] =	sst s9;
	s0 =	simm.s32 @!p0 $0x0  }
0x12: {  	s1 =	sld [smem:$0x3F9D];
	s0 =	simm.s32 @p0 $0x1  }
0x13: {  	[smem:$0x3FB8] =	sst s0;
	s0 =	simm.s32 @!p1 $0x0  }
0x14: {  	s2 =	sld [smem:$0x3F9C];
	s0 =	simm.s32 @p1 $0x1  }
0x15: {  	[smem:$0x3FB9] =	sst s0;
	s0 =	simm.s32 @!p2 $0x0  }
0x16: {  	s3 =	sld [smem:$0x3FDB];
	s0 =	simm.s32 @p2 $0x1  }
0x17: {  	s4 =	simm.s32 $0x1BF5;
	[smem:$0x3FBB] =	sst s0  }
0x18: {  	s0 =	sld [smem:$0x3F9E];
	_ =	swait.ge [sflag:s4], $0x0  }
0x19: {  	s7 =	sld [smem:$0x3F9F]  }
0x1a: {  	s8 =	sadd.s32 $0xFFFFE003, lr  }
0x1b: {  	s9 =	sadd.s32 $0xFFFFFEF7, lr;
	s5 =	simm.s32 $0xFFFFFFFF;
	p2 =	slt.u32 s8, $0xFFFFF086  }
0x1c: {  	p1 =	slt.u32 s9, $0xF7A;
	s5 =	simm.s32 @!p2 $0x0  }
0x1d: {  	s5 =	simm.s32 @p1 $0x1;
	p0 =	seq.s32 s7, s2  }
0x1e: {  	s7 =	smul.u32 @!p0 $0xF7A, s2;
	p2 =	seq.s32 @!p0 s5, $0x0  }
0x1f: {  	s9 =	smul.u32 $0xF7A, s1;
	s8 =	simm.s32 @!p0 $0x1BF5;
	p2 =	por !p2, p0  }
0x20: {  	[sflag:s8] =	ssyncset.s32 @!p0 $0xFFFFF086;
	s6 =	sadd.s32 @!p0 s3, s7;
	s7 =	simm.s32 @!p0 $0x108  }
0x21: {  	s3 =	sadd.s32 s3, s9;
	s6 =	sadd.s32 @!p0 $0x88, s6;
	s7 =	simm.s32 @p2 $0x1082  }
0x22: {  	[simem:s7], [sflag:s8] =	dma.local @!p0 [hbm:s6], $0xF7A  }
0x23: {  	s9 =	sor.u32 $0xD0000000, s2;
	s6 =	simm.s32 $0x108;
	_ =	swait.ge @!p0 [sflag:s8], $0x0  }
0x24: {  	s3 =	sadd.s32 $0x88, s3;
	s6 =	simm.s32 @!p1 $0x1082;
	[sflag:s4] =	ssyncset.s32 $0xFFFFF086  }
0x25: {  	[simem:s6], [sflag:s4] =	dma.local [hbm:s3], $0xF7A  }
0x26: {  	[smem:$0x3F9F] =	sst s1;
	(tag) =	ssettag s2;
	_ =	strace s9  }
0x27: {  	s1 =	sld [smem:$0x3FAF]  }
0x28: {  	s2 =	sld [smem:$0x3FB0]  }
0x29: {  	s4 =	sld [smem:$0x3FB2]  }
0x2a: {  	p0 =	seq.s32 s5, $0x0;
	s5 =	sld [smem:$0x3FB3]  }
0x2b: {  	s6 =	sld [smem:$0x3FB4]  }
0x2c: {  	s7 =	sld [smem:$0x3FB5]  }
0x2d: {  	s3 =	simm.s32 $0x108;
	s8 =	sld [smem:$0x3FB6]  }
0x2e: {  	s3 =	simm.s32 @!p0 $0x1082;
	s9 =	sld [smem:$0x3FB7]  }
0x2f: {  	lr =	sadd.s32 s0, s3;
	s0 =	sld [smem:$0x3FAE]  }
0x30: {  	s3 =	sld [smem:$0x3FB1]  }
0x31: {  	[smem:$0x3FBA] =	sst s10  }
0x32: {  	s10 =	sld [smem:$0x3FB8];
	_ =	sdelay $0x3  }
0x33: {  	p0 =	seq.s32 s10, $0x1;
	s10 =	sld [smem:$0x3FBA];
	_ =	sdelay $0x3  }
0x34: {  	[smem:$0x3FBA] =	sst s10  }
0x35: {  	s10 =	sld [smem:$0x3FB9];
	_ =	sdelay $0x3  }
0x36: {  	p1 =	seq.s32 s10, $0x1;
	s10 =	sld [smem:$0x3FBA];
	_ =	sdelay $0x3  }
0x37: {  	[smem:$0x3FBA] =	sst s10  }
0x38: {  	s10 =	sld [smem:$0x3FBB]  }
0x39: {  	_ = 	snop;
	(pc) =	sbr.ind lr, $3  }
0x3a: {  	_ = 	snop  }
0x3b: {  	_ = 	snop  }
0x3c: {  	p2 =	seq.s32 s10, $0x1;
	s10 =	sld [smem:$0x3FBA]  }
0x3d: {  	_ =	shalt  }
0x3e: {  	_ =	shalt  }
0x3f: {  	_ =	shalt  }
0x40: {  	_ =	shalt  }
0x41: {  	_ =	shalt  }
0x42: {  	_ =	shalt  }
0x43: {  	_ =	shalt  }
0x44: {  	_ =	shalt  }
0x45: {  	_ =	shalt  }
0x46: {  	_ =	shalt  }
0x47: {  	_ =	shalt  }
0x48: {  	_ =	shalt  }
0x49: {  	_ =	shalt  }
0x4a: {  	_ =	shalt  }
0x4b: {  	_ =	shalt  }
0x4c: {  	_ =	shalt  }
0x4d: {  	_ =	shalt  }
0x4e: {  	_ =	shalt  }
0x4f: {  	_ =	shalt  }
0x50: {  	_ =	shalt  }
0x51: {  	_ =	shalt  }
0x52: {  	_ =	shalt  }
0x53: {  	_ =	shalt  }
0x54: {  	_ =	shalt  }
0x55: {  	_ =	shalt  }
0x56: {  	_ =	shalt  }
0x57: {  	_ =	shalt  }
0x58: {  	_ =	shalt  }
0x59: {  	_ =	shalt  }
0x5a: {  	_ =	shalt  }
0x5b: {  	_ =	shalt  }
0x5c: {  	_ =	shalt  }
0x5d: {  	_ =	shalt  }
0x5e: {  	_ =	shalt  }
0x5f: {  	_ =	shalt  }
0x60: {  	_ =	shalt  }
0x61: {  	_ =	shalt  }
0x62: {  	_ =	shalt  }
0x63: {  	_ =	shalt  }
0x64: {  	_ =	shalt  }
0x65: {  	_ =	shalt  }
0x66: {  	_ =	shalt  }
0x67: {  	_ =	shalt  }
0x68: {  	_ =	shalt  }
0x69: {  	_ =	shalt  }
0x6a: {  	_ =	shalt  }
0x6b: {  	_ =	shalt  }
0x6c: {  	_ =	shalt  }
0x6d: {  	_ =	shalt  }
0x6e: {  	_ =	shalt  }
0x6f: {  	_ =	shalt  }
0x70: {  	_ =	shalt  }
0x71: {  	_ =	shalt  }
0x72: {  	_ =	shalt  }
0x73: {  	_ =	shalt  }
0x74: {  	_ =	shalt  }
0x75: {  	_ =	shalt  }
0x76: {  	_ =	shalt  }
0x77: {  	_ =	shalt  }
0x78: {  	_ =	shalt  }
0x79: {  	_ =	shalt  }
0x7a: {  	_ =	shalt  }
0x7b: {  	_ =	shalt  }
0x7c: {  	_ =	shalt  }
0x7d: {  	_ =	shalt  }
0x7e: {  	_ =	shalt  }
0x7f: {  	_ =	shalt  }
0x80: {  	_ =	shalt  }
0x81: {  	_ =	shalt  }
0x82: {  	_ =	shalt  }
0x83: {  	_ =	shalt  }
0x84: {  	_ =	shalt  }
0x85: {  	_ =	shalt  }
0x86: {  	_ =	shalt  }
0x87: {  	_ =	shalt  }
.Lfunc_end0:
.L_simem_size_0:
called_computation_lowered:
.L_overlay_start_0:
0x88: {  	s2 =	sld [smem:$0x3FD9]  }
0x89: {  	s3 =	sld [smem:$0x3FFE];
	_ =	sdelay $0x1  }
0x8a: {  	s1 =	srdreg.scid  }
0x8b: {  	s0 =	sand.u32 $0x1, s1  }
0x8c: {  	s14 =	sshll.u32 s0, $0xA;
	s2 =	sadd.s32 s3, s2  }
0x8d: {  	s2 =	sadd.s32 s2, s14  }
0x8e: {  	[smem:$0x3FC6] =	sst s2  }
0x8f: {  	_ = 	snop  }
0x90: {  	s2 =	sld [smem:$0x3FD0];
	_ =	sdelay $0x2  }
0x91: {  	s15 =	simm.s32 $0xA;
	s4 =	simm.s32 $0x10  }
0x92: {  	[smem:s4], [sflag:s15] =	dma.local [hbm:s2], $0x1  }
0x93: {  	_ =	swait.eq [sflag:s15], $0x1  }
0x94: {  	s16 =	sld [smem:$0x10];
	[sflag:s15] =	ssyncset.done $0x0  }
0x95: {  	s17 =	sld [smem:$0x11];
	[sflag:s15] =	ssyncadd.s32 $0xFFFFFFFF  }
0x96: {  	s18 =	sld [smem:$0x12];
	(tm) =	ssettm $0x1  }
0x97: {  	s5 =	sld [smem:$0x3FFB];
	_ =	sdelay $0x3  }
0x98: {  	_ =	strace s5  }
0x99: {  	s5 =	sld [smem:$0x3FFC];
	_ =	sdelay $0x3  }
0x9a: {  	_ =	strace s5  }
0x9b: {  	s5 =	sld [smem:$0x3FFD];
	_ =	sdelay $0x3  }
0x9c: {  	_ =	strace s5  }
0x9d: {  	_ =	strace $0x8FFFFFFF  }
0x9e: {  	s19 =	sld [smem:$0x3FDB];
	_ =	sdelay $0x1  }
0x9f: {  	s6 =	simm.s32 $_scs_section_size  }
0xa0: {  	s7 =	simm.s32 $_size__tile_overlayer_lowered;
	s8 =	simm.s32 $_tile_overlayer_lowered  }
0xa1: {  	s22 =	simm.s32 $0x1BFF;
	s21 =	sshll.u32 s8, $0x1;
	s5 =	sadd.s32 s6, s19  }
0xa2: {  	s9 =	simm.s32 $0x0;
	s20 =	sshll.u32 s7, $0x1;
	s7 =	sadd.s32 s21, s5  }
0xa3: {  	[timem:s9], [sflag:s22] =	dma.local [hbm:s7], s20  }
0xa4: {  	_ =	swait.ge [sflag:s22], s20  }
0xa5: {  	s6 =	ssub.s32 $0x0, s20;
	[sflag:s22] =	ssyncset.done $0x0  }
0xa6: {  	[sflag:s22] =	ssyncadd.s32 s6;
	_ =	sdelay $0x1  }
0xa7: {  	s23 =	simm.s32 $0x1B8B  }
0xa8: {  	_ =	swait.ge [sflag:s23], $0x1  }
0xa9: {  	[sflag:s23] =	ssyncset.done $0x0  }
0xaa: {  	s25 =	simm.s32 $0x1B8E;
	s24 =	sld [smem:$0x3FFE];
	[sflag:s23] =	ssyncadd.s32 $0xFFFFFFFF  }
0xab: {  	s26 =	simm.s32 $execute0_lowered;
	[smem:$0x3FD2] =	sst s25  }
0xac: {  	s7 =	sshll.u32 s26, $0x1;
	_ =	strace $0x80000046;
	[dreg:$0x1] =	wrdreg $0xFFFFFFFF  }
0xad: {  	s28 =	simm.s32 $_size_execute0_lowered;
	s5 =	sadd.s32 s5, s7;
	[dreg:$0x0] =	wrdreg $0x0  }
0xae: {  	s7 =	sshll.u32 s28, $0x1;
	[dreg:$0x2] =	wrdreg s5  }
0xaf: {  	[dreg:$0x3] =	wrdreg s7  }
0xb0: {  	[dreg:$0x4] =	wrdreg $0xC0  }
0xb1: {  	_ =	task [dreg:s9], $0x5FFFF  }
0xb2: {  	[dreg:$0x1] =	wrdreg $0xFFFFFFFF  }
0xb3: {  	[dreg:$0x0] =	wrdreg $0x60  }
0xb4: {  	[dreg:$0x2] =	wrdreg s24  }
0xb5: {  	[dreg:$0x3] =	wrdreg s17  }
0xb6: {  	[dreg:$0x4] =	wrdreg s18  }
0xb7: {  	[dreg:$0x5] =	wrdreg s16  }
0xb8: {  	[dreg:$0x6] =	wrdreg $0x9  }
0xb9: {  	_ =	task.clear_ibuf [dreg:s9], $0x7FFFF;
	_ =	strace $0x90000046  }
0xba: {  	s29 =	simm.s32 $0x9;
	_ =	strace $0x80000048  }
0xbb: {  	_ =	swait.ge [sflag:s29], $0x1  }
0xbc: {  	[sflag:s29] =	ssyncadd.s32 $0xFFFFFFFF  }
0xbd: {  	_ =	strace $0x90000048  }
0xbe: {  	_ =	sfence  }
0xbf: {  	s30 =	sld [smem:$0x0];
	_ =	sdelay $0x2  }
0xc0: {  	s31 =	sshll.u32 s1, $0xD;
	s1 =	sshrl.u32 s1, $0x2  }
0xc1: {  	s3 =	sand.u32 $0x4000, s31;
	s1 =	sadd.s32 s1, s30  }
0xc2: {  	s0 =	sor.u32 s3, s0;
	s1 =	sshll.u32 s1, $0x11  }
0xc3: {  	s0 =	sor.u32 s1, s0  }
0xc4: {  	s0 =	sadd.s32 $0x8F2B, s0  }
0xc5: {  	[sflag:s0] =	ssyncadd.remote.s32 $0x1  }
0xc6: {  	_ =	sfence.sel $0xFFFF  }
0xc7: {  	[dreg:$0x0] =	wrdreg $0xFFFFFFFF;
	(pc) =	sbr.abs _section_cstart, $3  }
0xc8: {  	[dreg:$0x1] =	wrdreg $0xFFFFFFFF  }
0xc9: {  	_ =	task.clear_ibuf [dreg:s9], $0x2FFFF;
	_ =	strace $0x9FFFFFFF  }
0xca: {  	(tm) =	ssettm $0x7FFFFFFF  }
0xcb: {  	_ =	shalt  }
tec
execute0_lowered:
.L_overlay_start_1:
0x0: {  	(tag) =	ssettag $0x1  }
0x1: {  	s0 =	rddreg [dreg:$0x0]  }
0x2: {  	s1 =	rddreg [dreg:$0x1]  }
0x3: {  	s4 =	rddreg [dreg:$0x2]  }
0x4: {  	s7 =	rddreg [dreg:$0x3];
	s8 =	stileid.u32  }
0x5: {  	s2 =	simm.s32 $0x0;
	s3 =	srdreg.scid;
	s12 =	simm.s32 $0x6  }
0x6: {  	s14 =	simm.s32 $0x40;
	s15 =	simm.s32 $0x400;
	s16 =	simm.s32 $0x1000  }
0x7: {  	s17 =	simm.s32 $0x2000;
	s18 =	simm.s32 $0x5;
	s19 =	simm.s32 $0x1  }
0x8: {  	s20 =	simm.s32 $0x3;
	s23 =	simm.s32 $0x2;
	s24 =	simm.s32 $0x4  }
0x9: {  	s31 =	simm.s32 $0x6800;
	s5 =	sshll.u32 s8, $0x1;
	[smem:$0x7FF] =	sst s2  }
0xa: {  	s6 =	sand.u32 $0x1, s3;
	s28 =	sshrl.u32 s8, $0x3;
	s26 =	sand.u32 $0xE, s5  }
0xb: {  	_ =	strace $0x80000047;
	s9 =	sshll.u32 s28, $0x10;
	s3 =	sor.u32 s6, s26  }
0xc: {  	s5 =	sshll.u32 s28, $0xA;
	s6 =	ssub.s32 $0x2, s6;
	s29 =	sshll.u32 s3, $0x6  }
0xd: {  	s3 =	sadd.s32 $0xE00, s0;
	s10 =	sshrl.u32 s6, $0x1;
	s9 =	sor.u32 s9, s29  }
0xe: {  	s5 =	sor.u32 s5, s29;
	s10 =	ssub.s32 s6, s10;
	s30 =	sshrl.u32 s9, $0x3  }
0xf: {  	v0 =	vlaneseq.u32;
	s5 =	sshrl.u32 s5, $0x3;
	s10 =	smax.u32 s10, $0x1;
	s9 =	sadd.s32 s30, s0  }
0x10: {  	v0 =	vmul.u32 $0x40, v0;
	s4 =	sadd.s32 s4, s5;
	s0 =	sadd.s32 s5, s0;
	s6 =	sadd.s32 s1, s30  }
0x11: {  	s7 =	sadd.s32 s7, s30;
	s1 =	simm.s32 $0x0;
	s5 =	sadd.s32 $0x100, s4  }
0x12: {  	vm0 =	vmmov $0xffff;
	v1 =	vor.u32 $0x400, v0;
	s8 =	sadd.s32 $0x1E00, s9;
	s9 =	sadd.s32 $0x5E00, s0;
	s0 =	simm.s32 $0x7880  }
.LBB2_1:
0x13: {  	s11 =	simm.s32 $0x7800  }
0x14: {  	[tilespmem:s11], [sflag:$0x6] =	stream.linear.gather [hbm4b:s4+s2], $0x40, $0x38;
	[tilespmem:$0x78C0] =	vst v63  }
0x15: {  	_ =	swait.ge [sflag:s12], $0x40  }
0x16: {  	[sflag:s12] =	ssyncset.done $0x0  }
0x17: {  	s25 =	simm.s32 $0x7840;
	[sflag:s12] =	ssyncadd.s32 $0xFFFFFFC0  }
0x18: {  	[tilespmem:s25], [sflag:$0x6] =	stream.linear.gather [hbm4b:s5+s2], $0x40, $0x38;
	[tilespmem:$0x78C0] =	vst v63  }
0x19: {  	_ =	swait.ge [sflag:s12], $0x40  }
0x1a: {  	[sflag:s12] =	ssyncset.done $0x0  }
0x1b: {  	[sflag:s12] =	ssyncadd.s32 $0xFFFFFFC0  }
0x1c: {  	[tilespmem:s2], [sflag:$0x5] =	stream.strided.gather [hbm4b:s6+s14], $0x1000, s15, s14, $0x38;
	[tilespmem:$0x78C0] =	vst v63  }
0x1d: {  	v8 =	vld [tilespmem:$0x7800];
	_ =	sdelay $0x1  }
0x1e: {  	v9 =	vld [tilespmem:$0x7840]  }
0x1f: {  	v6 =	vld [tilespmem:$0x7810]  }
0x20: {  	v7 =	vld [tilespmem:$0x7850]  }
0x21: {  	v4 =	vld [tilespmem:$0x7820]  }
0x22: {  	v5 =	vld [tilespmem:$0x7860]  }
0x23: {  	v2 =	vld [tilespmem:$0x7830]  }
0x24: {  	v3 =	vld [tilespmem:$0x7870];
	[tilespmem:s16], [sflag:$0x1] =	stream.indirect_vreg.gather [hbm4b:s3+s2], $0x40, v8, vm0, $0xb8  }
0x25: {  	_ = 	snop  }
0x26: {  	[tilespmem:s17], [sflag:$0x3] =	stream.indirect_vreg.gather [hbm4b:s3+s2], $0x40, v9, vm0, $0xb8;
	[tilespmem:$0x78C0] =	vst v63  }
0x27: {  	_ =	swait.ge [sflag:s18], $0x1000  }
0x28: {  	[sflag:s18] =	ssyncset.done $0x0  }
0x29: {  	[sflag:s18] =	ssyncadd.s32 $0xFFFFF000  }
0x2a: {  	_ =	swait.ge [sflag:s19], $0x400  }
0x2b: {  	[sflag:s19] =	ssyncset.done $0x0  }
0x2c: {  	s26 =	simm.s32 $0x1;
	[sflag:s19] =	ssyncadd.s32 $0xFFFFFC00  }
0x2d: {  	s28 =	simm.s32 $0x2;
	v10 =	vmov s26;
	_ =	swait.ge [sflag:s20], $0x400  }
0x2e: {  	v11 =	vmov s28;
	v10 =	vand.u32 $0x3D, v10;
	[sflag:s20] =	ssyncset.done $0x0  }
0x2f: {  	s13 =	simm.s32 $0x1400;
	v12 =	vmov s2;
	s29 =	simm.s32 $0x3;
	v11 =	vand.u32 $0x3E, v11;
	v10 =	vbroadcast v10, $0x0;
	[sflag:s20] =	ssyncadd.s32 $0xFFFFFC00  }
0x30: {  	v12 =	vand.u32 $0x3C, v12;
	v13 =	vmov s29;
	v11 =	vbroadcast v11, $0x0;
	[tilespmem:s13], [sflag:$0x2] =	stream.indirect_vreg.gather [hbm4b:s3+s2], $0x40, v6, vm0, $0xb8;
	[tilespmem:$0x78C0] =	vst v63  }
0x31: {  	s30 =	simm.s32 $0x2400;
	v12 =	vbroadcast v12, $0x0;
	v13 =	vand.u32 $0x3F, v13;
	v10 =	vor.u32 v0, v10;
	s13 =	simm.s32 $0x80  }
0x32: {  	v13 =	vbroadcast v13, $0x0;
	v11 =	vor.u32 v0, v11;
	[tilespmem:s30], [sflag:$0x4] =	stream.indirect_vreg.gather [hbm4b:s3+s2], $0x40, v7, vm0, $0xb8;
	[tilespmem:$0x78C0] =	vst v63  }
0x33: {  	v12 =	vor.u32 v0, v12;
	v15 =	vld [tilespmem:s13+$0x40]  }
0x34: {  	v13 =	vor.u32 v0, v13;
	v14 =	vld [tilespmem:s13+$0x0]  }
0x35: {  	v17 =	vld [tilespmem:s13+$0xFFFFFFC0]  }
0x36: {  	v16 =	vld.idx.msk [tilespmem:v10+s16+$0x0], $0xffff  }
0x37: {  	v18 =	vld.idx.msk [tilespmem:v11+s16+$0x0], $0xffff  }
0x38: {  	v19 =	vld.idx.msk [tilespmem:v12+s16+$0x0], $0xffff  }
0x39: {  	s26 =	simm.s32 $0x6;
	v20 =	vld.idx.msk [tilespmem:v13+s17+$0x0], $0xffff  }
0x3a: {  	v23 =	vmov s26;
	v13 =	vld.idx.msk [tilespmem:v13+s16+$0x0], $0xffff  }
0x3b: {  	s21 =	simm.s32 $0x5;
	v23 =	vand.u32 $0x3E, v23;
	s25 =	simm.s32 $0x3080;
	v11 =	vld.idx.msk [tilespmem:v11+s17+$0x0], $0xffff  }
0x3c: {  	s22 =	simm.s32 $0x4;
	v23 =	vbroadcast v23, $0x0;
	v21 =	vld.idx.msk [tilespmem:v12+s17+$0x0], $0xffff;
	v12 =	vmov s21;
	[tilespmem:s25+$0x0] =	vst v18  }
0x3d: {  	v22 =	vld.idx.msk [tilespmem:v10+s17+$0x0], $0xffff;
	v10 =	vmov s22;
	v12 =	vand.u32 $0x3D, v12;
	[tilespmem:s25+$0xFFFFFFC0] =	vst v16  }
0x3e: {  	s28 =	simm.s32 $0x7;
	v23 =	vor.u32 v0, v23;
	v24 =	vld [tilespmem:s13+$0xFFFFFF80];
	v10 =	vand.u32 $0x3C, v10;
	v12 =	vbroadcast v12, $0x0;
	[tilespmem:s25+$0xFFFFFF80] =	vst v19  }
0x3f: {  	s29 =	simm.s32 $0x4080;
	v25 =	vmov s28;
	v10 =	vbroadcast v10, $0x0;
	[tilespmem:s25+$0x40] =	vst v13  }
0x40: {  	v26 =	vsub.f32 v15, v13;
	v13 =	vor.u32 v0, v12;
	v12 =	vand.u32 $0x3F, v25;
	[tilespmem:s29+$0x40] =	vst v20  }
0x41: {  	s13 =	simm.s32 $0x180;
	v59 =	vsub.f32 v17, v16;
	v18 =	vsub.f32 v14, v18;
	v16 =	vor.u32 v0, v10;
	[tilespmem:s29+$0xFFFFFF80] =	vst v21  }
0x42: {  	v10 =	vld [tilespmem:s13+$0x40];
	v14 =	vsub.f32 v14, v11;
	v27 =	vbroadcast v12, $0x0;
	[tilespmem:s29+$0xFFFFFFC0] =	vst v22;
	v26 =	vmul.f32 v26, v26  }
0x43: {  	s30 =	simm.s32 $0x5020;
	v60 =	vsub.f32 v24, v19;
	v19 =	vld.idx.msk [tilespmem:v23+s16+$0x0], $0xffff;
	[tilespmem:s29+$0x0] =	vst v11;
	v25 =	vmul.f32 v59, v59  }
0x44: {  	v12 =	vld [tilespmem:s13+$0x0];
	v18 =	vmul.f32 v18, v18;
	v27 =	vor.u32 v0, v27;
	[tilespmem:s30+$0x10] =	vst v26  }
0x45: {  	v22 =	vsub.f32 v17, v22;
	v11 =	vld [tilespmem:s13+$0xFFFFFFC0];
	v61 =	vmul.f32 v14, v14;
	[tilespmem:s30+$0xFFFFFFF0] =	vst v25  }
0x46: {  	s11 =	simm.s32 $0x5420;
	v21 =	vsub.f32 v24, v21;
	[tilespmem:s30+$0x0] =	vst v18;
	v18 =	vmul.f32 v60, v60;
	v17 =	vld.idx.msk [tilespmem:v13+s16+$0x0], $0xffff  }
0x47: {  	v22 =	vmul.f32 v22, v22;
	v14 =	vld.idx.msk [tilespmem:v16+s16+$0x0], $0xffff;
	[tilespmem:s11+$0x0] =	vst v61  }
0x48: {  	v62 =	vsub.f32 v15, v20;
	v63 =	vmul.f32 v21, v21;
	[tilespmem:s30+$0xFFFFFFE0] =	vst v18;
	v18 =	vld.idx.msk [tilespmem:v23+s17+$0x0], $0xffff  }
0x49: {  	s26 =	simm.s32 $0x8;
	[tilespmem:s11+$0xFFFFFFF0] =	vst v22;
	v15 =	vld.idx.msk [tilespmem:v27+s17+$0x0], $0xffff  }
0x4a: {  	s22 =	simm.s32 $0x4180;
	s21 =	simm.s32 $0x5060;
	s25 =	simm.s32 $0x3180;
	v21 =	vmul.f32 v62, v62;
	[tilespmem:s11+$0xFFFFFFE0] =	vst v63;
	v20 =	vld.idx.msk [tilespmem:v27+s16+$0x0], $0xffff  }
.LBB2_2:
0x4b: {  	s29 =	sadd.s32 $0x1, s26  }
0x4c: {  	v22 =	vmov s26;
	v23 =	vld.idx.msk [tilespmem:v16+s17+$0x0], $0xffff;
	v16 =	vsub.f32 v11, v17;
	[tilespmem:s11+$0x10] =	vst v21;
	s11 =	sadd.s32 $0x40, s11;
	s30 =	smov.u32 s26;
	s28 =	sadd.s32 $0x4, s26  }
0x4d: {  	p0 =	slt.u32 s26, $0x3C;
	v21 =	vand.u32 $0x3C, v22;
	v22 =	vmov s29;
	s29 =	sadd.s32 $0x2, s30;
	v24 =	vld.idx.msk [tilespmem:v13+s17+$0x0], $0xffff;
	[tilespmem:s25+$0x0] =	vst v19;
	v19 =	vsub.f32 v12, v19  }
0x4e: {  	s26 =	sadd.s32 $0x3, s30;
	v21 =	vbroadcast v21, $0x0;
	v13 =	vand.u32 $0x3D, v22;
	v22 =	vmov s29;
	v25 =	vld [tilespmem:s13+$0xFFFFFF80];
	[tilespmem:s25+$0xFFFFFFC0] =	vst v17  }
0x4f: {  	v13 =	vbroadcast v13, $0x0;
	v17 =	vand.u32 $0x3E, v22;
	[tilespmem:s25+$0xFFFFFF80] =	vst v14;
	v22 =	vsub.f32 v10, v15  }
0x50: {  	v26 =	vmov s26;
	v17 =	vbroadcast v17, $0x0;
	[tilespmem:s25+$0x40] =	vst v20;
	v20 =	vsub.f32 v10, v20  }
0x51: {  	v10 =	vand.u32 $0x3F, v26;
	v26 =	vmul.f32 v16, v16;
	v13 =	vor.u32 v0, v13;
	[tilespmem:s22+$0x40] =	vst v15  }
0x52: {  	s13 =	sadd.s32 $0x100, s13;
	v16 =	vor.u32 v0, v21;
	v15 =	vbroadcast v10, $0x0;
	v27 =	vor.u32 v0, v17;
	[tilespmem:s22+$0xFFFFFF80] =	vst v23  }
0x53: {  	v17 =	vmul.f32 v20, v20;
	v10 =	vld [tilespmem:s13+$0x40];
	v28 =	vsub.f32 v25, v14;
	[tilespmem:s22+$0xFFFFFFC0] =	vst v24;
	v14 =	vsub.f32 v12, v18  }
0x54: {  	v21 =	vmul.f32 v22, v22;
	v20 =	vor.u32 v0, v15;
	v12 =	vld [tilespmem:s13+$0x0];
	[tilespmem:s22+$0x0] =	vst v18  }
0x55: {  	v15 =	vsub.f32 v11, v24;
	v18 =	vmul.f32 v19, v19;
	v11 =	vld [tilespmem:s13+$0xFFFFFFC0];
	[tilespmem:s21+$0x10] =	vst v17  }
0x56: {  	v22 =	vmul.f32 v14, v14;
	v17 =	vld.idx.msk [tilespmem:v13+s16+$0x0], $0xffff;
	[tilespmem:s21+$0xFFFFFFF0] =	vst v26  }
.Ltmp0:
0x57: {  	v23 =	vsub.f32 v25, v23;
	v24 =	vmul.f32 v15, v15;
	v19 =	vld.idx.msk [tilespmem:v27+s16+$0x0], $0xffff;
	[tilespmem:s21+$0x0] =	vst v18;
	(pc) =	sbr.rel @p0 .LBB2_2-.Ltmp0, $4  }
0x58: {  	v18 =	vmul.f32 v28, v28;
	v14 =	vld.idx.msk [tilespmem:v16+s16+$0x0], $0xffff;
	[tilespmem:s11+$0x0] =	vst v22  }
0x59: {  	v22 =	vmul.f32 v23, v23;
	v15 =	vld.idx.msk [tilespmem:v20+s17+$0x0], $0xffff;
	[tilespmem:s11+$0xFFFFFFF0] =	vst v24  }
0x5a: {  	s26 =	smov.u32 s28;
	v20 =	vld.idx.msk [tilespmem:v20+s16+$0x0], $0xffff;
	[tilespmem:s21+$0xFFFFFFE0] =	vst v18  }
0x5b: {  	s25 =	sadd.s32 $0x100, s25;
	s22 =	sadd.s32 $0x100, s22;
	s21 =	sadd.s32 $0x40, s21;
	v18 =	vld.idx.msk [tilespmem:v27+s17+$0x0], $0xffff;
	[tilespmem:s11+$0xFFFFFFE0] =	vst v22  }
0x5c: {  	_ =	sdelay $0x2  }
0x5d: {  	[tilespmem:s11+$0x10] =	vst v21  }
0x5e: {  	v16 =	vld.idx.msk [tilespmem:v16+s17+$0x0], $0xffff;
	[tilespmem:s25+$0x0] =	vst v19  }
0x5f: {  	v13 =	vld.idx.msk [tilespmem:v13+s17+$0x0], $0xffff;
	[tilespmem:s25+$0xFFFFFFC0] =	vst v17  }
0x60: {  	v60 =	vld [tilespmem:s13+$0xFFFFFF80];
	[tilespmem:s25+$0xFFFFFF80] =	vst v14  }
0x61: {  	[tilespmem:s25+$0x40] =	vst v20  }
0x62: {  	v62 =	vsub.f32 v11, v17;
	[tilespmem:s22+$0x40] =	vst v15  }
0x63: {  	v61 =	vsub.f32 v10, v20;
	[tilespmem:s22+$0x0] =	vst v18  }
0x64: {  	v63 =	vsub.f32 v12, v19;
	v17 =	vmul.f32 v62, v62;
	[tilespmem:s22+$0xFFFFFF80] =	vst v16  }
0x65: {  	v12 =	vsub.f32 v12, v18;
	[tilespmem:s22+$0xFFFFFFC0] =	vst v13;
	v20 =	vmul.f32 v61, v61  }
0x66: {  	v10 =	vsub.f32 v10, v15;
	v11 =	vsub.f32 v11, v13;
	v13 =	vmul.f32 v63, v63;
	[tilespmem:s21+$0xFFFFFFF0] =	vst v17  }
0x67: {  	v12 =	vmul.f32 v12, v12;
	[tilespmem:s21+$0x10] =	vst v20  }
0x68: {  	s30 =	sadd.s32 $0x40, s11;
	v14 =	vsub.f32 v60, v14;
	v10 =	vmul.f32 v10, v10;
	[tilespmem:s21+$0x0] =	vst v13  }
0x69: {  	v16 =	vsub.f32 v60, v16;
	v11 =	vmul.f32 v11, v11;
	[tilespmem:s30+$0x0] =	vst v12  }
0x6a: {  	v13 =	vmul.f32 v14, v14;
	[tilespmem:s30+$0x10] =	vst v10  }
0x6b: {  	p0 =	por $0x1, $0x1;
	v12 =	vmul.f32 v16, v16;
	[tilespmem:s30+$0xFFFFFFF0] =	vst v11  }
.Ltmp1:
0x6c: {  	[tilespmem:s21+$0xFFFFFFE0] =	vst v13;
	(pc) =	sbr.rel @!p0 .LBB2_5-.Ltmp1, $4  }
0x6d: {  	s11 =	simm.s32 $0x0;
	[tilespmem:s30+$0xFFFFFFE0] =	vst v12  }
0x6e: {  	v10 =	vld [tilespmem:s11+$0x5200]  }
0x6f: {  	v11 =	vld [tilespmem:s11+$0x5600]  }
0x70: {  	s13 =	simm.s32 $0x0;
	s21 =	simm.s32 $0x40;
	v12 =	vld [tilespmem:s11+$0x5000]  }
.LBB2_4:
0x71: {  	p0 =	sne.s32 s21, $0x7C0;
	v13 =	vld [tilespmem:s13+$0x5400];
	_ =	sdelay $0x2  }
.Ltmp2:
0x72: {  	(pc) =	sbr.rel @p0 .LBB2_4-.Ltmp2, $4  }
0x73: {  	s22 =	sshra.s32 s21, $0x2;
	v12 =	vadd.f32 v10, v12  }
0x74: {  	v10 =	vld [tilespmem:s22+$0x5200];
	v13 =	vadd.f32 v11, v13  }
0x75: {  	v11 =	vld [tilespmem:s22+$0x5600];
	[tilespmem:s13+$0x5000] =	vst v12  }
0x76: {  	s21 =	sadd.s32 $0x40, s21;
	v12 =	vld [tilespmem:s22+$0x5000];
	[tilespmem:s13+$0x5400] =	vst v13;
	s13 =	smov.u32 s22  }
.LBB2_5:
0x77: {  	v13 =	vld [tilespmem:s13+$0x5400];
	_ =	sdelay $0x3  }
0x78: {  	v10 =	vadd.f32 v10, v12  }
0x79: {  	p0 =	por $0x1, $0x1;
	v11 =	vadd.f32 v11, v13  }
.Ltmp3:
0x7a: {  	[tilespmem:s13+$0x5000] =	vst v10;
	(pc) =	sbr.rel @!p0 .LBB2_7-.Ltmp3, $4  }
0x7b: {  	[tilespmem:s13+$0x5400] =	vst v11  }
0x7c: {  	v10 =	vld [tilespmem:s11+$0x5100]  }
0x7d: {  	v11 =	vld [tilespmem:s11+$0x5500]  }
0x7e: {  	s13 =	simm.s32 $0x40;
	v12 =	vld [tilespmem:s11+$0x5000]  }
.LBB2_6:
0x7f: {  	p0 =	sne.s32 s13, $0x3C0;
	v13 =	vld [tilespmem:s11+$0x5400];
	_ =	sdelay $0x2  }
.Ltmp4:
0x80: {  	(pc) =	sbr.rel @p0 .LBB2_6-.Ltmp4, $4  }
0x81: {  	s21 =	sshra.s32 s13, $0x2;
	v12 =	vadd.f32 v10, v12  }
0x82: {  	v10 =	vld [tilespmem:s21+$0x5100];
	v13 =	vadd.f32 v11, v13  }
0x83: {  	v11 =	vld [tilespmem:s21+$0x5500];
	[tilespmem:s11+$0x5000] =	vst v12  }
0x84: {  	s13 =	sadd.s32 $0x40, s13;
	v12 =	vld [tilespmem:s21+$0x5000];
	[tilespmem:s11+$0x5400] =	vst v13;
	s11 =	smov.u32 s21  }
.LBB2_7:
0x85: {  	v13 =	vld [tilespmem:s11+$0x5400];
	_ =	sdelay $0x3  }
0x86: {  	v10 =	vadd.f32 v10, v12  }
0x87: {  	v11 =	vadd.f32 v11, v13  }
0x88: {  	[tilespmem:s11+$0x5000] =	vst v10  }
0x89: {  	[tilespmem:s11+$0x5400] =	vst v11  }
0x8a: {  	v10 =	vld [tilespmem:$0x5000]  }
0x8b: {  	v11 =	vld [tilespmem:$0x5080]  }
0x8c: {  	v12 =	vld [tilespmem:$0x5400]  }
0x8d: {  	v13 =	vld [tilespmem:$0x5480]  }
0x8e: {  	v14 =	vld [tilespmem:$0x5010]  }
0x8f: {  	v15 =	vld [tilespmem:$0x5090]  }
0x90: {  	v16 =	vld [tilespmem:$0x5410]  }
0x91: {  	v17 =	vld [tilespmem:$0x5490]  }
0x92: {  	v18 =	vld [tilespmem:$0x5020]  }
0x93: {  	v19 =	vld [tilespmem:$0x50A0]  }
0x94: {  	v20 =	vld [tilespmem:$0x5420]  }
0x95: {  	v21 =	vld [tilespmem:$0x54A0]  }
0x96: {  	v22 =	vld [tilespmem:$0x5030]  }
0x97: {  	v23 =	vld [tilespmem:$0x50B0]  }
0x98: {  	v24 =	vld [tilespmem:$0x5430]  }
0x99: {  	v25 =	vld [tilespmem:$0x54B0]  }
0x9a: {  	v26 =	vld [tilespmem:$0x5040]  }
0x9b: {  	v27 =	vld [tilespmem:$0x50C0]  }
0x9c: {  	v28 =	vld [tilespmem:$0x5440]  }
0x9d: {  	v29 =	vld [tilespmem:$0x54C0]  }
0x9e: {  	v30 =	vld [tilespmem:$0x5050]  }
0x9f: {  	v31 =	vld [tilespmem:$0x50D0]  }
0xa0: {  	v32 =	vld [tilespmem:$0x5450]  }
0xa1: {  	v36 =	vld [tilespmem:$0x5460]  }
0xa2: {  	v37 =	vld [tilespmem:$0x54E0]  }
0xa3: {  	v33 =	vld [tilespmem:$0x54D0]  }
0xa4: {  	v34 =	vld [tilespmem:$0x5060];
	v10 =	vadd.f32 v11, v10  }
0xa5: {  	v35 =	vld [tilespmem:$0x50E0];
	v26 =	vadd.f32 v27, v26  }
0xa6: {  	v38 =	vld [tilespmem:$0x5070];
	v20 =	vadd.f32 v21, v20;
	[tilespmem:$0x5000] =	vst v10  }
0xa7: {  	v11 =	vld [tilespmem:$0x50F0];
	v55 =	vadd.f32 v37, v36;
	[tilespmem:$0x5040] =	vst v26  }
0xa8: {  	v48 =	vld [tilespmem:$0x5470];
	v10 =	vadd.f32 v13, v12;
	[tilespmem:$0x5420] =	vst v20  }
0xa9: {  	v12 =	vld [tilespmem:$0x54F0];
	v13 =	vadd.f32 v29, v28;
	[tilespmem:$0x5460] =	vst v55  }
0xaa: {  	v49 =	vld [tilespmem:$0x5000];
	[tilespmem:$0x5400] =	vst v10;
	v10 =	vadd.f32 v15, v14  }
0xab: {  	v58 =	vld [tilespmem:$0x5420];
	[tilespmem:$0x5440] =	vst v13;
	v13 =	vadd.f32 v31, v30  }
0xac: {  	v59 =	vld [tilespmem:$0x5460];
	v11 =	vadd.f32 v11, v38;
	[tilespmem:$0x5010] =	vst v10  }
0xad: {  	v14 =	vld [tilespmem:$0x5040];
	v10 =	vadd.f32 v17, v16;
	[tilespmem:$0x5050] =	vst v13  }
0xae: {  	v15 =	vld [tilespmem:$0x5400];
	v13 =	vadd.f32 v33, v32;
	[tilespmem:$0x5070] =	vst v11  }
0xaf: {  	v50 =	vld [tilespmem:$0x5440];
	[tilespmem:$0x5410] =	vst v10;
	v10 =	vadd.f32 v19, v18  }
0xb0: {  	v51 =	vld [tilespmem:$0x5010];
	[tilespmem:$0x5450] =	vst v13;
	v13 =	vadd.f32 v35, v34  }
0xb1: {  	v52 =	vld [tilespmem:$0x5050];
	[tilespmem:$0x5020] =	vst v10;
	v10 =	vadd.f32 v23, v22  }
0xb2: {  	[tilespmem:$0x5060] =	vst v13;
	v13 =	vld [tilespmem:$0x5020]  }
0xb3: {  	[tilespmem:$0x5030] =	vst v10;
	v10 =	vld [tilespmem:$0x5060]  }
0xb4: {  	v57 =	vld [tilespmem:$0x5070]  }
0xb5: {  	v56 =	vadd.f32 v25, v24;
	v11 =	vld [tilespmem:$0x5030]  }
0xb6: {  	v12 =	vadd.f32 v12, v48;
	v53 =	vld [tilespmem:$0x5410]  }
0xb7: {  	[tilespmem:$0x5430] =	vst v56;
	v54 =	vld [tilespmem:$0x5450];
	v14 =	vadd.f32 v14, v49  }
0xb8: {  	[tilespmem:$0x5470] =	vst v12;
	v12 =	vld [tilespmem:$0x5430];
	v10 =	vadd.f32 v10, v13  }
0xb9: {  	[tilespmem:$0x5000] =	vst v14;
	v14 =	vld [tilespmem:$0x5470];
	v13 =	vadd.f32 v52, v51  }
0xba: {  	[tilespmem:$0x5020] =	vst v10;
	v10 =	vadd.f32 v57, v11;
	v11 =	vld [tilespmem:$0x5000]  }
0xbb: {  	[tilespmem:$0x5010] =	vst v13;
	v13 =	vld [tilespmem:$0x5020]  }
0xbc: {  	v15 =	vadd.f32 v50, v15;
	[tilespmem:$0x5030] =	vst v10;
	v10 =	vld [tilespmem:$0x5010]  }
0xbd: {  	v61 =	vadd.f32 v59, v58;
	v60 =	vld [tilespmem:$0x5030]  }
0xbe: {  	[tilespmem:$0x5400] =	vst v15;
	v15 =	vadd.f32 v54, v53  }
0xbf: {  	[tilespmem:$0x5420] =	vst v61;
	v12 =	vadd.f32 v14, v12  }
0xc0: {  	v14 =	vld [tilespmem:$0x5400];
	[tilespmem:$0x5410] =	vst v15  }
0xc1: {  	[tilespmem:$0x5430] =	vst v12;
	v12 =	vld [tilespmem:$0x5410];
	v11 =	vadd.f32 v13, v11  }
0xc2: {  	v13 =	vld [tilespmem:$0x5420];
	v10 =	vadd.f32 v60, v10  }
0xc3: {  	[tilespmem:$0x5000] =	vst v11;
	v11 =	vld [tilespmem:$0x5430]  }
0xc4: {  	[tilespmem:$0x5010] =	vst v10;
	v10 =	vld [tilespmem:$0x5000]  }
0xc5: {  	v15 =	vld [tilespmem:$0x5010];
	_ =	sdelay $0x1  }
0xc6: {  	v13 =	vadd.f32 v13, v14  }
0xc7: {  	v11 =	vadd.f32 v11, v12  }
0xc8: {  	[tilespmem:$0x5400] =	vst v13  }
0xc9: {  	[tilespmem:$0x5410] =	vst v11;
	v11 =	vld [tilespmem:$0x5400];
	v10 =	vadd.f32 v15, v10  }
0xca: {  	v12 =	vld [tilespmem:$0x5410]  }
0xcb: {  	[tilespmem:$0x5000] =	vst v10  }
0xcc: {  	v10 =	vld [tilespmem:$0x5000];
	_ =	sdelay $0x2  }
0xcd: {  	v11 =	vadd.f32 v12, v11;
	_ =	sdelay $0x1  }
0xce: {  	vm2 =	vlt.s32 v8, v9;
	vm1 =	veq.f32 v10, v11  }
0xcf: {  	vm3 =	vlt.f32 v10, v11;
	vm1 =	vmand vm2, vm1  }
0xd0: {  	vm1 =	vmor vm3, vm1  }
0xd1: {  	[tilespmem:$0x5400] =	vst v11;
	v8 =	vsel vm1, v8, v9  }
0xd2: {  	s21 =	simm.s32 $0x3080;
	[tilespmem:$0x7880] =	vst v8  }
0xd3: {  	s11 =	simm.s32 $0x4080;
	v8 =	vld [tilespmem:s21+$0x40]  }
0xd4: {  	s13 =	simm.s32 $0x80;
	v9 =	vld [tilespmem:s11+$0x40]  }
0xd5: {  	v10 =	vld [tilespmem:s13+$0x40]  }
0xd6: {  	v11 =	vld [tilespmem:s21+$0xFFFFFF80]  }
0xd7: {  	v14 =	vld [tilespmem:s11+$0xFFFFFF80]  }
0xd8: {  	v15 =	vld [tilespmem:s21+$0xFFFFFFC0]  }
0xd9: {  	v62 =	vld [tilespmem:s11+$0xFFFFFFC0];
	v9 =	vsel vm1, v8, v9  }
0xda: {  	v12 =	vld [tilespmem:s21+$0x0];
	v8 =	vsub.f32 v9, v10  }
0xdb: {  	v13 =	vld [tilespmem:s11+$0x0]  }
0xdc: {  	s22 =	simm.s32 $0x5880;
	v63 =	vadd.f32 v8, v10;
	v8 =	vld [tilespmem:s13+$0xFFFFFFC0]  }
0xdd: {  	s21 =	simm.s32 $0x6880;
	[tilespmem:s22+$0x40] =	vst v9;
	v9 =	vld [tilespmem:s13+$0x0]  }
0xde: {  	s25 =	simm.s32 $0x0;
	s26 =	simm.s32 $0x3180;
	v11 =	vsel vm1, v11, v14;
	v14 =	vsel vm1, v15, v62;
	v10 =	vld [tilespmem:s13+$0xFFFFFF80];
	[tilespmem:s21+$0x40] =	vst v63  }
.LBB2_8:
0xdf: {  	v15 =	vld [tilespmem:s26+$0x40];
	[tilespmem:s22+$0xFFFFFF80] =	vst v11;
	s11 =	sadd.s32 $0x100, s11  }
0xe0: {  	s25 =	sadd.s32 $0x4, s25;
	s13 =	sadd.s32 $0x100, s13;
	v16 =	vld [tilespmem:s11+$0x40];
	[tilespmem:s22+$0xFFFFFFC0] =	vst v14;
	v12 =	vsel vm1, v12, v13  }
0xe1: {  	p0 =	slt.u32 s25, $0x3C;
	v17 =	vld [tilespmem:s13+$0x40];
	v13 =	vsub.f32 v14, v8;
	[tilespmem:s22+$0x0] =	vst v12  }
0xe2: {  	v14 =	vld [tilespmem:s26+$0xFFFFFF80];
	v12 =	vsub.f32 v12, v9  }
0xe3: {  	v18 =	vld [tilespmem:s11+$0xFFFFFF80];
	v11 =	vsub.f32 v11, v10;
	v8 =	vadd.f32 v13, v8  }
0xe4: {  	v19 =	vld [tilespmem:s26+$0xFFFFFFC0];
	v9 =	vadd.f32 v12, v9  }
0xe5: {  	v20 =	vld [tilespmem:s11+$0xFFFFFFC0];
	v15 =	vsel vm1, v15, v16;
	v10 =	vadd.f32 v11, v10;
	[tilespmem:s21+$0xFFFFFFC0] =	vst v8  }
.Ltmp5:
0xe6: {  	v12 =	vld [tilespmem:s26+$0x0];
	v16 =	vsub.f32 v15, v17;
	[tilespmem:s21+$0x0] =	vst v9;
	(pc) =	sbr.rel @p0 .LBB2_8-.Ltmp5, $4  }
0xe7: {  	v13 =	vld [tilespmem:s11+$0x0];
	[tilespmem:s21+$0xFFFFFF80] =	vst v10  }
0xe8: {  	s22 =	sadd.s32 $0x100, s22;
	v11 =	vsel vm1, v14, v18;
	v8 =	vld [tilespmem:s13+$0xFFFFFFC0];
	v16 =	vadd.f32 v16, v17  }
0xe9: {  	s21 =	sadd.s32 $0x100, s21;
	v9 =	vld [tilespmem:s13+$0x0];
	[tilespmem:s22+$0x40] =	vst v15  }
0xea: {  	s26 =	sadd.s32 $0x100, s26;
	v10 =	vld [tilespmem:s13+$0xFFFFFF80];
	v14 =	vsel vm1, v19, v20;
	[tilespmem:s21+$0x40] =	vst v16  }
0xeb: {  	_ =	sdelay $0x1  }
0xec: {  	v12 =	vsel vm1, v12, v13;
	v13 =	vsub.f32 v14, v8  }
0xed: {  	[tilespmem:s22+$0xFFFFFF80] =	vst v11;
	v15 =	vsub.f32 v12, v9  }
0xee: {  	[tilespmem:s22+$0xFFFFFFC0] =	vst v14;
	v11 =	vsub.f32 v11, v10;
	v8 =	vadd.f32 v13, v8  }
0xef: {  	[tilespmem:s22+$0x0] =	vst v12;
	v9 =	vadd.f32 v15, v9  }
0xf0: {  	v10 =	vadd.f32 v11, v10;
	[tilespmem:s21+$0xFFFFFFC0] =	vst v8  }
0xf1: {  	[tilespmem:s21+$0x0] =	vst v9  }
0xf2: {  	[tilespmem:s21+$0xFFFFFF80] =	vst v10  }
0xf3: {  	_ =	swait.ge [sflag:s23], $0x400  }
0xf4: {  	[sflag:s23] =	ssyncset.done $0x0  }
0xf5: {  	s11 =	simm.s32 $0x1;
	[sflag:s23] =	ssyncadd.s32 $0xFFFFFC00  }
0xf6: {  	s29 =	simm.s32 $0x2;
	v8 =	vmov s11;
	_ =	swait.ge [sflag:s24], $0x400  }
0xf7: {  	s13 =	simm.s32 $0x0;
	v8 =	vand.u32 $0x3D, v8;
	v9 =	vmov s29;
	[sflag:s24] =	ssyncset.done $0x0  }
0xf8: {  	s30 =	simm.s32 $0x1800;
	s22 =	simm.s32 $0x3;
	v10 =	vmov s13;
	v8 =	vbroadcast v8, $0x0;
	v9 =	vand.u32 $0x3E, v9;
	[sflag:s24] =	ssyncadd.s32 $0xFFFFFC00  }
0xf9: {  	v11 =	vmov s22;
	v10 =	vand.u32 $0x3C, v10;
	v9 =	vbroadcast v9, $0x0;
	[tilespmem:s30], [sflag:$0x1] =	stream.indirect_vreg.gather [hbm4b:s3+s13], $0x40, v4, vm0, $0xb8;
	[tilespmem:$0x78C0] =	vst v63  }
0xfa: {  	s25 =	simm.s32 $0x2800;
	s26 =	simm.s32 $0x90;
	v11 =	vand.u32 $0x3F, v11;
	v10 =	vbroadcast v10, $0x0;
	v8 =	vor.u32 v1, v8  }
0xfb: {  	v11 =	vbroadcast v11, $0x0;
	v9 =	vor.u32 v1, v9;
	[tilespmem:s25], [sflag:$0x3] =	stream.indirect_vreg.gather [hbm4b:s3+s13], $0x40, v5, vm0, $0xb8;
	[tilespmem:$0x78C0] =	vst v63  }
0xfc: {  	v10 =	vor.u32 v1, v10;
	v13 =	vld [tilespmem:s26+$0x40]  }
0xfd: {  	v11 =	vor.u32 v1, v11;
	v12 =	vld [tilespmem:s26+$0x0]  }
0xfe: {  	v15 =	vld [tilespmem:s26+$0xFFFFFFC0]  }
0xff: {  	v14 =	vld.idx.msk [tilespmem:v8+s16+$0x0], $0xffff  }
0x100: {  	v16 =	vld.idx.msk [tilespmem:v9+s16+$0x0], $0xffff  }
0x101: {  	v17 =	vld.idx.msk [tilespmem:v10+s16+$0x0], $0xffff  }
0x102: {  	v18 =	vld.idx.msk [tilespmem:v11+s17+$0x0], $0xffff  }
0x103: {  	v11 =	vld.idx.msk [tilespmem:v11+s16+$0x0], $0xffff  }
0x104: {  	s29 =	simm.s32 $0x5;
	s13 =	simm.s32 $0x3090;
	s25 =	simm.s32 $0x6;
	v9 =	vld.idx.msk [tilespmem:v9+s17+$0x0], $0xffff  }
0x105: {  	s30 =	simm.s32 $0x4;
	v19 =	vld.idx.msk [tilespmem:v10+s17+$0x0], $0xffff;
	v10 =	vmov s29;
	v21 =	vmov s25;
	[tilespmem:s13+$0x0] =	vst v16  }
0x106: {  	v20 =	vld.idx.msk [tilespmem:v8+s17+$0x0], $0xffff;
	v8 =	vmov s30;
	v10 =	vand.u32 $0x3D, v10;
	v21 =	vand.u32 $0x3E, v21;
	[tilespmem:s13+$0xFFFFFFC0] =	vst v14  }
0x107: {  	v22 =	vld [tilespmem:s26+$0xFFFFFF80];
	s26 =	simm.s32 $0x7;
	v8 =	vand.u32 $0x3C, v8;
	v10 =	vbroadcast v10, $0x0;
	v21 =	vbroadcast v21, $0x0;
	[tilespmem:s13+$0xFFFFFF80] =	vst v17  }
0x108: {  	s29 =	simm.s32 $0x4090;
	v23 =	vmov s26;
	v8 =	vbroadcast v8, $0x0;
	[tilespmem:s13+$0x40] =	vst v11  }
0x109: {  	v21 =	vor.u32 v1, v21;
	v24 =	vsub.f32 v13, v11;
	v11 =	vor.u32 v1, v10;
	[tilespmem:s29+$0x40] =	vst v18  }
0x10a: {  	v10 =	vand.u32 $0x3F, v23;
	v59 =	vsub.f32 v15, v14;
	s13 =	simm.s32 $0x190;
	v16 =	vsub.f32 v12, v16;
	[tilespmem:s29+$0xFFFFFF80] =	vst v19  }
0x10b: {  	v14 =	vor.u32 v1, v8;
	v25 =	vbroadcast v10, $0x0;
	v8 =	vld [tilespmem:s13+$0x40];
	[tilespmem:s29+$0xFFFFFFC0] =	vst v20;
	v24 =	vmul.f32 v24, v24  }
0x10c: {  	s30 =	simm.s32 $0x5020;
	v12 =	vsub.f32 v12, v9;
	[tilespmem:s29+$0x0] =	vst v9;
	v10 =	vld [tilespmem:s13+$0x0];
	v23 =	vmul.f32 v59, v59  }
0x10d: {  	v60 =	vsub.f32 v22, v17;
	v9 =	vld [tilespmem:s13+$0xFFFFFFC0];
	v16 =	vmul.f32 v16, v16;
	v25 =	vor.u32 v1, v25;
	[tilespmem:s30+$0x10] =	vst v24  }
0x10e: {  	v20 =	vsub.f32 v15, v20;
	v61 =	vmul.f32 v12, v12;
	[tilespmem:s30+$0xFFFFFFF0] =	vst v23;
	v17 =	vld.idx.msk [tilespmem:v21+s16+$0x0], $0xffff  }
0x10f: {  	s11 =	simm.s32 $0x5420;
	v19 =	vsub.f32 v22, v19;
	[tilespmem:s30+$0x0] =	vst v16;
	v16 =	vmul.f32 v60, v60;
	v15 =	vld.idx.msk [tilespmem:v11+s16+$0x0], $0xffff  }
0x110: {  	v20 =	vmul.f32 v20, v20;
	v12 =	vld.idx.msk [tilespmem:v14+s16+$0x0], $0xffff;
	[tilespmem:s11+$0x0] =	vst v61  }
0x111: {  	v62 =	vsub.f32 v13, v18;
	v63 =	vmul.f32 v19, v19;
	[tilespmem:s30+$0xFFFFFFE0] =	vst v16;
	v16 =	vld.idx.msk [tilespmem:v21+s17+$0x0], $0xffff  }
0x112: {  	s28 =	simm.s32 $0x8;
	[tilespmem:s11+$0xFFFFFFF0] =	vst v20;
	v13 =	vld.idx.msk [tilespmem:v25+s17+$0x0], $0xffff  }
0x113: {  	s22 =	simm.s32 $0x4190;
	s21 =	simm.s32 $0x5060;
	s25 =	simm.s32 $0x3190;
	v19 =	vmul.f32 v62, v62;
	[tilespmem:s11+$0xFFFFFFE0] =	vst v63;
	v18 =	vld.idx.msk [tilespmem:v25+s16+$0x0], $0xffff  }
.LBB2_10:
0x114: {  	s29 =	sadd.s32 $0x1, s28  }
0x115: {  	v20 =	vmov s28;
	v21 =	vld.idx.msk [tilespmem:v14+s17+$0x0], $0xffff;
	v14 =	vsub.f32 v9, v15;
	[tilespmem:s11+$0x10] =	vst v19;
	s11 =	sadd.s32 $0x40, s11;
	s30 =	smov.u32 s28;
	s26 =	sadd.s32 $0x4, s28  }
0x116: {  	p0 =	slt.u32 s28, $0x3C;
	v19 =	vand.u32 $0x3C, v20;
	v20 =	vmov s29;
	s29 =	sadd.s32 $0x2, s30;
	v22 =	vld.idx.msk [tilespmem:v11+s17+$0x0], $0xffff;
	[tilespmem:s25+$0x0] =	vst v17;
	v17 =	vsub.f32 v10, v17  }
0x117: {  	s28 =	sadd.s32 $0x3, s30;
	v19 =	vbroadcast v19, $0x0;
	v11 =	vand.u32 $0x3D, v20;
	v20 =	vmov s29;
	v23 =	vld [tilespmem:s13+$0xFFFFFF80];
	[tilespmem:s25+$0xFFFFFFC0] =	vst v15  }
0x118: {  	v11 =	vbroadcast v11, $0x0;
	v15 =	vand.u32 $0x3E, v20;
	[tilespmem:s25+$0xFFFFFF80] =	vst v12;
	v20 =	vsub.f32 v8, v13  }
0x119: {  	v24 =	vmov s28;
	v15 =	vbroadcast v15, $0x0;
	[tilespmem:s25+$0x40] =	vst v18;
	v18 =	vsub.f32 v8, v18  }
0x11a: {  	v8 =	vand.u32 $0x3F, v24;
	v24 =	vmul.f32 v14, v14;
	v11 =	vor.u32 v1, v11;
	[tilespmem:s22+$0x40] =	vst v13  }
0x11b: {  	s13 =	sadd.s32 $0x100, s13;
	v14 =	vor.u32 v1, v19;
	v13 =	vbroadcast v8, $0x0;
	v25 =	vor.u32 v1, v15;
	[tilespmem:s22+$0xFFFFFF80] =	vst v21  }
0x11c: {  	v15 =	vmul.f32 v18, v18;
	v8 =	vld [tilespmem:s13+$0x40];
	v26 =	vsub.f32 v23, v12;
	[tilespmem:s22+$0xFFFFFFC0] =	vst v22;
	v12 =	vsub.f32 v10, v16  }
0x11d: {  	v19 =	vmul.f32 v20, v20;
	v18 =	vor.u32 v1, v13;
	v10 =	vld [tilespmem:s13+$0x0];
	[tilespmem:s22+$0x0] =	vst v16  }
0x11e: {  	v13 =	vsub.f32 v9, v22;
	v16 =	vmul.f32 v17, v17;
	v9 =	vld [tilespmem:s13+$0xFFFFFFC0];
	[tilespmem:s21+$0x10] =	vst v15  }
0x11f: {  	v20 =	vmul.f32 v12, v12;
	v15 =	vld.idx.msk [tilespmem:v11+s16+$0x0], $0xffff;
	[tilespmem:s21+$0xFFFFFFF0] =	vst v24  }
.Ltmp6:
0x120: {  	v21 =	vsub.f32 v23, v21;
	v22 =	vmul.f32 v13, v13;
	v17 =	vld.idx.msk [tilespmem:v25+s16+$0x0], $0xffff;
	[tilespmem:s21+$0x0] =	vst v16;
	(pc) =	sbr.rel @p0 .LBB2_10-.Ltmp6, $4  }
0x121: {  	v16 =	vmul.f32 v26, v26;
	v12 =	vld.idx.msk [tilespmem:v14+s16+$0x0], $0xffff;
	[tilespmem:s11+$0x0] =	vst v20  }
0x122: {  	v20 =	vmul.f32 v21, v21;
	v13 =	vld.idx.msk [tilespmem:v18+s17+$0x0], $0xffff;
	[tilespmem:s11+$0xFFFFFFF0] =	vst v22  }
0x123: {  	s28 =	smov.u32 s26;
	v18 =	vld.idx.msk [tilespmem:v18+s16+$0x0], $0xffff;
	[tilespmem:s21+$0xFFFFFFE0] =	vst v16  }
0x124: {  	s25 =	sadd.s32 $0x100, s25;
	s22 =	sadd.s32 $0x100, s22;
	s21 =	sadd.s32 $0x40, s21;
	v16 =	vld.idx.msk [tilespmem:v25+s17+$0x0], $0xffff;
	[tilespmem:s11+$0xFFFFFFE0] =	vst v20  }
0x125: {  	_ =	sdelay $0x2  }
0x126: {  	[tilespmem:s11+$0x10] =	vst v19  }
0x127: {  	v14 =	vld.idx.msk [tilespmem:v14+s17+$0x0], $0xffff;
	[tilespmem:s25+$0x0] =	vst v17  }
0x128: {  	v11 =	vld.idx.msk [tilespmem:v11+s17+$0x0], $0xffff;
	[tilespmem:s25+$0xFFFFFFC0] =	vst v15  }
0x129: {  	v59 =	vld [tilespmem:s13+$0xFFFFFF80];
	[tilespmem:s25+$0xFFFFFF80] =	vst v12  }
0x12a: {  	[tilespmem:s25+$0x40] =	vst v18  }
0x12b: {  	v61 =	vsub.f32 v9, v15;
	[tilespmem:s22+$0x40] =	vst v13  }
0x12c: {  	v60 =	vsub.f32 v8, v18;
	[tilespmem:s22+$0x0] =	vst v16  }
0x12d: {  	v62 =	vsub.f32 v10, v17;
	v15 =	vmul.f32 v61, v61;
	[tilespmem:s22+$0xFFFFFF80] =	vst v14  }
0x12e: {  	v10 =	vsub.f32 v10, v16;
	[tilespmem:s22+$0xFFFFFFC0] =	vst v11;
	v18 =	vmul.f32 v60, v60  }
0x12f: {  	v8 =	vsub.f32 v8, v13;
	v9 =	vsub.f32 v9, v11;
	v11 =	vmul.f32 v62, v62;
	[tilespmem:s21+$0xFFFFFFF0] =	vst v15  }
0x130: {  	v10 =	vmul.f32 v10, v10;
	[tilespmem:s21+$0x10] =	vst v18  }
0x131: {  	s30 =	sadd.s32 $0x40, s11;
	v63 =	vsub.f32 v59, v12;
	v8 =	vmul.f32 v8, v8;
	[tilespmem:s21+$0x0] =	vst v11  }
0x132: {  	v14 =	vsub.f32 v59, v14;
	v9 =	vmul.f32 v9, v9;
	[tilespmem:s30+$0x0] =	vst v10  }
0x133: {  	v11 =	vmul.f32 v63, v63;
	[tilespmem:s30+$0x10] =	vst v8  }
0x134: {  	v10 =	vmul.f32 v14, v14;
	[tilespmem:s30+$0xFFFFFFF0] =	vst v9  }
0x135: {  	[tilespmem:s21+$0xFFFFFFE0] =	vst v11  }
0x136: {  	s11 =	simm.s32 $0x0;
	[tilespmem:s30+$0xFFFFFFE0] =	vst v10  }
0x137: {  	v8 =	vld [tilespmem:s11+$0x5200]  }
0x138: {  	v9 =	vld [tilespmem:s11+$0x5600]  }
0x139: {  	s13 =	simm.s32 $0x40;
	v10 =	vld [tilespmem:s11+$0x5000]  }
.LBB2_12:
0x13a: {  	p0 =	sne.s32 s13, $0x7C0;
	v11 =	vld [tilespmem:s11+$0x5400];
	_ =	sdelay $0x2  }
.Ltmp7:
0x13b: {  	(pc) =	sbr.rel @p0 .LBB2_12-.Ltmp7, $4  }
0x13c: {  	s21 =	sshra.s32 s13, $0x2;
	v10 =	vadd.f32 v8, v10  }
0x13d: {  	v8 =	vld [tilespmem:s21+$0x5200];
	v11 =	vadd.f32 v9, v11  }
0x13e: {  	v9 =	vld [tilespmem:s21+$0x5600];
	[tilespmem:s11+$0x5000] =	vst v10  }
0x13f: {  	s13 =	sadd.s32 $0x40, s13;
	v10 =	vld [tilespmem:s21+$0x5000];
	[tilespmem:s11+$0x5400] =	vst v11;
	s11 =	smov.u32 s21  }
0x140: {  	v11 =	vld [tilespmem:s11+$0x5400];
	_ =	sdelay $0x3  }
0x141: {  	v8 =	vadd.f32 v8, v10  }
0x142: {  	v9 =	vadd.f32 v9, v11  }
0x143: {  	[tilespmem:s11+$0x5000] =	vst v8  }
0x144: {  	[tilespmem:s11+$0x5400] =	vst v9;
	s11 =	simm.s32 $0x0  }
0x145: {  	v8 =	vld [tilespmem:s11+$0x5100]  }
0x146: {  	v9 =	vld [tilespmem:s11+$0x5500]  }
0x147: {  	s13 =	simm.s32 $0x40;
	v10 =	vld [tilespmem:s11+$0x5000]  }
.LBB2_14:
0x148: {  	p0 =	sne.s32 s13, $0x3C0;
	v11 =	vld [tilespmem:s11+$0x5400];
	_ =	sdelay $0x2  }
.Ltmp8:
0x149: {  	(pc) =	sbr.rel @p0 .LBB2_14-.Ltmp8, $4  }
0x14a: {  	s21 =	sshra.s32 s13, $0x2;
	v10 =	vadd.f32 v8, v10  }
0x14b: {  	v8 =	vld [tilespmem:s21+$0x5100];
	v11 =	vadd.f32 v9, v11  }
0x14c: {  	v9 =	vld [tilespmem:s21+$0x5500];
	[tilespmem:s11+$0x5000] =	vst v10  }
0x14d: {  	s13 =	sadd.s32 $0x40, s13;
	v10 =	vld [tilespmem:s21+$0x5000];
	[tilespmem:s11+$0x5400] =	vst v11;
	s11 =	smov.u32 s21  }
0x14e: {  	v11 =	vld [tilespmem:s11+$0x5400];
	_ =	sdelay $0x3  }
0x14f: {  	v8 =	vadd.f32 v8, v10  }
0x150: {  	v9 =	vadd.f32 v9, v11  }
0x151: {  	[tilespmem:s11+$0x5000] =	vst v8  }
0x152: {  	[tilespmem:s11+$0x5400] =	vst v9  }
0x153: {  	v8 =	vld [tilespmem:$0x5000]  }
0x154: {  	v9 =	vld [tilespmem:$0x5080]  }
0x155: {  	v10 =	vld [tilespmem:$0x5400]  }
0x156: {  	v11 =	vld [tilespmem:$0x5480]  }
0x157: {  	v12 =	vld [tilespmem:$0x5010]  }
0x158: {  	v13 =	vld [tilespmem:$0x5090]  }
0x159: {  	v14 =	vld [tilespmem:$0x5410]  }
0x15a: {  	v15 =	vld [tilespmem:$0x5490]  }
0x15b: {  	v16 =	vld [tilespmem:$0x5020]  }
0x15c: {  	v17 =	vld [tilespmem:$0x50A0]  }
0x15d: {  	v18 =	vld [tilespmem:$0x5420]  }
0x15e: {  	v19 =	vld [tilespmem:$0x54A0]  }
0x15f: {  	v20 =	vld [tilespmem:$0x5030]  }
0x160: {  	v21 =	vld [tilespmem:$0x50B0]  }
0x161: {  	v22 =	vld [tilespmem:$0x5430]  }
0x162: {  	v23 =	vld [tilespmem:$0x54B0]  }
0x163: {  	v24 =	vld [tilespmem:$0x5040]  }
0x164: {  	v25 =	vld [tilespmem:$0x50C0]  }
0x165: {  	v26 =	vld [tilespmem:$0x5440]  }
0x166: {  	v27 =	vld [tilespmem:$0x54C0]  }
0x167: {  	v28 =	vld [tilespmem:$0x5050]  }
0x168: {  	v29 =	vld [tilespmem:$0x50D0]  }
0x169: {  	v30 =	vld [tilespmem:$0x5450]  }
0x16a: {  	v34 =	vld [tilespmem:$0x5460]  }
0x16b: {  	v35 =	vld [tilespmem:$0x54E0]  }
0x16c: {  	v31 =	vld [tilespmem:$0x54D0]  }
0x16d: {  	v32 =	vld [tilespmem:$0x5060];
	v8 =	vadd.f32 v9, v8  }
0x16e: {  	v33 =	vld [tilespmem:$0x50E0];
	v24 =	vadd.f32 v25, v24  }
0x16f: {  	v36 =	vld [tilespmem:$0x5070];
	v18 =	vadd.f32 v19, v18;
	[tilespmem:$0x5000] =	vst v8  }
0x170: {  	v9 =	vld [tilespmem:$0x50F0];
	v59 =	vadd.f32 v35, v34;
	[tilespmem:$0x5040] =	vst v24  }
0x171: {  	v54 =	vld [tilespmem:$0x5470];
	v8 =	vadd.f32 v11, v10;
	[tilespmem:$0x5420] =	vst v18  }
0x172: {  	v10 =	vld [tilespmem:$0x54F0];
	v11 =	vadd.f32 v27, v26;
	[tilespmem:$0x5460] =	vst v59  }
0x173: {  	v55 =	vld [tilespmem:$0x5000];
	[tilespmem:$0x5400] =	vst v8;
	v8 =	vadd.f32 v13, v12  }
0x174: {  	v62 =	vld [tilespmem:$0x5420];
	[tilespmem:$0x5440] =	vst v11;
	v11 =	vadd.f32 v29, v28  }
0x175: {  	v63 =	vld [tilespmem:$0x5460];
	v9 =	vadd.f32 v9, v36;
	[tilespmem:$0x5010] =	vst v8  }
0x176: {  	v12 =	vld [tilespmem:$0x5040];
	v8 =	vadd.f32 v15, v14;
	[tilespmem:$0x5050] =	vst v11  }
0x177: {  	v13 =	vld [tilespmem:$0x5400];
	v11 =	vadd.f32 v31, v30;
	[tilespmem:$0x5070] =	vst v9  }
0x178: {  	v14 =	vld [tilespmem:$0x5440];
	[tilespmem:$0x5410] =	vst v8;
	v8 =	vadd.f32 v17, v16  }
0x179: {  	v15 =	vld [tilespmem:$0x5010];
	[tilespmem:$0x5450] =	vst v11;
	v11 =	vadd.f32 v33, v32  }
0x17a: {  	v56 =	vld [tilespmem:$0x5050];
	[tilespmem:$0x5020] =	vst v8;
	v8 =	vadd.f32 v21, v20  }
0x17b: {  	[tilespmem:$0x5060] =	vst v11;
	v11 =	vld [tilespmem:$0x5020]  }
0x17c: {  	[tilespmem:$0x5030] =	vst v8;
	v8 =	vld [tilespmem:$0x5060]  }
0x17d: {  	v61 =	vld [tilespmem:$0x5070]  }
0x17e: {  	v60 =	vadd.f32 v23, v22;
	v9 =	vld [tilespmem:$0x5030]  }
0x17f: {  	v10 =	vadd.f32 v10, v54;
	v57 =	vld [tilespmem:$0x5410]  }
0x180: {  	[tilespmem:$0x5430] =	vst v60;
	v58 =	vld [tilespmem:$0x5450];
	v12 =	vadd.f32 v12, v55  }
0x181: {  	[tilespmem:$0x5470] =	vst v10;
	v10 =	vld [tilespmem:$0x5430];
	v8 =	vadd.f32 v8, v11  }
0x182: {  	[tilespmem:$0x5000] =	vst v12;
	v12 =	vld [tilespmem:$0x5470];
	v11 =	vadd.f32 v56, v15  }
0x183: {  	[tilespmem:$0x5020] =	vst v8;
	v8 =	vadd.f32 v61, v9;
	v9 =	vld [tilespmem:$0x5000]  }
0x184: {  	v13 =	vadd.f32 v14, v13;
	[tilespmem:$0x5010] =	vst v11;
	v11 =	vld [tilespmem:$0x5020]  }
0x185: {  	[tilespmem:$0x5030] =	vst v8;
	v8 =	vld [tilespmem:$0x5010]  }
0x186: {  	[tilespmem:$0x5400] =	vst v13;
	v13 =	vadd.f32 v58, v57;
	v14 =	vld [tilespmem:$0x5030]  }
0x187: {  	v10 =	vadd.f32 v12, v10  }
0x188: {  	[tilespmem:$0x5410] =	vst v13;
	v15 =	vadd.f32 v63, v62  }
0x189: {  	v12 =	vld [tilespmem:$0x5400];
	[tilespmem:$0x5430] =	vst v10  }
0x18a: {  	v10 =	vld [tilespmem:$0x5410];
	[tilespmem:$0x5420] =	vst v15;
	v9 =	vadd.f32 v11, v9  }
0x18b: {  	v11 =	vld [tilespmem:$0x5420];
	v8 =	vadd.f32 v14, v8  }
0x18c: {  	[tilespmem:$0x5000] =	vst v9;
	v9 =	vld [tilespmem:$0x5430]  }
0x18d: {  	[tilespmem:$0x5010] =	vst v8;
	v8 =	vld [tilespmem:$0x5000]  }
0x18e: {  	v13 =	vld [tilespmem:$0x5010];
	_ =	sdelay $0x1  }
0x18f: {  	v11 =	vadd.f32 v11, v12  }
0x190: {  	v9 =	vadd.f32 v9, v10  }
0x191: {  	[tilespmem:$0x5400] =	vst v11  }
0x192: {  	[tilespmem:$0x5410] =	vst v9;
	v9 =	vld [tilespmem:$0x5400];
	v8 =	vadd.f32 v13, v8  }
0x193: {  	v10 =	vld [tilespmem:$0x5410]  }
0x194: {  	[tilespmem:$0x5000] =	vst v8  }
0x195: {  	v8 =	vld [tilespmem:$0x5000];
	_ =	sdelay $0x2  }
0x196: {  	v9 =	vadd.f32 v10, v9;
	_ =	sdelay $0x1  }
0x197: {  	vm2 =	vlt.s32 v6, v7;
	vm1 =	veq.f32 v8, v9  }
0x198: {  	vm3 =	vlt.f32 v8, v9;
	vm1 =	vmand vm2, vm1  }
0x199: {  	vm1 =	vmor vm3, vm1  }
0x19a: {  	[tilespmem:$0x5400] =	vst v9;
	v6 =	vsel vm1, v6, v7  }
0x19b: {  	s21 =	simm.s32 $0x3090;
	[tilespmem:$0x7890] =	vst v6  }
0x19c: {  	s11 =	simm.s32 $0x4090;
	v6 =	vld [tilespmem:s21+$0x40]  }
0x19d: {  	s13 =	simm.s32 $0x90;
	v7 =	vld [tilespmem:s11+$0x40]  }
0x19e: {  	v8 =	vld [tilespmem:s13+$0x40]  }
0x19f: {  	v9 =	vld [tilespmem:s21+$0xFFFFFF80]  }
0x1a0: {  	v12 =	vld [tilespmem:s11+$0xFFFFFF80]  }
0x1a1: {  	v13 =	vld [tilespmem:s21+$0xFFFFFFC0]  }
0x1a2: {  	v14 =	vld [tilespmem:s11+$0xFFFFFFC0];
	v7 =	vsel vm1, v6, v7  }
0x1a3: {  	v10 =	vld [tilespmem:s21+$0x0];
	v6 =	vsub.f32 v7, v8  }
0x1a4: {  	v11 =	vld [tilespmem:s11+$0x0]  }
0x1a5: {  	s22 =	simm.s32 $0x5890;
	v15 =	vadd.f32 v6, v8;
	v6 =	vld [tilespmem:s13+$0xFFFFFFC0]  }
0x1a6: {  	s21 =	simm.s32 $0x6890;
	[tilespmem:s22+$0x40] =	vst v7;
	v7 =	vld [tilespmem:s13+$0x0]  }
0x1a7: {  	s25 =	simm.s32 $0x0;
	s26 =	simm.s32 $0x3190;
	v9 =	vsel vm1, v9, v12;
	v12 =	vsel vm1, v13, v14;
	v8 =	vld [tilespmem:s13+$0xFFFFFF80];
	[tilespmem:s21+$0x40] =	vst v15  }
.LBB2_16:
0x1a8: {  	v13 =	vld [tilespmem:s26+$0x40];
	[tilespmem:s22+$0xFFFFFF80] =	vst v9;
	s11 =	sadd.s32 $0x100, s11  }
0x1a9: {  	s25 =	sadd.s32 $0x4, s25;
	s13 =	sadd.s32 $0x100, s13;
	v14 =	vld [tilespmem:s11+$0x40];
	[tilespmem:s22+$0xFFFFFFC0] =	vst v12;
	v10 =	vsel vm1, v10, v11  }
0x1aa: {  	p0 =	slt.u32 s25, $0x3C;
	v15 =	vld [tilespmem:s13+$0x40];
	v11 =	vsub.f32 v12, v6;
	[tilespmem:s22+$0x0] =	vst v10  }
0x1ab: {  	v12 =	vld [tilespmem:s26+$0xFFFFFF80];
	v10 =	vsub.f32 v10, v7  }
0x1ac: {  	v16 =	vld [tilespmem:s11+$0xFFFFFF80];
	v9 =	vsub.f32 v9, v8;
	v6 =	vadd.f32 v11, v6  }
0x1ad: {  	v17 =	vld [tilespmem:s26+$0xFFFFFFC0];
	v7 =	vadd.f32 v10, v7  }
0x1ae: {  	v18 =	vld [tilespmem:s11+$0xFFFFFFC0];
	v13 =	vsel vm1, v13, v14;
	v8 =	vadd.f32 v9, v8;
	[tilespmem:s21+$0xFFFFFFC0] =	vst v6  }
.Ltmp9:
0x1af: {  	v10 =	vld [tilespmem:s26+$0x0];
	v14 =	vsub.f32 v13, v15;
	[tilespmem:s21+$0x0] =	vst v7;
	(pc) =	sbr.rel @p0 .LBB2_16-.Ltmp9, $4  }
0x1b0: {  	v11 =	vld [tilespmem:s11+$0x0];
	[tilespmem:s21+$0xFFFFFF80] =	vst v8  }
0x1b1: {  	s22 =	sadd.s32 $0x100, s22;
	v9 =	vsel vm1, v12, v16;
	v6 =	vld [tilespmem:s13+$0xFFFFFFC0];
	v14 =	vadd.f32 v14, v15  }
0x1b2: {  	s21 =	sadd.s32 $0x100, s21;
	v7 =	vld [tilespmem:s13+$0x0];
	[tilespmem:s22+$0x40] =	vst v13  }
0x1b3: {  	s26 =	sadd.s32 $0x100, s26;
	v8 =	vld [tilespmem:s13+$0xFFFFFF80];
	v12 =	vsel vm1, v17, v18;
	[tilespmem:s21+$0x40] =	vst v14  }
0x1b4: {  	_ =	sdelay $0x1  }
0x1b5: {  	v10 =	vsel vm1, v10, v11;
	v11 =	vsub.f32 v12, v6  }
0x1b6: {  	[tilespmem:s22+$0xFFFFFF80] =	vst v9;
	v13 =	vsub.f32 v10, v7  }
0x1b7: {  	[tilespmem:s22+$0xFFFFFFC0] =	vst v12;
	v9 =	vsub.f32 v9, v8;
	v6 =	vadd.f32 v11, v6  }
0x1b8: {  	[tilespmem:s22+$0x0] =	vst v10;
	v7 =	vadd.f32 v13, v7  }
0x1b9: {  	v8 =	vadd.f32 v9, v8;
	[tilespmem:s21+$0xFFFFFFC0] =	vst v6  }
0x1ba: {  	[tilespmem:s21+$0x0] =	vst v7  }
0x1bb: {  	[tilespmem:s21+$0xFFFFFF80] =	vst v8  }
0x1bc: {  	s11 =	simm.s32 $0x3;
	_ =	swait.ge [sflag:s19], $0x400  }
0x1bd: {  	v6 =	vmov s11;
	[sflag:s19] =	ssyncset.done $0x0  }
0x1be: {  	s13 =	simm.s32 $0x1;
	v6 =	vand.u32 $0x3F, v6;
	[sflag:s19] =	ssyncadd.s32 $0xFFFFFC00  }
0x1bf: {  	s25 =	simm.s32 $0x2;
	v7 =	vbroadcast v6, $0x0;
	v8 =	vmov s13;
	_ =	swait.ge [sflag:s20], $0x400  }
0x1c0: {  	v9 =	vmov s25;
	v6 =	vor.u32 $0x800, v0;
	v8 =	vand.u32 $0x3D, v8;
	[sflag:s20] =	ssyncset.done $0x0  }
0x1c1: {  	s30 =	simm.s32 $0x0;
	s22 =	simm.s32 $0x1C00;
	v9 =	vand.u32 $0x3E, v9;
	v7 =	vor.u32 v6, v7;
	v8 =	vbroadcast v8, $0x0;
	[sflag:s20] =	ssyncadd.s32 $0xFFFFFC00  }
0x1c2: {  	v9 =	vbroadcast v9, $0x0;
	[tilespmem:s22], [sflag:$0x2] =	stream.indirect_vreg.gather [hbm4b:s3+s30], $0x40, v2, vm0, $0xb8;
	[tilespmem:$0x78C0] =	vst v63  }
0x1c3: {  	s26 =	simm.s32 $0x2C00;
	v8 =	vor.u32 v6, v8;
	s22 =	simm.s32 $0xA0  }
0x1c4: {  	v9 =	vor.u32 v6, v9;
	[tilespmem:s26], [sflag:$0x4] =	stream.indirect_vreg.gather [hbm4b:s3+s30], $0x40, v3, vm0, $0xb8;
	[tilespmem:$0x78C0] =	vst v63  }
0x1c5: {  	v10 =	vld [tilespmem:s22+$0x40]  }
0x1c6: {  	v11 =	vmov s30;
	v12 =	vld.idx.msk [tilespmem:v7+s16+$0x0], $0xffff  }
0x1c7: {  	v11 =	vand.u32 $0x3C, v11;
	v7 =	vld.idx.msk [tilespmem:v7+s17+$0x0], $0xffff  }
0x1c8: {  	v11 =	vbroadcast v11, $0x0;
	v13 =	vld.idx.msk [tilespmem:v8+s16+$0x0], $0xffff  }
0x1c9: {  	v15 =	vld.idx.msk [tilespmem:v9+s16+$0x0], $0xffff  }
0x1ca: {  	v11 =	vor.u32 v6, v11  }
0x1cb: {  	s28 =	simm.s32 $0x7;
	s25 =	simm.s32 $0x30A0;
	v8 =	vld.idx.msk [tilespmem:v8+s17+$0x0], $0xffff  }
0x1cc: {  	v16 =	vmov s28;
	v9 =	vld.idx.msk [tilespmem:v9+s17+$0x0], $0xffff;
	v14 =	vsub.f32 v10, v12;
	[tilespmem:s25+$0x40] =	vst v12  }
0x1cd: {  	s29 =	simm.s32 $0x5;
	v16 =	vand.u32 $0x3F, v16;
	v17 =	vld [tilespmem:s22+$0xFFFFFFC0];
	v10 =	vsub.f32 v10, v7;
	[tilespmem:s25+$0xFFFFFFC0] =	vst v13  }
0x1ce: {  	v16 =	vbroadcast v16, $0x0;
	s11 =	simm.s32 $0x40A0;
	v19 =	vld [tilespmem:s22+$0x0];
	[tilespmem:s25+$0x0] =	vst v15;
	v12 =	vmul.f32 v14, v14;
	v14 =	vmov s29  }
0x1cf: {  	s13 =	simm.s32 $0x5020;
	s30 =	simm.s32 $0x6;
	v18 =	vld.idx.msk [tilespmem:v11+s16+$0x0], $0xffff;
	[tilespmem:s11+$0x40] =	vst v7;
	v7 =	vmul.f32 v10, v10;
	v14 =	vand.u32 $0x3D, v14  }
0x1d0: {  	s21 =	simm.s32 $0x5420;
	v16 =	vor.u32 v6, v16;
	s26 =	simm.s32 $0x4;
	[tilespmem:s13+$0x10] =	vst v12;
	v12 =	vmov s30;
	v14 =	vbroadcast v14, $0x0  }
0x1d1: {  	v11 =	vld.idx.msk [tilespmem:v11+s17+$0x0], $0xffff;
	v10 =	vmov s26;
	[tilespmem:s21+$0x10] =	vst v7;
	v7 =	vand.u32 $0x3E, v12  }
0x1d2: {  	[tilespmem:s11+$0xFFFFFFC0] =	vst v8;
	v10 =	vand.u32 $0x3C, v10;
	v12 =	vld [tilespmem:s22+$0xFFFFFF80];
	v7 =	vbroadcast v7, $0x0;
	v20 =	vor.u32 v6, v14  }
0x1d3: {  	v13 =	vsub.f32 v17, v13;
	[tilespmem:s11+$0x0] =	vst v9;
	v10 =	vbroadcast v10, $0x0;
	s22 =	simm.s32 $0x1A0  }
0x1d4: {  	[tilespmem:s25+$0xFFFFFF80] =	vst v18;
	v23 =	vld [tilespmem:s22+$0x40];
	v21 =	vor.u32 v6, v7;
	v7 =	vsub.f32 v17, v8  }
0x1d5: {  	v22 =	vor.u32 v6, v10;
	v10 =	vmul.f32 v13, v13;
	v14 =	vld.idx.msk [tilespmem:v16+s17+$0x0], $0xffff;
	v8 =	vsub.f32 v19, v15  }
0x1d6: {  	v9 =	vsub.f32 v19, v9;
	[tilespmem:s11+$0xFFFFFF80] =	vst v11;
	v15 =	vld.idx.msk [tilespmem:v16+s16+$0x0], $0xffff;
	v13 =	vmul.f32 v7, v7  }
0x1d7: {  	[tilespmem:s13+$0xFFFFFFF0] =	vst v10;
	v16 =	vsub.f32 v12, v18;
	v17 =	vmul.f32 v8, v8;
	v7 =	vld.idx.msk [tilespmem:v20+s16+$0x0], $0xffff  }
0x1d8: {  	s30 =	simm.s32 $0xB;
	v10 =	vsub.f32 v12, v11;
	v11 =	vmul.f32 v9, v9;
	v8 =	vld.idx.msk [tilespmem:v20+s17+$0x0], $0xffff;
	[tilespmem:s21+$0xFFFFFFF0] =	vst v13  }
0x1d9: {  	s28 =	simm.s32 $0x9;
	v20 =	vmov s30;
	v12 =	vmul.f32 v16, v16;
	[tilespmem:s13+$0x0] =	vst v17;
	v9 =	vld.idx.msk [tilespmem:v21+s16+$0x0], $0xffff  }
0x1da: {  	s29 =	simm.s32 $0xA;
	v19 =	vsub.f32 v23, v14;
	v24 =	vmul.f32 v10, v10;
	v16 =	vmov s28;
	v10 =	vld.idx.msk [tilespmem:v21+s17+$0x0], $0xffff;
	[tilespmem:s21+$0x0] =	vst v11  }
0x1db: {  	s26 =	simm.s32 $0x8;
	v17 =	vmov s29;
	v16 =	vand.u32 $0x3D, v16;
	v11 =	vld.idx.msk [tilespmem:v22+s16+$0x0], $0xffff;
	v18 =	vsub.f32 v23, v15;
	[tilespmem:s13+$0xFFFFFFE0] =	vst v12  }
0x1dc: {  	s25 =	simm.s32 $0x31A0;
	v13 =	vmov s26;
	s26 =	simm.s32 $0xC;
	v17 =	vand.u32 $0x3E, v17;
	v16 =	vbroadcast v16, $0x0;
	v12 =	vld.idx.msk [tilespmem:v22+s17+$0x0], $0xffff;
	[tilespmem:s21+$0xFFFFFFE0] =	vst v24  }
.LBB2_18:
0x1dd: {  	p0 =	slt.u32 s26, $0x3C;
	v17 =	vbroadcast v17, $0x0;
	v20 =	vand.u32 $0x3F, v20;
	v21 =	vld [tilespmem:s22+$0xFFFFFF80];
	[tilespmem:s25+$0x40] =	vst v15;
	v15 =	vmul.f32 v18, v18;
	s11 =	sadd.s32 $0x100, s11  }
0x1de: {  	v13 =	vand.u32 $0x3C, v13;
	s13 =	sadd.s32 $0x40, s13;
	v18 =	vbroadcast v20, $0x0;
	v20 =	vld [tilespmem:s22+$0xFFFFFFC0];
	[tilespmem:s11+$0x40] =	vst v14;
	v14 =	vmul.f32 v19, v19  }
0x1df: {  	s21 =	sadd.s32 $0x40, s21;
	v13 =	vbroadcast v13, $0x0;
	v19 =	vld [tilespmem:s22+$0x0];
	[tilespmem:s13+$0x10] =	vst v15  }
0x1e0: {  	v16 =	vor.u32 v6, v16;
	v17 =	vor.u32 v6, v17;
	v18 =	vor.u32 v6, v18;
	[tilespmem:s21+$0x10] =	vst v14  }
0x1e1: {  	v22 =	vor.u32 v6, v13;
	[tilespmem:s25+$0xFFFFFFC0] =	vst v7  }
0x1e2: {  	v13 =	vsub.f32 v21, v11;
	v21 =	vsub.f32 v21, v12;
	[tilespmem:s11+$0xFFFFFFC0] =	vst v8  }
0x1e3: {  	s22 =	sadd.s32 $0x100, s22;
	v7 =	vsub.f32 v20, v7;
	v8 =	vsub.f32 v20, v8;
	[tilespmem:s25+$0x0] =	vst v9  }
0x1e4: {  	v23 =	vld [tilespmem:s22+$0x40];
	v20 =	vmul.f32 v13, v13;
	[tilespmem:s11+$0x0] =	vst v10;
	v9 =	vsub.f32 v19, v9;
	v10 =	vsub.f32 v19, v10  }
0x1e5: {  	v15 =	vld.idx.msk [tilespmem:v18+s16+$0x0], $0xffff;
	[tilespmem:s25+$0xFFFFFF80] =	vst v11;
	v11 =	vmul.f32 v7, v7;
	v13 =	vmul.f32 v8, v8  }
0x1e6: {  	v14 =	vld.idx.msk [tilespmem:v18+s17+$0x0], $0xffff;
	[tilespmem:s11+$0xFFFFFF80] =	vst v12;
	v12 =	vmul.f32 v9, v9;
	v18 =	vmul.f32 v10, v10  }
0x1e7: {  	v21 =	vmul.f32 v21, v21;
	v7 =	vld.idx.msk [tilespmem:v16+s16+$0x0], $0xffff;
	[tilespmem:s13+$0xFFFFFFF0] =	vst v11  }
.Ltmp10:
0x1e8: {  	v8 =	vld.idx.msk [tilespmem:v16+s17+$0x0], $0xffff;
	[tilespmem:s21+$0xFFFFFFF0] =	vst v13;
	(pc) =	sbr.rel @p0 .LBB2_18-.Ltmp10, $4  }
0x1e9: {  	s28 =	sadd.s32 $0x1, s26;
	s29 =	sadd.s32 $0x2, s26;
	v13 =	vmov s26;
	v9 =	vld.idx.msk [tilespmem:v17+s16+$0x0], $0xffff;
	[tilespmem:s13+$0x0] =	vst v12  }
0x1ea: {  	v11 =	vmov s28;
	v12 =	vmov s29;
	v10 =	vld.idx.msk [tilespmem:v17+s17+$0x0], $0xffff;
	[tilespmem:s21+$0x0] =	vst v18  }
0x1eb: {  	s28 =	sadd.s32 $0x3, s26;
	v16 =	vand.u32 $0x3D, v11;
	v17 =	vand.u32 $0x3E, v12;
	v18 =	vsub.f32 v23, v15;
	v11 =	vld.idx.msk [tilespmem:v22+s16+$0x0], $0xffff;
	[tilespmem:s13+$0xFFFFFFE0] =	vst v20  }
0x1ec: {  	s25 =	sadd.s32 $0x100, s25;
	s26 =	sadd.s32 $0x4, s26;
	v16 =	vbroadcast v16, $0x0;
	v20 =	vmov s28;
	v19 =	vsub.f32 v23, v14;
	v12 =	vld.idx.msk [tilespmem:v22+s17+$0x0], $0xffff;
	[tilespmem:s21+$0xFFFFFFE0] =	vst v21  }
0x1ed: {  	[tilespmem:s25+$0x40] =	vst v15  }
0x1ee: {  	s11 =	sadd.s32 $0x100, s11;
	v52 =	vld [tilespmem:s22+$0xFFFFFFC0];
	[tilespmem:s25+$0xFFFFFFC0] =	vst v7  }
0x1ef: {  	v51 =	vand.u32 $0x3F, v20;
	v54 =	vld [tilespmem:s22+$0x0];
	[tilespmem:s11+$0x40] =	vst v14  }
0x1f0: {  	v50 =	vmul.f32 v18, v18;
	v18 =	vbroadcast v51, $0x0;
	[tilespmem:s11+$0xFFFFFFC0] =	vst v8  }
0x1f1: {  	s13 =	sadd.s32 $0x40, s13;
	[tilespmem:s25+$0x0] =	vst v9  }
0x1f2: {  	v56 =	vld [tilespmem:s22+$0xFFFFFF80];
	v53 =	vmul.f32 v19, v19;
	[tilespmem:s13+$0x10] =	vst v50;
	v55 =	vor.u32 v6, v18  }
0x1f3: {  	s21 =	sadd.s32 $0x40, s21;
	[tilespmem:s11+$0x0] =	vst v10;
	v7 =	vsub.f32 v52, v7  }
0x1f4: {  	v17 =	vbroadcast v17, $0x0;
	[tilespmem:s21+$0x10] =	vst v53;
	v9 =	vsub.f32 v54, v9  }
0x1f5: {  	s29 =	sadd.s32 $0x100, s22;
	v16 =	vor.u32 v6, v16;
	[tilespmem:s25+$0xFFFFFF80] =	vst v11;
	v8 =	vsub.f32 v52, v8;
	v7 =	vmul.f32 v7, v7  }
0x1f6: {  	v57 =	vld [tilespmem:s29+$0x40];
	v17 =	vor.u32 v6, v17;
	[tilespmem:s11+$0xFFFFFF80] =	vst v12;
	v10 =	vsub.f32 v54, v10;
	v9 =	vmul.f32 v9, v9  }
0x1f7: {  	v13 =	vand.u32 $0x3C, v13;
	v11 =	vsub.f32 v56, v11;
	v8 =	vmul.f32 v8, v8;
	v58 =	vld.idx.msk [tilespmem:v55+s16+$0x0], $0xffff;
	[tilespmem:s13+$0xFFFFFFF0] =	vst v7  }
0x1f8: {  	v59 =	vsub.f32 v56, v12;
	v10 =	vmul.f32 v10, v10;
	v7 =	vbroadcast v13, $0x0;
	[tilespmem:s13+$0x0] =	vst v9  }
0x1f9: {  	v14 =	vld.idx.msk [tilespmem:v55+s17+$0x0], $0xffff;
	[tilespmem:s21+$0xFFFFFFF0] =	vst v8;
	v8 =	vmul.f32 v11, v11  }
0x1fa: {  	v9 =	vmul.f32 v59, v59;
	[tilespmem:s21+$0x0] =	vst v10;
	v6 =	vor.u32 v6, v7;
	v7 =	vld.idx.msk [tilespmem:v16+s16+$0x0], $0xffff  }
0x1fb: {  	v61 =	vld [tilespmem:s29+$0xFFFFFFC0];
	[tilespmem:s13+$0xFFFFFFE0] =	vst v8  }
0x1fc: {  	s30 =	sadd.s32 $0x100, s25;
	v10 =	vld.idx.msk [tilespmem:v16+s17+$0x0], $0xffff;
	v11 =	vsub.f32 v57, v58;
	[tilespmem:s21+$0xFFFFFFE0] =	vst v9  }
0x1fd: {  	s11 =	sadd.s32 $0x100, s11;
	v8 =	vld.idx.msk [tilespmem:v17+s16+$0x0], $0xffff;
	[tilespmem:s30+$0x40] =	vst v58  }
0x1fe: {  	v63 =	vld [tilespmem:s29+$0xFFFFFF80];
	[tilespmem:s11+$0x40] =	vst v14;
	v11 =	vmul.f32 v11, v11  }
0x1ff: {  	s13 =	sadd.s32 $0x40, s13;
	v60 =	vsub.f32 v57, v14;
	v9 =	vld.idx.msk [tilespmem:v17+s17+$0x0], $0xffff;
	[tilespmem:s30+$0xFFFFFFC0] =	vst v7  }
0x200: {  	[tilespmem:s13+$0x10] =	vst v11;
	v11 =	vld [tilespmem:s29+$0x0]  }
0x201: {  	v12 =	vmul.f32 v60, v60;
	v62 =	vld.idx.msk [tilespmem:v6+s16+$0x0], $0xffff;
	v7 =	vsub.f32 v61, v7;
	[tilespmem:s11+$0xFFFFFFC0] =	vst v10  }
0x202: {  	s21 =	sadd.s32 $0x40, s21;
	[tilespmem:s30+$0x0] =	vst v8  }
0x203: {  	v6 =	vld.idx.msk [tilespmem:v6+s17+$0x0], $0xffff;
	v10 =	vsub.f32 v61, v10;
	[tilespmem:s21+$0x10] =	vst v12;
	v7 =	vmul.f32 v7, v7  }
0x204: {  	[tilespmem:s11+$0x0] =	vst v9  }
0x205: {  	v10 =	vmul.f32 v10, v10;
	[tilespmem:s13+$0xFFFFFFF0] =	vst v7;
	v8 =	vsub.f32 v11, v8  }
0x206: {  	[tilespmem:s30+$0xFFFFFF80] =	vst v62;
	v9 =	vsub.f32 v11, v9;
	v11 =	vsub.f32 v63, v62  }
0x207: {  	[tilespmem:s21+$0xFFFFFFF0] =	vst v10;
	v8 =	vmul.f32 v8, v8  }
0x208: {  	[tilespmem:s11+$0xFFFFFF80] =	vst v6;
	v6 =	vsub.f32 v63, v6;
	v7 =	vmul.f32 v9, v9;
	v9 =	vmul.f32 v11, v11  }
0x209: {  	[tilespmem:s13+$0x0] =	vst v8  }
0x20a: {  	v6 =	vmul.f32 v6, v6;
	[tilespmem:s13+$0xFFFFFFE0] =	vst v9  }
0x20b: {  	[tilespmem:s21+$0x0] =	vst v7  }
0x20c: {  	s11 =	simm.s32 $0x0;
	[tilespmem:s21+$0xFFFFFFE0] =	vst v6  }
0x20d: {  	v6 =	vld [tilespmem:s11+$0x5200]  }
0x20e: {  	v7 =	vld [tilespmem:s11+$0x5600]  }
0x20f: {  	s13 =	simm.s32 $0x40;
	v8 =	vld [tilespmem:s11+$0x5000]  }
.LBB2_20:
0x210: {  	p0 =	sne.s32 s13, $0x7C0;
	v9 =	vld [tilespmem:s11+$0x5400];
	_ =	sdelay $0x2  }
.Ltmp11:
0x211: {  	(pc) =	sbr.rel @p0 .LBB2_20-.Ltmp11, $4  }
0x212: {  	s21 =	sshra.s32 s13, $0x2;
	v8 =	vadd.f32 v6, v8  }
0x213: {  	v6 =	vld [tilespmem:s21+$0x5200];
	v9 =	vadd.f32 v7, v9  }
0x214: {  	v7 =	vld [tilespmem:s21+$0x5600];
	[tilespmem:s11+$0x5000] =	vst v8  }
0x215: {  	s13 =	sadd.s32 $0x40, s13;
	v8 =	vld [tilespmem:s21+$0x5000];
	[tilespmem:s11+$0x5400] =	vst v9;
	s11 =	smov.u32 s21  }
0x216: {  	v9 =	vld [tilespmem:s11+$0x5400];
	_ =	sdelay $0x3  }
0x217: {  	v6 =	vadd.f32 v6, v8  }
0x218: {  	v7 =	vadd.f32 v7, v9  }
0x219: {  	[tilespmem:s11+$0x5000] =	vst v6  }
0x21a: {  	[tilespmem:s11+$0x5400] =	vst v7;
	s11 =	simm.s32 $0x0  }
0x21b: {  	v6 =	vld [tilespmem:s11+$0x5100]  }
0x21c: {  	v7 =	vld [tilespmem:s11+$0x5500]  }
0x21d: {  	s13 =	simm.s32 $0x40;
	v8 =	vld [tilespmem:s11+$0x5000]  }
.LBB2_22:
0x21e: {  	p0 =	sne.s32 s13, $0x3C0;
	v9 =	vld [tilespmem:s11+$0x5400];
	_ =	sdelay $0x2  }
.Ltmp12:
0x21f: {  	(pc) =	sbr.rel @p0 .LBB2_22-.Ltmp12, $4  }
0x220: {  	s21 =	sshra.s32 s13, $0x2;
	v8 =	vadd.f32 v6, v8  }
0x221: {  	v6 =	vld [tilespmem:s21+$0x5100];
	v9 =	vadd.f32 v7, v9  }
0x222: {  	v7 =	vld [tilespmem:s21+$0x5500];
	[tilespmem:s11+$0x5000] =	vst v8  }
0x223: {  	s13 =	sadd.s32 $0x40, s13;
	v8 =	vld [tilespmem:s21+$0x5000];
	[tilespmem:s11+$0x5400] =	vst v9;
	s11 =	smov.u32 s21  }
0x224: {  	v9 =	vld [tilespmem:s11+$0x5400];
	_ =	sdelay $0x3  }
0x225: {  	v6 =	vadd.f32 v6, v8  }
0x226: {  	v7 =	vadd.f32 v7, v9  }
0x227: {  	[tilespmem:s11+$0x5000] =	vst v6  }
0x228: {  	[tilespmem:s11+$0x5400] =	vst v7  }
0x229: {  	v6 =	vld [tilespmem:$0x5000]  }
0x22a: {  	v7 =	vld [tilespmem:$0x5080]  }
0x22b: {  	v8 =	vld [tilespmem:$0x5400]  }
0x22c: {  	v9 =	vld [tilespmem:$0x5480]  }
0x22d: {  	v10 =	vld [tilespmem:$0x5010]  }
0x22e: {  	v11 =	vld [tilespmem:$0x5090]  }
0x22f: {  	v12 =	vld [tilespmem:$0x5410]  }
0x230: {  	v13 =	vld [tilespmem:$0x5490]  }
0x231: {  	v14 =	vld [tilespmem:$0x5020]  }
0x232: {  	v15 =	vld [tilespmem:$0x50A0]  }
0x233: {  	v16 =	vld [tilespmem:$0x5420]  }
0x234: {  	v17 =	vld [tilespmem:$0x54A0]  }
0x235: {  	v18 =	vld [tilespmem:$0x5030]  }
0x236: {  	v19 =	vld [tilespmem:$0x50B0]  }
0x237: {  	v20 =	vld [tilespmem:$0x5430]  }
0x238: {  	v21 =	vld [tilespmem:$0x54B0]  }
0x239: {  	v22 =	vld [tilespmem:$0x5040]  }
0x23a: {  	v23 =	vld [tilespmem:$0x50C0]  }
0x23b: {  	v24 =	vld [tilespmem:$0x5440]  }
0x23c: {  	v25 =	vld [tilespmem:$0x54C0]  }
0x23d: {  	v26 =	vld [tilespmem:$0x5050]  }
0x23e: {  	v27 =	vld [tilespmem:$0x50D0]  }
0x23f: {  	v28 =	vld [tilespmem:$0x5450]  }
0x240: {  	v32 =	vld [tilespmem:$0x5460]  }
0x241: {  	v33 =	vld [tilespmem:$0x54E0]  }
0x242: {  	v29 =	vld [tilespmem:$0x54D0]  }
0x243: {  	v30 =	vld [tilespmem:$0x5060];
	v6 =	vadd.f32 v7, v6  }
0x244: {  	v31 =	vld [tilespmem:$0x50E0];
	v22 =	vadd.f32 v23, v22  }
0x245: {  	v34 =	vld [tilespmem:$0x5070];
	v16 =	vadd.f32 v17, v16;
	[tilespmem:$0x5000] =	vst v6  }
0x246: {  	v7 =	vld [tilespmem:$0x50F0];
	v55 =	vadd.f32 v33, v32;
	[tilespmem:$0x5040] =	vst v22  }
0x247: {  	v48 =	vld [tilespmem:$0x5470];
	v6 =	vadd.f32 v9, v8;
	[tilespmem:$0x5420] =	vst v16  }
0x248: {  	v8 =	vld [tilespmem:$0x54F0];
	v9 =	vadd.f32 v25, v24;
	[tilespmem:$0x5460] =	vst v55  }
0x249: {  	v49 =	vld [tilespmem:$0x5000];
	[tilespmem:$0x5400] =	vst v6;
	v6 =	vadd.f32 v11, v10  }
0x24a: {  	v58 =	vld [tilespmem:$0x5420];
	[tilespmem:$0x5440] =	vst v9;
	v9 =	vadd.f32 v27, v26  }
0x24b: {  	v59 =	vld [tilespmem:$0x5460];
	v7 =	vadd.f32 v7, v34;
	[tilespmem:$0x5010] =	vst v6  }
0x24c: {  	v10 =	vld [tilespmem:$0x5040];
	v6 =	vadd.f32 v13, v12;
	[tilespmem:$0x5050] =	vst v9  }
0x24d: {  	v11 =	vld [tilespmem:$0x5400];
	v9 =	vadd.f32 v29, v28;
	[tilespmem:$0x5070] =	vst v7  }
0x24e: {  	v50 =	vld [tilespmem:$0x5440];
	[tilespmem:$0x5410] =	vst v6;
	v6 =	vadd.f32 v15, v14  }
0x24f: {  	v51 =	vld [tilespmem:$0x5010];
	[tilespmem:$0x5450] =	vst v9;
	v9 =	vadd.f32 v31, v30  }
0x250: {  	v52 =	vld [tilespmem:$0x5050];
	[tilespmem:$0x5020] =	vst v6;
	v6 =	vadd.f32 v19, v18  }
0x251: {  	[tilespmem:$0x5060] =	vst v9;
	v9 =	vld [tilespmem:$0x5020]  }
0x252: {  	[tilespmem:$0x5030] =	vst v6;
	v6 =	vld [tilespmem:$0x5060]  }
0x253: {  	v57 =	vld [tilespmem:$0x5070]  }
0x254: {  	v56 =	vadd.f32 v21, v20;
	v7 =	vld [tilespmem:$0x5030]  }
0x255: {  	v8 =	vadd.f32 v8, v48;
	v53 =	vld [tilespmem:$0x5410]  }
0x256: {  	[tilespmem:$0x5430] =	vst v56;
	v54 =	vld [tilespmem:$0x5450];
	v10 =	vadd.f32 v10, v49  }
0x257: {  	[tilespmem:$0x5470] =	vst v8;
	v8 =	vld [tilespmem:$0x5430];
	v6 =	vadd.f32 v6, v9  }
0x258: {  	[tilespmem:$0x5000] =	vst v10;
	v10 =	vld [tilespmem:$0x5470];
	v9 =	vadd.f32 v52, v51  }
0x259: {  	[tilespmem:$0x5020] =	vst v6;
	v6 =	vadd.f32 v57, v7;
	v7 =	vld [tilespmem:$0x5000]  }
0x25a: {  	[tilespmem:$0x5010] =	vst v9;
	v9 =	vld [tilespmem:$0x5020]  }
0x25b: {  	v11 =	vadd.f32 v50, v11;
	[tilespmem:$0x5030] =	vst v6;
	v6 =	vld [tilespmem:$0x5010]  }
0x25c: {  	v61 =	vadd.f32 v59, v58;
	v60 =	vld [tilespmem:$0x5030]  }
0x25d: {  	[tilespmem:$0x5400] =	vst v11;
	v11 =	vadd.f32 v54, v53  }
0x25e: {  	[tilespmem:$0x5420] =	vst v61;
	v8 =	vadd.f32 v10, v8  }
0x25f: {  	v10 =	vld [tilespmem:$0x5400];
	[tilespmem:$0x5410] =	vst v11  }
0x260: {  	[tilespmem:$0x5430] =	vst v8;
	v8 =	vld [tilespmem:$0x5410];
	v7 =	vadd.f32 v9, v7  }
0x261: {  	v9 =	vld [tilespmem:$0x5420];
	v6 =	vadd.f32 v60, v6  }
0x262: {  	[tilespmem:$0x5000] =	vst v7;
	v7 =	vld [tilespmem:$0x5430]  }
0x263: {  	[tilespmem:$0x5010] =	vst v6;
	v6 =	vld [tilespmem:$0x5000]  }
0x264: {  	v11 =	vld [tilespmem:$0x5010];
	_ =	sdelay $0x1  }
0x265: {  	v9 =	vadd.f32 v9, v10  }
0x266: {  	v7 =	vadd.f32 v7, v8  }
0x267: {  	[tilespmem:$0x5400] =	vst v9  }
0x268: {  	[tilespmem:$0x5410] =	vst v7;
	v7 =	vld [tilespmem:$0x5400];
	v6 =	vadd.f32 v11, v6  }
0x269: {  	v8 =	vld [tilespmem:$0x5410]  }
0x26a: {  	[tilespmem:$0x5000] =	vst v6  }
0x26b: {  	v6 =	vld [tilespmem:$0x5000];
	_ =	sdelay $0x2  }
0x26c: {  	v7 =	vadd.f32 v8, v7;
	_ =	sdelay $0x1  }
0x26d: {  	vm2 =	vlt.s32 v4, v5;
	vm1 =	veq.f32 v6, v7  }
0x26e: {  	vm3 =	vlt.f32 v6, v7;
	vm1 =	vmand vm2, vm1  }
0x26f: {  	vm1 =	vmor vm3, vm1  }
0x270: {  	[tilespmem:$0x5400] =	vst v7;
	v4 =	vsel vm1, v4, v5  }
0x271: {  	s13 =	simm.s32 $0x30A0;
	[tilespmem:$0x78A0] =	vst v4  }
0x272: {  	s11 =	simm.s32 $0x40A0;
	v4 =	vld [tilespmem:s13+$0x40]  }
0x273: {  	s21 =	simm.s32 $0xA0;
	v5 =	vld [tilespmem:s11+$0x40]  }
0x274: {  	v6 =	vld [tilespmem:s21+$0x40]  }
0x275: {  	v7 =	vld [tilespmem:s13+$0xFFFFFF80]  }
0x276: {  	v10 =	vld [tilespmem:s11+$0xFFFFFF80]  }
0x277: {  	v11 =	vld [tilespmem:s13+$0xFFFFFFC0]  }
0x278: {  	v62 =	vld [tilespmem:s11+$0xFFFFFFC0];
	v5 =	vsel vm1, v4, v5  }
0x279: {  	v8 =	vld [tilespmem:s13+$0x0];
	v4 =	vsub.f32 v5, v6  }
0x27a: {  	v9 =	vld [tilespmem:s11+$0x0]  }
0x27b: {  	s22 =	simm.s32 $0x58A0;
	v63 =	vadd.f32 v4, v6;
	v4 =	vld [tilespmem:s21+$0xFFFFFFC0]  }
0x27c: {  	s13 =	simm.s32 $0x68A0;
	[tilespmem:s22+$0x40] =	vst v5;
	v5 =	vld [tilespmem:s21+$0x0]  }
0x27d: {  	s25 =	simm.s32 $0x0;
	s26 =	simm.s32 $0x31A0;
	v7 =	vsel vm1, v7, v10;
	v10 =	vsel vm1, v11, v62;
	v6 =	vld [tilespmem:s21+$0xFFFFFF80];
	[tilespmem:s13+$0x40] =	vst v63  }
.LBB2_24:
0x27e: {  	v11 =	vld [tilespmem:s26+$0x40];
	[tilespmem:s22+$0xFFFFFF80] =	vst v7;
	s11 =	sadd.s32 $0x100, s11  }
0x27f: {  	s25 =	sadd.s32 $0x4, s25;
	s21 =	sadd.s32 $0x100, s21;
	v12 =	vld [tilespmem:s11+$0x40];
	[tilespmem:s22+$0xFFFFFFC0] =	vst v10;
	v8 =	vsel vm1, v8, v9  }
0x280: {  	p0 =	slt.u32 s25, $0x3C;
	v13 =	vld [tilespmem:s21+$0x40];
	v9 =	vsub.f32 v10, v4;
	[tilespmem:s22+$0x0] =	vst v8  }
0x281: {  	v10 =	vld [tilespmem:s26+$0xFFFFFF80];
	v8 =	vsub.f32 v8, v5  }
0x282: {  	v14 =	vld [tilespmem:s11+$0xFFFFFF80];
	v7 =	vsub.f32 v7, v6;
	v4 =	vadd.f32 v9, v4  }
0x283: {  	v15 =	vld [tilespmem:s26+$0xFFFFFFC0];
	v5 =	vadd.f32 v8, v5  }
0x284: {  	v16 =	vld [tilespmem:s11+$0xFFFFFFC0];
	v11 =	vsel vm1, v11, v12;
	v6 =	vadd.f32 v7, v6;
	[tilespmem:s13+$0xFFFFFFC0] =	vst v4  }
.Ltmp13:
0x285: {  	v8 =	vld [tilespmem:s26+$0x0];
	v12 =	vsub.f32 v11, v13;
	[tilespmem:s13+$0x0] =	vst v5;
	(pc) =	sbr.rel @p0 .LBB2_24-.Ltmp13, $4  }
0x286: {  	v9 =	vld [tilespmem:s11+$0x0];
	[tilespmem:s13+$0xFFFFFF80] =	vst v6  }
0x287: {  	s22 =	sadd.s32 $0x100, s22;
	v7 =	vsel vm1, v10, v14;
	v4 =	vld [tilespmem:s21+$0xFFFFFFC0];
	v12 =	vadd.f32 v12, v13  }
0x288: {  	s13 =	sadd.s32 $0x100, s13;
	v5 =	vld [tilespmem:s21+$0x0];
	[tilespmem:s22+$0x40] =	vst v11  }
0x289: {  	s26 =	sadd.s32 $0x100, s26;
	v6 =	vld [tilespmem:s21+$0xFFFFFF80];
	v10 =	vsel vm1, v15, v16;
	[tilespmem:s13+$0x40] =	vst v12  }
0x28a: {  	_ =	sdelay $0x1  }
0x28b: {  	v8 =	vsel vm1, v8, v9;
	v9 =	vsub.f32 v10, v4  }
0x28c: {  	[tilespmem:s22+$0xFFFFFF80] =	vst v7;
	v11 =	vsub.f32 v8, v5  }
0x28d: {  	[tilespmem:s22+$0xFFFFFFC0] =	vst v10;
	v7 =	vsub.f32 v7, v6;
	v4 =	vadd.f32 v9, v4  }
0x28e: {  	[tilespmem:s22+$0x0] =	vst v8;
	v5 =	vadd.f32 v11, v5  }
0x28f: {  	s11 =	simm.s32 $0x3;
	v6 =	vadd.f32 v7, v6;
	[tilespmem:s13+$0xFFFFFFC0] =	vst v4  }
0x290: {  	v4 =	vmov s11;
	[tilespmem:s13+$0x0] =	vst v5  }
0x291: {  	s26 =	simm.s32 $0x2;
	v4 =	vand.u32 $0x3F, v4;
	[tilespmem:s13+$0xFFFFFF80] =	vst v6  }
0x292: {  	v7 =	vmov s26;
	v5 =	vbroadcast v4, $0x0;
	_ =	swait.ge [sflag:s23], $0x400  }
0x293: {  	v7 =	vand.u32 $0x3E, v7;
	v4 =	vor.u32 $0xC00, v0;
	[sflag:s23] =	ssyncset.done $0x0  }
0x294: {  	v7 =	vbroadcast v7, $0x0;
	v5 =	vor.u32 v4, v5;
	[sflag:s23] =	ssyncadd.s32 $0xFFFFFC00  }
0x295: {  	_ =	swait.ge [sflag:s24], $0x400  }
0x296: {  	s25 =	simm.s32 $0x1;
	v7 =	vor.u32 v4, v7;
	[sflag:s24] =	ssyncset.done $0x0  }
0x297: {  	s22 =	simm.s32 $0xB0;
	v6 =	vmov s25;
	[sflag:s24] =	ssyncadd.s32 $0xFFFFFC00  }
0x298: {  	s28 =	simm.s32 $0x0;
	v6 =	vand.u32 $0x3D, v6;
	v8 =	vld [tilespmem:s22+$0x40]  }
0x299: {  	v9 =	vmov s28;
	v6 =	vbroadcast v6, $0x0;
	v10 =	vld.idx.msk [tilespmem:v5+s16+$0x0], $0xffff  }
0x29a: {  	v9 =	vand.u32 $0x3C, v9;
	v5 =	vld.idx.msk [tilespmem:v5+s17+$0x0], $0xffff  }
0x29b: {  	v9 =	vbroadcast v9, $0x0;
	v6 =	vor.u32 v4, v6;
	v13 =	vld.idx.msk [tilespmem:v7+s16+$0x0], $0xffff;
	_ =	sdelay $0x1  }
0x29c: {  	v9 =	vor.u32 v4, v9;
	v7 =	vld.idx.msk [tilespmem:v7+s17+$0x0], $0xffff  }
0x29d: {  	s29 =	simm.s32 $0x7;
	s25 =	simm.s32 $0x30B0;
	v15 =	vld [tilespmem:s22+$0xFFFFFFC0]  }
0x29e: {  	v14 =	vmov s29;
	v17 =	vld [tilespmem:s22+$0x0];
	v12 =	vsub.f32 v8, v10;
	[tilespmem:s25+$0x40] =	vst v10  }
0x29f: {  	s21 =	simm.s32 $0x5;
	v14 =	vand.u32 $0x3F, v14;
	s11 =	simm.s32 $0x40B0;
	v11 =	vld.idx.msk [tilespmem:v6+s16+$0x0], $0xffff;
	v8 =	vsub.f32 v8, v5;
	[tilespmem:s25+$0x0] =	vst v13  }
0x2a0: {  	v14 =	vbroadcast v14, $0x0;
	v6 =	vld.idx.msk [tilespmem:v6+s17+$0x0], $0xffff;
	[tilespmem:s11+$0x40] =	vst v5;
	v10 =	vmul.f32 v12, v12;
	v12 =	vmov s21  }
0x2a1: {  	s30 =	simm.s32 $0x6;
	s13 =	simm.s32 $0x5020;
	v16 =	vld.idx.msk [tilespmem:v9+s16+$0x0], $0xffff;
	[tilespmem:s11+$0x0] =	vst v7;
	v5 =	vmul.f32 v8, v8;
	v12 =	vand.u32 $0x3D, v12  }
0x2a2: {  	s26 =	simm.s32 $0x4;
	v14 =	vor.u32 v4, v14;
	s21 =	simm.s32 $0x5420;
	[tilespmem:s13+$0x10] =	vst v10;
	v10 =	vmov s30;
	v12 =	vbroadcast v12, $0x0  }
0x2a3: {  	v9 =	vld.idx.msk [tilespmem:v9+s17+$0x0], $0xffff;
	v8 =	vmov s26;
	[tilespmem:s21+$0x10] =	vst v5;
	v5 =	vand.u32 $0x3E, v10  }
0x2a4: {  	[tilespmem:s25+$0xFFFFFFC0] =	vst v11;
	v8 =	vand.u32 $0x3C, v8;
	v10 =	vld [tilespmem:s22+$0xFFFFFF80];
	v5 =	vbroadcast v5, $0x0;
	v18 =	vor.u32 v4, v12  }
0x2a5: {  	v11 =	vsub.f32 v15, v11;
	[tilespmem:s11+$0xFFFFFFC0] =	vst v6;
	v8 =	vbroadcast v8, $0x0;
	s22 =	simm.s32 $0x1B0  }
0x2a6: {  	[tilespmem:s25+$0xFFFFFF80] =	vst v16;
	v21 =	vld [tilespmem:s22+$0x40];
	v19 =	vor.u32 v4, v5;
	v5 =	vsub.f32 v15, v6  }
0x2a7: {  	v20 =	vor.u32 v4, v8;
	v8 =	vmul.f32 v11, v11;
	v12 =	vld.idx.msk [tilespmem:v14+s17+$0x0], $0xffff;
	v6 =	vsub.f32 v17, v13  }
0x2a8: {  	v7 =	vsub.f32 v17, v7;
	[tilespmem:s11+$0xFFFFFF80] =	vst v9;
	v13 =	vld.idx.msk [tilespmem:v14+s16+$0x0], $0xffff;
	v11 =	vmul.f32 v5, v5  }
0x2a9: {  	[tilespmem:s13+$0xFFFFFFF0] =	vst v8;
	v14 =	vsub.f32 v10, v16;
	v15 =	vmul.f32 v6, v6;
	v5 =	vld.idx.msk [tilespmem:v18+s16+$0x0], $0xffff  }
0x2aa: {  	s30 =	simm.s32 $0xB;
	v8 =	vsub.f32 v10, v9;
	v9 =	vmul.f32 v7, v7;
	v6 =	vld.idx.msk [tilespmem:v18+s17+$0x0], $0xffff;
	[tilespmem:s21+$0xFFFFFFF0] =	vst v11  }
0x2ab: {  	s28 =	simm.s32 $0x9;
	v18 =	vmov s30;
	v10 =	vmul.f32 v14, v14;
	[tilespmem:s13+$0x0] =	vst v15;
	v7 =	vld.idx.msk [tilespmem:v19+s16+$0x0], $0xffff  }
0x2ac: {  	s29 =	simm.s32 $0xA;
	v17 =	vsub.f32 v21, v12;
	v22 =	vmul.f32 v8, v8;
	v14 =	vmov s28;
	v8 =	vld.idx.msk [tilespmem:v19+s17+$0x0], $0xffff;
	[tilespmem:s21+$0x0] =	vst v9  }
0x2ad: {  	s26 =	simm.s32 $0x8;
	v15 =	vmov s29;
	v14 =	vand.u32 $0x3D, v14;
	v9 =	vld.idx.msk [tilespmem:v20+s16+$0x0], $0xffff;
	v16 =	vsub.f32 v21, v13;
	[tilespmem:s13+$0xFFFFFFE0] =	vst v10  }
0x2ae: {  	s25 =	simm.s32 $0x31B0;
	v11 =	vmov s26;
	s26 =	simm.s32 $0xC;
	v15 =	vand.u32 $0x3E, v15;
	v14 =	vbroadcast v14, $0x0;
	v10 =	vld.idx.msk [tilespmem:v20+s17+$0x0], $0xffff;
	[tilespmem:s21+$0xFFFFFFE0] =	vst v22  }
.LBB2_26:
0x2af: {  	p0 =	slt.u32 s26, $0x3C;
	v15 =	vbroadcast v15, $0x0;
	v18 =	vand.u32 $0x3F, v18;
	v19 =	vld [tilespmem:s22+$0xFFFFFF80];
	[tilespmem:s25+$0x40] =	vst v13;
	v13 =	vmul.f32 v16, v16;
	s11 =	sadd.s32 $0x100, s11  }
0x2b0: {  	v11 =	vand.u32 $0x3C, v11;
	s13 =	sadd.s32 $0x40, s13;
	v16 =	vbroadcast v18, $0x0;
	v18 =	vld [tilespmem:s22+$0xFFFFFFC0];
	[tilespmem:s11+$0x40] =	vst v12;
	v12 =	vmul.f32 v17, v17  }
0x2b1: {  	s21 =	sadd.s32 $0x40, s21;
	v11 =	vbroadcast v11, $0x0;
	v17 =	vld [tilespmem:s22+$0x0];
	[tilespmem:s13+$0x10] =	vst v13  }
0x2b2: {  	v14 =	vor.u32 v4, v14;
	v15 =	vor.u32 v4, v15;
	v16 =	vor.u32 v4, v16;
	[tilespmem:s21+$0x10] =	vst v12  }
0x2b3: {  	v20 =	vor.u32 v4, v11;
	[tilespmem:s25+$0xFFFFFFC0] =	vst v5  }
0x2b4: {  	v11 =	vsub.f32 v19, v9;
	v19 =	vsub.f32 v19, v10;
	[tilespmem:s11+$0xFFFFFFC0] =	vst v6  }
0x2b5: {  	s22 =	sadd.s32 $0x100, s22;
	v5 =	vsub.f32 v18, v5;
	v6 =	vsub.f32 v18, v6;
	[tilespmem:s25+$0x0] =	vst v7  }
0x2b6: {  	v21 =	vld [tilespmem:s22+$0x40];
	v18 =	vmul.f32 v11, v11;
	[tilespmem:s11+$0x0] =	vst v8;
	v7 =	vsub.f32 v17, v7;
	v8 =	vsub.f32 v17, v8  }
0x2b7: {  	v13 =	vld.idx.msk [tilespmem:v16+s16+$0x0], $0xffff;
	[tilespmem:s25+$0xFFFFFF80] =	vst v9;
	v9 =	vmul.f32 v5, v5;
	v11 =	vmul.f32 v6, v6  }
0x2b8: {  	v12 =	vld.idx.msk [tilespmem:v16+s17+$0x0], $0xffff;
	[tilespmem:s11+$0xFFFFFF80] =	vst v10;
	v10 =	vmul.f32 v7, v7;
	v16 =	vmul.f32 v8, v8  }
0x2b9: {  	v19 =	vmul.f32 v19, v19;
	v5 =	vld.idx.msk [tilespmem:v14+s16+$0x0], $0xffff;
	[tilespmem:s13+$0xFFFFFFF0] =	vst v9  }
.Ltmp14:
0x2ba: {  	v6 =	vld.idx.msk [tilespmem:v14+s17+$0x0], $0xffff;
	[tilespmem:s21+$0xFFFFFFF0] =	vst v11;
	(pc) =	sbr.rel @p0 .LBB2_26-.Ltmp14, $4  }
0x2bb: {  	s28 =	sadd.s32 $0x1, s26;
	s29 =	sadd.s32 $0x2, s26;
	v11 =	vmov s26;
	v7 =	vld.idx.msk [tilespmem:v15+s16+$0x0], $0xffff;
	[tilespmem:s13+$0x0] =	vst v10  }
0x2bc: {  	v9 =	vmov s28;
	v10 =	vmov s29;
	v8 =	vld.idx.msk [tilespmem:v15+s17+$0x0], $0xffff;
	[tilespmem:s21+$0x0] =	vst v16  }
0x2bd: {  	s28 =	sadd.s32 $0x3, s26;
	v14 =	vand.u32 $0x3D, v9;
	v15 =	vand.u32 $0x3E, v10;
	v16 =	vsub.f32 v21, v13;
	v9 =	vld.idx.msk [tilespmem:v20+s16+$0x0], $0xffff;
	[tilespmem:s13+$0xFFFFFFE0] =	vst v18  }
0x2be: {  	s25 =	sadd.s32 $0x100, s25;
	s26 =	sadd.s32 $0x4, s26;
	v14 =	vbroadcast v14, $0x0;
	v18 =	vmov s28;
	v17 =	vsub.f32 v21, v12;
	v10 =	vld.idx.msk [tilespmem:v20+s17+$0x0], $0xffff;
	[tilespmem:s21+$0xFFFFFFE0] =	vst v19  }
0x2bf: {  	[tilespmem:s25+$0x40] =	vst v13  }
0x2c0: {  	s11 =	sadd.s32 $0x100, s11;
	v48 =	vld [tilespmem:s22+$0xFFFFFFC0];
	[tilespmem:s25+$0xFFFFFFC0] =	vst v5  }
0x2c1: {  	v47 =	vand.u32 $0x3F, v18;
	v50 =	vld [tilespmem:s22+$0x0];
	[tilespmem:s11+$0x40] =	vst v12  }
0x2c2: {  	v46 =	vmul.f32 v16, v16;
	v16 =	vbroadcast v47, $0x0;
	[tilespmem:s11+$0xFFFFFFC0] =	vst v6  }
0x2c3: {  	s13 =	sadd.s32 $0x40, s13;
	[tilespmem:s25+$0x0] =	vst v7  }
0x2c4: {  	v52 =	vld [tilespmem:s22+$0xFFFFFF80];
	v49 =	vmul.f32 v17, v17;
	[tilespmem:s13+$0x10] =	vst v46;
	v51 =	vor.u32 v4, v16  }
0x2c5: {  	s21 =	sadd.s32 $0x40, s21;
	[tilespmem:s11+$0x0] =	vst v8;
	v5 =	vsub.f32 v48, v5  }
0x2c6: {  	v15 =	vbroadcast v15, $0x0;
	[tilespmem:s21+$0x10] =	vst v49;
	v7 =	vsub.f32 v50, v7  }
0x2c7: {  	s29 =	sadd.s32 $0x100, s22;
	v14 =	vor.u32 v4, v14;
	[tilespmem:s25+$0xFFFFFF80] =	vst v9;
	v6 =	vsub.f32 v48, v6;
	v5 =	vmul.f32 v5, v5  }
0x2c8: {  	v53 =	vld [tilespmem:s29+$0x40];
	v15 =	vor.u32 v4, v15;
	[tilespmem:s11+$0xFFFFFF80] =	vst v10;
	v8 =	vsub.f32 v50, v8;
	v7 =	vmul.f32 v7, v7  }
0x2c9: {  	v11 =	vand.u32 $0x3C, v11;
	v55 =	vsub.f32 v52, v9;
	v6 =	vmul.f32 v6, v6;
	v54 =	vld.idx.msk [tilespmem:v51+s16+$0x0], $0xffff;
	[tilespmem:s13+$0xFFFFFFF0] =	vst v5  }
0x2ca: {  	v56 =	vsub.f32 v52, v10;
	v8 =	vmul.f32 v8, v8;
	v5 =	vbroadcast v11, $0x0;
	[tilespmem:s13+$0x0] =	vst v7  }
0x2cb: {  	v12 =	vld.idx.msk [tilespmem:v51+s17+$0x0], $0xffff;
	[tilespmem:s21+$0xFFFFFFF0] =	vst v6;
	v6 =	vmul.f32 v55, v55  }
0x2cc: {  	v7 =	vmul.f32 v56, v56;
	[tilespmem:s21+$0x0] =	vst v8;
	v4 =	vor.u32 v4, v5;
	v5 =	vld.idx.msk [tilespmem:v14+s16+$0x0], $0xffff  }
0x2cd: {  	v59 =	vld [tilespmem:s29+$0xFFFFFFC0];
	[tilespmem:s13+$0xFFFFFFE0] =	vst v6  }
0x2ce: {  	s30 =	sadd.s32 $0x100, s25;
	v8 =	vld.idx.msk [tilespmem:v14+s17+$0x0], $0xffff;
	v57 =	vsub.f32 v53, v54;
	[tilespmem:s21+$0xFFFFFFE0] =	vst v7  }
0x2cf: {  	s11 =	sadd.s32 $0x100, s11;
	v6 =	vld.idx.msk [tilespmem:v15+s16+$0x0], $0xffff;
	[tilespmem:s30+$0x40] =	vst v54  }
0x2d0: {  	[tilespmem:s11+$0x40] =	vst v12;
	v9 =	vmul.f32 v57, v57  }
0x2d1: {  	s13 =	sadd.s32 $0x40, s13;
	v58 =	vsub.f32 v53, v12;
	v7 =	vld.idx.msk [tilespmem:v15+s17+$0x0], $0xffff;
	[tilespmem:s30+$0xFFFFFFC0] =	vst v5  }
0x2d2: {  	v61 =	vld [tilespmem:s29+$0x0];
	[tilespmem:s13+$0x10] =	vst v9  }
0x2d3: {  	v10 =	vmul.f32 v58, v58;
	v60 =	vld.idx.msk [tilespmem:v4+s16+$0x0], $0xffff;
	v5 =	vsub.f32 v59, v5;
	[tilespmem:s11+$0xFFFFFFC0] =	vst v8  }
0x2d4: {  	v62 =	vld [tilespmem:s29+$0xFFFFFF80];
	s21 =	sadd.s32 $0x40, s21;
	[tilespmem:s30+$0x0] =	vst v6  }
0x2d5: {  	v4 =	vld.idx.msk [tilespmem:v4+s17+$0x0], $0xffff;
	v8 =	vsub.f32 v59, v8;
	[tilespmem:s21+$0x10] =	vst v10;
	v5 =	vmul.f32 v5, v5  }
0x2d6: {  	[tilespmem:s11+$0x0] =	vst v7  }
0x2d7: {  	v6 =	vsub.f32 v61, v6;
	v8 =	vmul.f32 v8, v8;
	[tilespmem:s13+$0xFFFFFFF0] =	vst v5  }
0x2d8: {  	v7 =	vsub.f32 v61, v7;
	[tilespmem:s30+$0xFFFFFF80] =	vst v60  }
0x2d9: {  	v6 =	vmul.f32 v6, v6;
	v63 =	vsub.f32 v62, v60;
	[tilespmem:s21+$0xFFFFFFF0] =	vst v8  }
0x2da: {  	v5 =	vmul.f32 v7, v7;
	[tilespmem:s11+$0xFFFFFF80] =	vst v4;
	v4 =	vsub.f32 v62, v4  }
0x2db: {  	[tilespmem:s13+$0x0] =	vst v6;
	v7 =	vmul.f32 v63, v63  }
0x2dc: {  	[tilespmem:s21+$0x0] =	vst v5;
	v4 =	vmul.f32 v4, v4  }
0x2dd: {  	[tilespmem:s13+$0xFFFFFFE0] =	vst v7  }
0x2de: {  	s11 =	simm.s32 $0x0;
	[tilespmem:s21+$0xFFFFFFE0] =	vst v4  }
0x2df: {  	v4 =	vld [tilespmem:s11+$0x5200]  }
0x2e0: {  	v5 =	vld [tilespmem:s11+$0x5600]  }
0x2e1: {  	s13 =	simm.s32 $0x40;
	v6 =	vld [tilespmem:s11+$0x5000]  }
.LBB2_28:
0x2e2: {  	p0 =	sne.s32 s13, $0x7C0;
	v7 =	vld [tilespmem:s11+$0x5400];
	_ =	sdelay $0x2  }
.Ltmp15:
0x2e3: {  	(pc) =	sbr.rel @p0 .LBB2_28-.Ltmp15, $4  }
0x2e4: {  	s21 =	sshra.s32 s13, $0x2;
	v6 =	vadd.f32 v4, v6  }
0x2e5: {  	v4 =	vld [tilespmem:s21+$0x5200];
	v7 =	vadd.f32 v5, v7  }
0x2e6: {  	v5 =	vld [tilespmem:s21+$0x5600];
	[tilespmem:s11+$0x5000] =	vst v6  }
0x2e7: {  	s13 =	sadd.s32 $0x40, s13;
	v6 =	vld [tilespmem:s21+$0x5000];
	[tilespmem:s11+$0x5400] =	vst v7;
	s11 =	smov.u32 s21  }
0x2e8: {  	v7 =	vld [tilespmem:s11+$0x5400];
	_ =	sdelay $0x3  }
0x2e9: {  	v4 =	vadd.f32 v4, v6  }
0x2ea: {  	v5 =	vadd.f32 v5, v7  }
0x2eb: {  	[tilespmem:s11+$0x5000] =	vst v4  }
0x2ec: {  	[tilespmem:s11+$0x5400] =	vst v5;
	s11 =	simm.s32 $0x0  }
0x2ed: {  	v4 =	vld [tilespmem:s11+$0x5100]  }
0x2ee: {  	v5 =	vld [tilespmem:s11+$0x5500]  }
0x2ef: {  	s13 =	simm.s32 $0x40;
	v6 =	vld [tilespmem:s11+$0x5000]  }
.LBB2_30:
0x2f0: {  	p0 =	sne.s32 s13, $0x3C0;
	v7 =	vld [tilespmem:s11+$0x5400];
	_ =	sdelay $0x2  }
.Ltmp16:
0x2f1: {  	(pc) =	sbr.rel @p0 .LBB2_30-.Ltmp16, $4  }
0x2f2: {  	s21 =	sshra.s32 s13, $0x2;
	v6 =	vadd.f32 v4, v6  }
0x2f3: {  	v4 =	vld [tilespmem:s21+$0x5100];
	v7 =	vadd.f32 v5, v7  }
0x2f4: {  	v5 =	vld [tilespmem:s21+$0x5500];
	[tilespmem:s11+$0x5000] =	vst v6  }
0x2f5: {  	s13 =	sadd.s32 $0x40, s13;
	v6 =	vld [tilespmem:s21+$0x5000];
	[tilespmem:s11+$0x5400] =	vst v7;
	s11 =	smov.u32 s21  }
0x2f6: {  	v7 =	vld [tilespmem:s11+$0x5400];
	_ =	sdelay $0x3  }
0x2f7: {  	v4 =	vadd.f32 v4, v6  }
0x2f8: {  	v5 =	vadd.f32 v5, v7  }
0x2f9: {  	[tilespmem:s11+$0x5000] =	vst v4  }
0x2fa: {  	[tilespmem:s11+$0x5400] =	vst v5  }
0x2fb: {  	v4 =	vld [tilespmem:$0x5000]  }
0x2fc: {  	v5 =	vld [tilespmem:$0x5080]  }
0x2fd: {  	v6 =	vld [tilespmem:$0x5400]  }
0x2fe: {  	v7 =	vld [tilespmem:$0x5480]  }
0x2ff: {  	v8 =	vld [tilespmem:$0x5010]  }
0x300: {  	v9 =	vld [tilespmem:$0x5090]  }
0x301: {  	v10 =	vld [tilespmem:$0x5410]  }
0x302: {  	v11 =	vld [tilespmem:$0x5490]  }
0x303: {  	v12 =	vld [tilespmem:$0x5020]  }
0x304: {  	v13 =	vld [tilespmem:$0x50A0]  }
0x305: {  	v14 =	vld [tilespmem:$0x5420]  }
0x306: {  	v15 =	vld [tilespmem:$0x54A0]  }
0x307: {  	v16 =	vld [tilespmem:$0x5030]  }
0x308: {  	v17 =	vld [tilespmem:$0x50B0]  }
0x309: {  	v18 =	vld [tilespmem:$0x5430]  }
0x30a: {  	v19 =	vld [tilespmem:$0x54B0]  }
0x30b: {  	v20 =	vld [tilespmem:$0x5040]  }
0x30c: {  	v21 =	vld [tilespmem:$0x50C0]  }
0x30d: {  	v22 =	vld [tilespmem:$0x5440]  }
0x30e: {  	v23 =	vld [tilespmem:$0x54C0]  }
0x30f: {  	v24 =	vld [tilespmem:$0x5050]  }
0x310: {  	v25 =	vld [tilespmem:$0x50D0]  }
0x311: {  	v26 =	vld [tilespmem:$0x5450]  }
0x312: {  	v30 =	vld [tilespmem:$0x5460]  }
0x313: {  	v31 =	vld [tilespmem:$0x54E0]  }
0x314: {  	v27 =	vld [tilespmem:$0x54D0]  }
0x315: {  	v28 =	vld [tilespmem:$0x5060];
	v4 =	vadd.f32 v5, v4  }
0x316: {  	v29 =	vld [tilespmem:$0x50E0];
	v20 =	vadd.f32 v21, v20  }
0x317: {  	v32 =	vld [tilespmem:$0x5070];
	v14 =	vadd.f32 v15, v14;
	[tilespmem:$0x5000] =	vst v4  }
0x318: {  	v5 =	vld [tilespmem:$0x50F0];
	v59 =	vadd.f32 v31, v30;
	[tilespmem:$0x5040] =	vst v20  }
0x319: {  	v54 =	vld [tilespmem:$0x5470];
	v4 =	vadd.f32 v7, v6;
	[tilespmem:$0x5420] =	vst v14  }
0x31a: {  	v6 =	vld [tilespmem:$0x54F0];
	v7 =	vadd.f32 v23, v22;
	[tilespmem:$0x5460] =	vst v59  }
0x31b: {  	v55 =	vld [tilespmem:$0x5000];
	[tilespmem:$0x5400] =	vst v4;
	v4 =	vadd.f32 v9, v8  }
0x31c: {  	v62 =	vld [tilespmem:$0x5420];
	[tilespmem:$0x5440] =	vst v7;
	v7 =	vadd.f32 v25, v24  }
0x31d: {  	v63 =	vld [tilespmem:$0x5460];
	v5 =	vadd.f32 v5, v32;
	[tilespmem:$0x5010] =	vst v4  }
0x31e: {  	v8 =	vld [tilespmem:$0x5040];
	v4 =	vadd.f32 v11, v10;
	[tilespmem:$0x5050] =	vst v7  }
0x31f: {  	v9 =	vld [tilespmem:$0x5400];
	v7 =	vadd.f32 v27, v26;
	[tilespmem:$0x5070] =	vst v5  }
0x320: {  	v10 =	vld [tilespmem:$0x5440];
	[tilespmem:$0x5410] =	vst v4;
	v4 =	vadd.f32 v13, v12  }
0x321: {  	v11 =	vld [tilespmem:$0x5010];
	[tilespmem:$0x5450] =	vst v7;
	v7 =	vadd.f32 v29, v28  }
0x322: {  	v56 =	vld [tilespmem:$0x5050];
	[tilespmem:$0x5020] =	vst v4;
	v4 =	vadd.f32 v17, v16  }
0x323: {  	[tilespmem:$0x5060] =	vst v7;
	v7 =	vld [tilespmem:$0x5020]  }
0x324: {  	[tilespmem:$0x5030] =	vst v4;
	v4 =	vld [tilespmem:$0x5060]  }
0x325: {  	v61 =	vld [tilespmem:$0x5070]  }
0x326: {  	v60 =	vadd.f32 v19, v18;
	v5 =	vld [tilespmem:$0x5030]  }
0x327: {  	v6 =	vadd.f32 v6, v54;
	v57 =	vld [tilespmem:$0x5410]  }
0x328: {  	[tilespmem:$0x5430] =	vst v60;
	v58 =	vld [tilespmem:$0x5450];
	v8 =	vadd.f32 v8, v55  }
0x329: {  	[tilespmem:$0x5470] =	vst v6;
	v6 =	vld [tilespmem:$0x5430];
	v4 =	vadd.f32 v4, v7  }
0x32a: {  	[tilespmem:$0x5000] =	vst v8;
	v8 =	vld [tilespmem:$0x5470];
	v7 =	vadd.f32 v56, v11  }
0x32b: {  	[tilespmem:$0x5020] =	vst v4;
	v4 =	vadd.f32 v61, v5;
	v5 =	vld [tilespmem:$0x5000]  }
0x32c: {  	v9 =	vadd.f32 v10, v9;
	[tilespmem:$0x5010] =	vst v7;
	v7 =	vld [tilespmem:$0x5020]  }
0x32d: {  	[tilespmem:$0x5030] =	vst v4;
	v4 =	vld [tilespmem:$0x5010]  }
0x32e: {  	[tilespmem:$0x5400] =	vst v9;
	v9 =	vadd.f32 v58, v57;
	v10 =	vld [tilespmem:$0x5030]  }
0x32f: {  	v6 =	vadd.f32 v8, v6  }
0x330: {  	[tilespmem:$0x5410] =	vst v9;
	v11 =	vadd.f32 v63, v62  }
0x331: {  	v8 =	vld [tilespmem:$0x5400];
	[tilespmem:$0x5430] =	vst v6  }
0x332: {  	v6 =	vld [tilespmem:$0x5410];
	[tilespmem:$0x5420] =	vst v11;
	v5 =	vadd.f32 v7, v5  }
0x333: {  	v7 =	vld [tilespmem:$0x5420];
	v4 =	vadd.f32 v10, v4  }
0x334: {  	[tilespmem:$0x5000] =	vst v5;
	v5 =	vld [tilespmem:$0x5430]  }
0x335: {  	[tilespmem:$0x5010] =	vst v4;
	v4 =	vld [tilespmem:$0x5000]  }
0x336: {  	v9 =	vld [tilespmem:$0x5010];
	_ =	sdelay $0x1  }
0x337: {  	v7 =	vadd.f32 v7, v8  }
0x338: {  	v5 =	vadd.f32 v5, v6  }
0x339: {  	[tilespmem:$0x5400] =	vst v7  }
0x33a: {  	[tilespmem:$0x5410] =	vst v5;
	v5 =	vld [tilespmem:$0x5400];
	v4 =	vadd.f32 v9, v4  }
0x33b: {  	v6 =	vld [tilespmem:$0x5410]  }
0x33c: {  	[tilespmem:$0x5000] =	vst v4  }
0x33d: {  	v4 =	vld [tilespmem:$0x5000];
	_ =	sdelay $0x2  }
0x33e: {  	v5 =	vadd.f32 v6, v5;
	_ =	sdelay $0x1  }
0x33f: {  	vm2 =	vlt.s32 v2, v3;
	vm1 =	veq.f32 v4, v5  }
0x340: {  	vm3 =	vlt.f32 v4, v5;
	vm1 =	vmand vm2, vm1  }
0x341: {  	vm1 =	vmor vm3, vm1  }
0x342: {  	[tilespmem:$0x5400] =	vst v5;
	v2 =	vsel vm1, v2, v3  }
0x343: {  	s21 =	simm.s32 $0x30B0;
	[tilespmem:$0x78B0] =	vst v2  }
0x344: {  	s11 =	simm.s32 $0x40B0;
	v2 =	vld [tilespmem:s21+$0x40]  }
0x345: {  	s13 =	simm.s32 $0xB0;
	v3 =	vld [tilespmem:s11+$0x40]  }
0x346: {  	v4 =	vld [tilespmem:s13+$0x40]  }
0x347: {  	v5 =	vld [tilespmem:s21+$0xFFFFFF80]  }
0x348: {  	v8 =	vld [tilespmem:s11+$0xFFFFFF80]  }
0x349: {  	v9 =	vld [tilespmem:s21+$0xFFFFFFC0]  }
0x34a: {  	v10 =	vld [tilespmem:s11+$0xFFFFFFC0];
	v3 =	vsel vm1, v2, v3  }
0x34b: {  	v6 =	vld [tilespmem:s21+$0x0];
	v2 =	vsub.f32 v3, v4  }
0x34c: {  	v7 =	vld [tilespmem:s11+$0x0]  }
0x34d: {  	s22 =	simm.s32 $0x58B0;
	v11 =	vadd.f32 v2, v4;
	v2 =	vld [tilespmem:s13+$0xFFFFFFC0]  }
0x34e: {  	s21 =	simm.s32 $0x68B0;
	[tilespmem:s22+$0x40] =	vst v3;
	v3 =	vld [tilespmem:s13+$0x0]  }
0x34f: {  	s25 =	simm.s32 $0x0;
	s26 =	simm.s32 $0x31B0;
	v5 =	vsel vm1, v5, v8;
	v8 =	vsel vm1, v9, v10;
	v4 =	vld [tilespmem:s13+$0xFFFFFF80];
	[tilespmem:s21+$0x40] =	vst v11  }
.LBB2_32:
0x350: {  	v9 =	vld [tilespmem:s26+$0x40];
	[tilespmem:s22+$0xFFFFFF80] =	vst v5;
	s11 =	sadd.s32 $0x100, s11  }
0x351: {  	s25 =	sadd.s32 $0x4, s25;
	s13 =	sadd.s32 $0x100, s13;
	v10 =	vld [tilespmem:s11+$0x40];
	[tilespmem:s22+$0xFFFFFFC0] =	vst v8;
	v6 =	vsel vm1, v6, v7  }
0x352: {  	p0 =	slt.u32 s25, $0x3C;
	v11 =	vld [tilespmem:s13+$0x40];
	v7 =	vsub.f32 v8, v2;
	[tilespmem:s22+$0x0] =	vst v6  }
0x353: {  	v8 =	vld [tilespmem:s26+$0xFFFFFF80];
	v6 =	vsub.f32 v6, v3  }
0x354: {  	v12 =	vld [tilespmem:s11+$0xFFFFFF80];
	v5 =	vsub.f32 v5, v4;
	v2 =	vadd.f32 v7, v2  }
0x355: {  	v13 =	vld [tilespmem:s26+$0xFFFFFFC0];
	v3 =	vadd.f32 v6, v3  }
0x356: {  	v14 =	vld [tilespmem:s11+$0xFFFFFFC0];
	v9 =	vsel vm1, v9, v10;
	v4 =	vadd.f32 v5, v4;
	[tilespmem:s21+$0xFFFFFFC0] =	vst v2  }
.Ltmp17:
0x357: {  	v6 =	vld [tilespmem:s26+$0x0];
	v10 =	vsub.f32 v9, v11;
	[tilespmem:s21+$0x0] =	vst v3;
	(pc) =	sbr.rel @p0 .LBB2_32-.Ltmp17, $4  }
0x358: {  	v7 =	vld [tilespmem:s11+$0x0];
	[tilespmem:s21+$0xFFFFFF80] =	vst v4  }
0x359: {  	s22 =	sadd.s32 $0x100, s22;
	v5 =	vsel vm1, v8, v12;
	v2 =	vld [tilespmem:s13+$0xFFFFFFC0];
	v10 =	vadd.f32 v10, v11  }
0x35a: {  	s21 =	sadd.s32 $0x100, s21;
	v3 =	vld [tilespmem:s13+$0x0];
	[tilespmem:s22+$0x40] =	vst v9  }
0x35b: {  	s26 =	sadd.s32 $0x100, s26;
	v4 =	vld [tilespmem:s13+$0xFFFFFF80];
	v8 =	vsel vm1, v13, v14;
	[tilespmem:s21+$0x40] =	vst v10  }
0x35c: {  	_ =	sdelay $0x1  }
0x35d: {  	v6 =	vsel vm1, v6, v7;
	v61 =	vsub.f32 v8, v2  }
0x35e: {  	[tilespmem:s22+$0xFFFFFFC0] =	vst v8;
	v62 =	vsub.f32 v6, v3  }
0x35f: {  	[tilespmem:s22+$0xFFFFFF80] =	vst v5;
	v63 =	vsub.f32 v5, v4;
	v2 =	vadd.f32 v61, v2  }
0x360: {  	[tilespmem:s22+$0x0] =	vst v6;
	v3 =	vadd.f32 v62, v3  }
0x361: {  	v4 =	vadd.f32 v63, v4;
	[tilespmem:s21+$0xFFFFFFC0] =	vst v2  }
0x362: {  	[tilespmem:s21+$0x0] =	vst v3  }
0x363: {  	s11 =	simm.s32 $0x5800;
	[tilespmem:s21+$0xFFFFFF80] =	vst v4  }
0x364: {  	[hbm4b:s7+s14] =	stream.strided.scatter [tilespmem:s11], [sflag:$0x1], $0x1000, s15, s14, $0x38;
	[tilespmem:$0x78C0] =	vst v63  }
0x365: {  	_ = 	snop  }
0x366: {  	[hbm4b:s8+s14] =	stream.strided.scatter [tilespmem:s31], [sflag:$0x3], $0x1000, s15, s14, $0x38;
	[tilespmem:$0x78C0] =	vst v63  }
0x367: {  	_ = 	snop  }
0x368: {  	[hbm4b:s9+s2] =	stream.linear.scatter [tilespmem:s0], [sflag:$0x5], $0x40, $0x38;
	[tilespmem:$0x78C0] =	vst v63  }
0x369: {  	_ =	swait.ge [sflag:s19], $0x1000  }
0x36a: {  	[sflag:s19] =	ssyncset.done $0x0  }
0x36b: {  	s1 =	sadd.s32 $0x1, s1;
	[sflag:s19] =	ssyncadd.s32 $0xFFFFF000  }
0x36c: {  	p0 =	sne.s32 s1, s10;
	_ =	swait.ge [sflag:s20], $0x1000  }
.Ltmp18:
0x36d: {  	[sflag:s20] =	ssyncset.done $0x0;
	(pc) =	sbr.rel @p0 .LBB2_1-.Ltmp18, $4  }
0x36e: {  	[sflag:s20] =	ssyncadd.s32 $0xFFFFF000  }
0x36f: {  	_ =	swait.ge [sflag:s18], $0x40  }
0x370: {  	[sflag:s18] =	ssyncset.done $0x0  }
0x371: {  	[sflag:s18] =	ssyncadd.s32 $0xFFFFFFC0  }
0x372: {  	_ =	sfence.sel $0x180000  }
0x373: {  	[bflag:$0x0] =	sbarrier.arrive $0xFFFF  }
0x374: {  	_ =	strace $0x90000047  }
0x375: {  	s0 =	stileid.u32;
	[bflag:$0x2] =	sbarrier.arrive $0xFFFF  }
0x376: {  	p0 =	sne.s32 s0, $0x0;
	s0 =	rddreg [dreg:$0x4]  }
0x377: {  	s0 =	sadd.s32 @!p0 $0x100000, s0  }
0x378: {  	[sflag:s0] =	ssyncadd.tile.s32 @!p0 $0x1;
	_ =	shalt  }
.Lfunc_end2:
_tile_overlayer_lowered:
.L_overlay_start_2:
0x379: {  	(tag) =	ssettag $0x2  }
0x37a: {  	s0 =	rddreg [dreg:$0x0];
	s2 =	stileid.u32  }
0x37b: {  	s1 =	rddreg [dreg:$0x1];
	p0 =	sne.s32 s2, $0x0  }
0x37c: {  	s3 =	rddreg [dreg:$0x2];
	[bflag:$0x3] =	sbarrier.arrive $0xFFFF;
	s2 =	simm.s32 @!p0 $0x1C06  }
0x37d: {  	[timem:s3], [sflag:s2] =	dma.local @!p0 [hbm:s0], s1  }
0x37e: {  	s0 =	simm.s32 @!p0 $0x6  }
0x37f: {  	_ =	swait.ge @!p0 [sflag:s0], s1  }
0x380: {  	s1 =	ssub.s32 @!p0 $0x0, s1;
	[sflag:s0] =	ssyncset.done @!p0 $0x0  }
0x381: {  	[sflag:s0] =	ssyncadd.s32 @!p0 s1  }
0x382: {  	[bflag:$0x3] =	sbarrier.arrive $0xFFFF  }
0x383: {  	_ =	shalt  }

</sc_bundles>
